<compile_context>
chip_gen: v7x
topology: tpu7x:2x2x1
jax: 0.10.2.dev20260603
libtpu: 0.0.44.dev20260713+nightly
codegen_flags: <defaults>
</compile_context>

<pallas_src>
import functools

import jax
import jax.numpy as jnp
from jax import lax
from jax.experimental import pallas as pl
from jax.experimental.pallas import tpu as pltpu
from jax.experimental.pallas import tpu_sc as plsc

B = 128
N = 32768
NV = N // 16
K = 50
NBINS = 4096
CAP = 512
STR = 32
ROWS_PER_W = B // 32
INT_MIN = -(2 ** 31)


def _keys(v):
  b = plsc.bitcast(v, jnp.int32)
  return jnp.where(b < 0, b ^ 0x7FFFFFFF, b)


def _extract(vec, lane):
  io = lax.iota(jnp.int32, 16)
  return jnp.sum(jnp.where(io == lane, vec, jnp.zeros_like(vec)))


def _sc_body(in_hbm, out_hbm, data, hist, cs, ck, ci, rk, sk, si, orow, sem):
  io = lax.iota(jnp.int32, 16)
  ones = jnp.ones((16,), jnp.int32)
  zeros = jnp.zeros((16,), jnp.int32)
  wid = lax.axis_index("c") * 16 + lax.axis_index("s")

  pltpu.make_async_copy(
      in_hbm.at[wid * ROWS_PER_W], data.at[pl.ds(0, N)], sem).start()

  def row_body(r, thr_guess):
    row = wid * ROWS_PER_W + r
    dbase = (r & 1) * N
    pltpu.make_async_copy(
        in_hbm.at[row], data.at[pl.ds(dbase, N)], sem).wait()

    @pl.when(r < ROWS_PER_W - 1)
    def _prefetch():
      pltpu.make_async_copy(
          in_hbm.at[row + 1],
          data.at[pl.ds(((r + 1) & 1) * N, N)], sem).start()

    stripe = io * STR

    def collect(t):
      def bp_body(i, offs):
        vs = [data[pl.ds(dbase + (i * 8 + u) * 16, 16)] for u in range(8)]
        keys = [_keys(v) for v in vs]
        ges = [k >= t for k in keys]
        g = [x.astype(jnp.int32) for x in ges]
        g01 = g[0] + g[1]
        g23 = g[2] + g[3]
        g45 = g[4] + g[5]
        g67 = g[6] + g[7]
        g0123 = g01 + g23
        p = [offs, offs + g[0], offs + g01, offs + (g01 + g[2]),
             offs + g0123, offs + (g0123 + g[4]), offs + (g0123 + g45),
             offs + (g0123 + (g45 + g[6]))]
        for u in range(8):
          m = ges[u] & (p[u] < STR)
          idxv = (i * 8 + u) * 16 + io
          plsc.store_scatter(cs, [stripe + p[u]], idxv, mask=m)
        return offs + (g0123 + (g45 + g67))
      return lax.fori_loop(0, NV // 8, bp_body, zeros)

    acc_g = collect(thr_guess)
    n_g = jnp.sum(acc_g)
    spec_ok = (n_g >= K) & (n_g <= CAP) & (jnp.max(acc_g) <= STR)

    def spec_path(_):
      return thr_guess, acc_g

    def full_path(_):
      def z_body(i, _):
        for u in range(4):
          hist[pl.ds((i * 4 + u) * 16, 16)] = zeros
        return 0
      lax.fori_loop(0, (NBINS + 256) // 64, z_body, 0)

      def h_body(i, _):
        vs = [data[pl.ds(dbase + (i * 8 + u) * 16, 16)] for u in range(8)]
        keys = [_keys(v) for v in vs]
        addrs = []
        for key in keys:
          bn = (key >> 20) + 2048
          addrs.append(((bn & 15) << 8) | (bn >> 4))
        for addr in addrs:
          plsc.addupdate_scatter(hist, [addr], ones)
        return 0
      lax.fori_loop(0, NV // 8, h_body, 0)

      def c_body(t, _):
        acc = zeros
        for m in range(16):
          acc = acc + hist[pl.ds(m * 256 + t * 16, 16)]
        hist[pl.ds(NBINS + t * 16, 16)] = acc
        return 0
      lax.fori_loop(0, 16, c_body, 0)

      def s_body(j, carry):
        s_above, found, g_c, s_at = carry
        t = 15 - j
        cv = hist[pl.ds(NBINS + t * 16, 16)]
        tt = jnp.sum(cv)
        c = plsc.cumsum(cv)
        suf = s_above + tt - c + cv
        mask = suf >= K
        npop = jnp.sum(mask.astype(jnp.int32))
        cross = (npop > 0) & (found == 0)
        l = npop - 1
        cl = _extract(c, l)
        g_new = t * 16 + l
        s_at_new = s_above + tt - cl
        g_c = jnp.where(cross, g_new, g_c)
        s_at = jnp.where(cross, s_at_new, s_at)
        found2 = jnp.where(cross, 1, found)
        s_above = jnp.where(found == 0, s_above + tt, s_above)
        return s_above, found2, g_c, s_at
      _, _, g_c, s_at = lax.fori_loop(
          0, 16, s_body,
          (jnp.int32(0), jnp.int32(0), jnp.int32(0), jnp.int32(0)))

      fv = plsc.load_gather(hist, [io * 256 + g_c])
      c2 = plsc.cumsum(fv)
      t2 = jnp.sum(fv)
      suf2 = s_at + t2 - c2 + fv
      npop2 = jnp.sum((suf2 >= K).astype(jnp.int32))
      d1 = g_c * 16 + (npop2 - 1)
      thr_e = (d1 - 2048) * (1 << 20)
      return thr_e, collect(thr_e)

    thr, acc = lax.cond(spec_ok, spec_path, full_path, 0)
    accc = jnp.minimum(acc, STR)
    cumb = plsc.cumsum(accc) - accc
    n_ge = jnp.sum(accc)

    pad_k = jnp.full((16,), INT_MIN, jnp.int32)
    pad_i = jnp.full((16,), 2 ** 30, jnp.int32)
    def p_body(i, _):
      for u in range(4):
        ck[pl.ds((i * 4 + u) * 16, 16)] = pad_k
        ci[pl.ds((i * 4 + u) * 16, 16)] = pad_i
        rk[pl.ds((i * 4 + u) * 16, 16)] = zeros
      return 0
    lax.fori_loop(0, CAP // 64, p_body, 0)

    def comp_body(v, _):
      l = v >> 1
      h = (v & 1) << 4
      al = _extract(accc, l)
      cb = _extract(cumb, l)
      iv = cs[pl.ds(v * 16, 16)]
      valid = io < (al - h)
      plsc.store_scatter(ci, [(cb + h) + io], iv, mask=valid)
      return 0
    lax.fori_loop(0, 32, comp_body, 0)

    n_pos = jnp.minimum(n_ge, CAP)
    nev = (n_pos + 15) >> 4

    def k_body(e, _):
      iv = ci[pl.ds(e * 16, 16)]
      m = iv < N
      g = plsc.load_gather(data, [jnp.where(m, iv, zeros) + dbase])
      ck[pl.ds(e * 16, 16)] = jnp.where(m, _keys(g), INT_MIN)
      return 0
    lax.fori_loop(0, nev, k_body, 0)

    neh = (nev + 3) >> 2
    JU = 4

    def j_body(t, _):
      kjs, ijs = [], []
      for u in range(JU):
        j = t * JU + u
        sj = zeros + jnp.minimum(j, CAP - 1)
        valid = j < n_pos
        kjs.append(jnp.where(valid, plsc.load_gather(ck, [sj]), INT_MIN))
        ijs.append(jnp.where(valid, plsc.load_gather(ci, [sj]), 2 ** 30))

      def e_body(eh, _):
        kes = [ck[pl.ds((eh * 4 + u) * 16, 16)] for u in range(4)]
        ies = [ci[pl.ds((eh * 4 + u) * 16, 16)] for u in range(4)]
        rs = [rk[pl.ds((eh * 4 + u) * 16, 16)] for u in range(4)]
        for u in range(4):
          adds = [(kjs[w] > kes[u]).astype(jnp.int32) + (
              (kjs[w] == kes[u]) & (ijs[w] < ies[u])).astype(jnp.int32)
              for w in range(JU)]
          rk[pl.ds((eh * 4 + u) * 16, 16)] = (
              rs[u] + ((adds[0] + adds[1]) + (adds[2] + adds[3])))
        return 0
      lax.fori_loop(0, neh, e_body, 0)
      return 0
    lax.fori_loop(0, (n_pos + JU - 1) >> 2, j_body, 0)

    def w_body(e, _):
      r = rk[pl.ds(e * 16, 16)]
      m = r < K
      plsc.store_scatter(sk, [r], ck[pl.ds(e * 16, 16)], mask=m)
      plsc.store_scatter(si, [r], ci[pl.ds(e * 16, 16)], mask=m)
      return 0
    lax.fori_loop(0, nev, w_body, 0)

    k0 = sk[pl.ds(0, 16)]
    i0f = si[pl.ds(0, 16)].astype(jnp.float32)
    v0 = plsc.bitcast(jnp.where(k0 < 0, k0 ^ 0x7FFFFFFF, k0), jnp.float32)
    m10 = io < 10
    zf = jnp.zeros((16,), jnp.float32)
    mean10 = jnp.sum(jnp.where(m10, i0f, zf)) * jnp.float32(0.1)
    ms10 = jnp.sum(jnp.where(m10, v0 * v0, zf)) * jnp.float32(0.1)
    yb = 0x5F3759DF - (plsc.bitcast(jnp.full((16,), ms10), jnp.int32) >> 1)
    y = plsc.bitcast(yb, jnp.float32)
    x2 = 0.5 * ms10
    for _ in range(3):
      y = y * (1.5 - x2 * y * y)
    rms10 = jnp.where(ms10 > 0, ms10 * jnp.sum(jnp.where(io == 0, y, zf)), 0.0)
    maxf = jnp.sum(jnp.where(io == 0, i0f, zf))
    maxr = jnp.sum(jnp.where(io == 0, jnp.abs(v0), zf))
    stats = jnp.where(io == 0, mean10,
            jnp.where(io == 1, rms10,
            jnp.where(io == 2, maxf,
            jnp.where(io == 3, maxr, zf))))
    rsplat = zeros + r
    plsc.store_scatter(orow, [rsplat, io], stats, mask=io < 4)
    for t in range(4):
      idxf = si[pl.ds(t * 16, 16)].astype(jnp.float32)
      plsc.store_scatter(orow, [rsplat, io + (4 + 16 * t)], idxf)
    return jnp.where(spec_ok, thr, thr - (1 << 17))

  lax.fori_loop(0, ROWS_PER_W, row_body, jnp.int32(0x7FFFFFFF))
  pltpu.sync_copy(orow, out_hbm.at[pl.ds(wid * ROWS_PER_W, ROWS_PER_W)])


@jax.jit
def kernel(inputs):
  mesh = plsc.VectorSubcoreMesh(
      core_axis_name="c", subcore_axis_name="s", num_cores=2, num_subcores=16)
  f = pl.kernel(
      _sc_body,
      out_type=jax.ShapeDtypeStruct((B, 128), jnp.float32),
      mesh=mesh,
      compiler_params=pltpu.CompilerParams(needs_layout_passes=False),
      scratch_types=[
          pltpu.VMEM((2 * N,), jnp.float32),
          pltpu.VMEM((NBINS + 256,), jnp.int32),
          pltpu.VMEM((CAP,), jnp.int32),
          pltpu.VMEM((CAP,), jnp.int32),
          pltpu.VMEM((CAP,), jnp.int32),
          pltpu.VMEM((CAP,), jnp.int32),
          pltpu.VMEM((64,), jnp.int32),
          pltpu.VMEM((64,), jnp.int32),
          pltpu.VMEM((ROWS_PER_W, 128), jnp.float32),
          pltpu.SemaphoreType.DMA,
      ],
  )
  out = f(inputs)
  return out[:, :54]

# --- scband reference (transcript-rebuilt; emitter-appended) ---
"""Pipeline reference for scband-conv-lstm-classifier-73547019976921 (READ-ONLY COPY).

The authoritative reference and input builder live on the scoring server;
editing this copy changes nothing except your own understanding.
"""

import jax, jax.numpy as jnp
import numpy as np


def setup_inputs(seed: int = 0) -> dict:
    key = jax.random.key(seed)
    inputs = jax.random.normal(key, (128, 32768), dtype=jnp.float32)
    return {"inputs": inputs}


def reference(inputs):
    # Faithful JAX translation of FFT_Health_State_Analysis.forward
    # (the top-k masking/statistics core of CONV_LSTM_Classifier).
    # torch.topk(x, k, axis=1) on a [B, L] tensor == jax.lax.top_k over last axis.
    vals10, idx10 = jax.lax.top_k(inputs, 10)
    top_k_mean_freq = jnp.mean(idx10.astype(jnp.float32), axis=1)
    top_k_rms = jnp.sqrt(jnp.mean(vals10 ** 2, axis=1))
    vals1, idx1 = jax.lax.top_k(inputs, 1)
    max_freq = idx1.astype(jnp.float32).squeeze(-1)
    max_rms = jnp.sqrt(jnp.mean(vals1 ** 2, axis=1))
    vals50, idx50 = jax.lax.top_k(inputs, 50)
    top_k_freqs = idx50.astype(jnp.float32)
    stacked_stats = jnp.stack([top_k_mean_freq, top_k_rms, max_freq, max_rms], axis=1)
    stacked_stats = jnp.concatenate([stacked_stats, top_k_freqs], axis=1)
    return stacked_stats.reshape(inputs.shape[0], -1)

if __name__ == "__main__":
    import jax
    _d = setup_inputs()
    print(jax.jit(kernel)(*tuple(_d.values())))

</pallas_src>

<mosaic_0001>
#map = affine_map<(d0, d1) -> (0, 0)>
module attributes {stable_mosaic.version = 14 : i64} {
  func.func @_sc_body(%arg0: i32, %arg1: i32, %arg2: memref<128x32768xf32, #tpu.memory_space<hbm>>, %arg3: memref<128x128xf32, #tpu.memory_space<hbm>>, %arg4: memref<65536xf32, #tpu.memory_space<vmem>>, %arg5: memref<4352xi32, #tpu.memory_space<vmem>>, %arg6: memref<512xi32, #tpu.memory_space<vmem>>, %arg7: memref<512xi32, #tpu.memory_space<vmem>>, %arg8: memref<512xi32, #tpu.memory_space<vmem>>, %arg9: memref<512xi32, #tpu.memory_space<vmem>>, %arg10: memref<64xi32, #tpu.memory_space<vmem>>, %arg11: memref<64xi32, #tpu.memory_space<vmem>>, %arg12: memref<4x128xf32, #tpu.memory_space<vmem>>, %arg13: memref<!tpu.dma_semaphore, #tpu.memory_space<semaphore_mem>>) attributes {dimension_semantics = [#tpu.dimension_semantics<core_parallel>, #tpu.dimension_semantics<subcore_parallel>], iteration_bounds = array<i64: 2, 16>, scalar_prefetch = 0 : i64, scratch_operands = 10 : i64, tpu.core_type = #tpu.core_type<sc_vector_subcore>, window_params = [{transform_indices = #map}, {transform_indices = #map}]} {
    %iota3A = tpu.iota {dimensions = array<i32: 0>} : vector<16xi32>
    %broadcast_in_dim3A = arith.constant 1 : i32
    %broadcast_in_dim3A_0 = vector.broadcast %broadcast_in_dim3A : i32 to vector<16xi32>
    %broadcast_in_dim3A_1 = arith.constant 0 : i32
    %broadcast_in_dim3A_2 = vector.broadcast %broadcast_in_dim3A_1 : i32 to vector<16xi32>
    %mul3A = arith.constant 16 : i32
    %mul3A_3 = arith.muli %arg0, %mul3A : i32
    %add3A = arith.addi %mul3A_3, %arg1 : i32
    %mul3A_4 = arith.constant 4 : i32
    %mul3A_5 = arith.muli %add3A, %mul3A_4 : i32
    %dma_start3A = arith.constant 0 : i32
    %dma_start3A_6 = tpu.memref_slice %arg4[%dma_start3A] : memref<65536xf32, #tpu.memory_space<vmem>> -> memref<32768xf32, #tpu.memory_space<vmem>>
    %dma_start3A_7 = arith.constant 0 : i32
    %dma_start3A_8 = tpu.memref_slice %arg2[%mul3A_5, %dma_start3A_7] : memref<128x32768xf32, #tpu.memory_space<hbm>> -> memref<1x32768xf32, #tpu.memory_space<hbm>>
    %dma_start3A_9 = tpu.memref_squeeze %dma_start3A_8 : memref<1x32768xf32, #tpu.memory_space<hbm>> -> memref<32768xf32, #tpu.memory_space<hbm>>
    %dma_start3A_10 = arith.constant 0 : i32
    %dma_start3A_11 = tpu.memref_slice %arg4[%dma_start3A_10] : memref<65536xf32, #tpu.memory_space<vmem>> -> memref<32768xf32, #tpu.memory_space<vmem>>
    %dma_start3A_12 = arith.constant 0 : i32
    %dma_start3A_13 = tpu.memref_slice %arg2[%mul3A_5, %dma_start3A_12] : memref<128x32768xf32, #tpu.memory_space<hbm>> -> memref<1x32768xf32, #tpu.memory_space<hbm>>
    %dma_start3A_14 = tpu.memref_squeeze %dma_start3A_13 : memref<1x32768xf32, #tpu.memory_space<hbm>> -> memref<32768xf32, #tpu.memory_space<hbm>>
    tpu.enqueue_dma source(%dma_start3A_14 : memref<32768xf32, #tpu.memory_space<hbm>>) target(%dma_start3A_11 : memref<32768xf32, #tpu.memory_space<vmem>>) target_semaphore(%arg13 : memref<!tpu.dma_semaphore, #tpu.memory_space<semaphore_mem>>)
    %scan3A = arith.constant 2147483647 : i32
    %scan3A_15 = arith.constant 0 : i32
    %scan3A_16 = arith.constant 4 : i32
    %scan3A_17 = arith.addi %scan3A_15, %scan3A_16 : i32
    %scan3A_18 = arith.constant 1 : i32
    %scan3A_19 = scf.for %scan3A_23 = %scan3A_15 to %scan3A_17 step %scan3A_18 iter_args(%scan3A_24 = %scan3A) -> (i32)  : i32 {
      %mul3A_25 = arith.constant 4 : i32
      %mul3A_26 = arith.muli %add3A, %mul3A_25 : i32
      %add3A_27 = arith.addi %mul3A_26, %scan3A_23 : i32
      %and3A = arith.constant 1 : i32
      %and3A_28 = arith.andi %scan3A_23, %and3A : i32
      %mul3A_29 = arith.constant 32768 : i32
      %mul3A_30 = arith.muli %and3A_28, %mul3A_29 : i32
      %dma_wait3A = tpu.memref_slice %arg4[%mul3A_30] : memref<65536xf32, #tpu.memory_space<vmem>> -> memref<32768xf32, #tpu.memory_space<vmem>>
      %dma_wait3A_31 = arith.constant 0 : i32
      %dma_wait3A_32 = tpu.memref_slice %arg2[%add3A_27, %dma_wait3A_31] : memref<128x32768xf32, #tpu.memory_space<hbm>> -> memref<1x32768xf32, #tpu.memory_space<hbm>>
      %dma_wait3A_33 = tpu.memref_squeeze %dma_wait3A_32 : memref<1x32768xf32, #tpu.memory_space<hbm>> -> memref<32768xf32, #tpu.memory_space<hbm>>
      %dma_wait3A_34 = tpu.memref_slice %arg4[%mul3A_30] : memref<65536xf32, #tpu.memory_space<vmem>> -> memref<32768xf32, #tpu.memory_space<vmem>>
      %dma_wait3A_35 = arith.constant 0 : i32
      %dma_wait3A_36 = tpu.memref_slice %arg2[%add3A_27, %dma_wait3A_35] : memref<128x32768xf32, #tpu.memory_space<hbm>> -> memref<1x32768xf32, #tpu.memory_space<hbm>>
      %dma_wait3A_37 = tpu.memref_squeeze %dma_wait3A_36 : memref<1x32768xf32, #tpu.memory_space<hbm>> -> memref<32768xf32, #tpu.memory_space<hbm>>
      tpu.wait_dma2 semaphore(%arg13 : memref<!tpu.dma_semaphore, #tpu.memory_space<semaphore_mem>>) src(%dma_wait3A_37 : memref<32768xf32, #tpu.memory_space<hbm>>) dst(%dma_wait3A_34 : memref<32768xf32, #tpu.memory_space<vmem>>)
      %lt3A = arith.constant 3 : i32
      %lt3A_38 = arith.cmpi slt, %scan3A_23, %lt3A : i32
      %convert_element_type3A = arith.extui %lt3A_38 : i1 to i32
      %cond3A = arith.constant 0 : i32
      %cond3A_39 = arith.cmpi ne, %convert_element_type3A, %cond3A : i32
      scf.if %cond3A_39 {
        %add3A_285 = arith.constant 1 : i32
        %add3A_286 = arith.addi %add3A_27, %add3A_285 : i32
        %add3A_287 = arith.constant 1 : i32
        %add3A_288 = arith.addi %scan3A_23, %add3A_287 : i32
        %and3A_289 = arith.constant 1 : i32
        %and3A_290 = arith.andi %add3A_288, %and3A_289 : i32
        %mul3A_291 = arith.constant 32768 : i32
        %mul3A_292 = arith.muli %and3A_290, %mul3A_291 : i32
        %dma_start3A_293 = tpu.memref_slice %arg4[%mul3A_292] : memref<65536xf32, #tpu.memory_space<vmem>> -> memref<32768xf32, #tpu.memory_space<vmem>>
        %dma_start3A_294 = arith.constant 0 : i32
        %dma_start3A_295 = tpu.memref_slice %arg2[%add3A_286, %dma_start3A_294] : memref<128x32768xf32, #tpu.memory_space<hbm>> -> memref<1x32768xf32, #tpu.memory_space<hbm>>
        %dma_start3A_296 = tpu.memref_squeeze %dma_start3A_295 : memref<1x32768xf32, #tpu.memory_space<hbm>> -> memref<32768xf32, #tpu.memory_space<hbm>>
        %dma_start3A_297 = tpu.memref_slice %arg4[%mul3A_292] : memref<65536xf32, #tpu.memory_space<vmem>> -> memref<32768xf32, #tpu.memory_space<vmem>>
        %dma_start3A_298 = arith.constant 0 : i32
        %dma_start3A_299 = tpu.memref_slice %arg2[%add3A_286, %dma_start3A_298] : memref<128x32768xf32, #tpu.memory_space<hbm>> -> memref<1x32768xf32, #tpu.memory_space<hbm>>
        %dma_start3A_300 = tpu.memref_squeeze %dma_start3A_299 : memref<1x32768xf32, #tpu.memory_space<hbm>> -> memref<32768xf32, #tpu.memory_space<hbm>>
        tpu.enqueue_dma source(%dma_start3A_300 : memref<32768xf32, #tpu.memory_space<hbm>>) target(%dma_start3A_297 : memref<32768xf32, #tpu.memory_space<vmem>>) target_semaphore(%arg13 : memref<!tpu.dma_semaphore, #tpu.memory_space<semaphore_mem>>)
      } else {
      }
      %mul3A_40 = arith.constant 32 : i32
      %mul3A_41 = vector.broadcast %mul3A_40 : i32 to vector<16xi32>
      %mul3A_42 = arith.muli %iota3A, %mul3A_41 : vector<16xi32>
      %scan3A_43 = arith.constant 0 : i32
      %scan3A_44 = arith.constant 256 : i32
      %scan3A_45 = arith.addi %scan3A_43, %scan3A_44 : i32
      %scan3A_46 = arith.constant 1 : i32
      %scan3A_47 = scf.for %scan3A_285 = %scan3A_43 to %scan3A_45 step %scan3A_46 iter_args(%scan3A_286 = %broadcast_in_dim3A_2) -> (vector<16xi32>)  : i32 {
        %mul3A_287 = arith.constant 8 : i32
        %mul3A_288 = arith.muli %scan3A_285, %mul3A_287 : i32
        %add3A_289 = arith.constant 0 : i32
        %add3A_290 = arith.addi %mul3A_288, %add3A_289 : i32
        %mul3A_291 = arith.constant 16 : i32
        %mul3A_292 = arith.muli %add3A_290, %mul3A_291 : i32
        %add3A_293 = arith.addi %mul3A_30, %mul3A_292 : i32
        %get3A_294 = arith.index_cast %add3A_293 : i32 to index
        %get3A_295 = tpu.vector_load %arg4[%get3A_294] {strides = array<i32>} : memref<65536xf32, #tpu.memory_space<vmem>>, vector<16xf32>,
        %mul3A_296 = arith.constant 8 : i32
        %mul3A_297 = arith.muli %scan3A_285, %mul3A_296 : i32
        %add3A_298 = arith.constant 1 : i32
        %add3A_299 = arith.addi %mul3A_297, %add3A_298 : i32
        %mul3A_300 = arith.constant 16 : i32
        %mul3A_301 = arith.muli %add3A_299, %mul3A_300 : i32
        %add3A_302 = arith.addi %mul3A_30, %mul3A_301 : i32
        %get3A_303 = arith.index_cast %add3A_302 : i32 to index
        %get3A_304 = tpu.vector_load %arg4[%get3A_303] {strides = array<i32>} : memref<65536xf32, #tpu.memory_space<vmem>>, vector<16xf32>,
        %mul3A_305 = arith.constant 8 : i32
        %mul3A_306 = arith.muli %scan3A_285, %mul3A_305 : i32
        %add3A_307 = arith.constant 2 : i32
        %add3A_308 = arith.addi %mul3A_306, %add3A_307 : i32
        %mul3A_309 = arith.constant 16 : i32
        %mul3A_310 = arith.muli %add3A_308, %mul3A_309 : i32
        %add3A_311 = arith.addi %mul3A_30, %mul3A_310 : i32
        %get3A_312 = arith.index_cast %add3A_311 : i32 to index
        %get3A_313 = tpu.vector_load %arg4[%get3A_312] {strides = array<i32>} : memref<65536xf32, #tpu.memory_space<vmem>>, vector<16xf32>,
        %mul3A_314 = arith.constant 8 : i32
        %mul3A_315 = arith.muli %scan3A_285, %mul3A_314 : i32
        %add3A_316 = arith.constant 3 : i32
        %add3A_317 = arith.addi %mul3A_315, %add3A_316 : i32
        %mul3A_318 = arith.constant 16 : i32
        %mul3A_319 = arith.muli %add3A_317, %mul3A_318 : i32
        %add3A_320 = arith.addi %mul3A_30, %mul3A_319 : i32
        %get3A_321 = arith.index_cast %add3A_320 : i32 to index
        %get3A_322 = tpu.vector_load %arg4[%get3A_321] {strides = array<i32>} : memref<65536xf32, #tpu.memory_space<vmem>>, vector<16xf32>,
        %mul3A_323 = arith.constant 8 : i32
        %mul3A_324 = arith.muli %scan3A_285, %mul3A_323 : i32
        %add3A_325 = arith.constant 4 : i32
        %add3A_326 = arith.addi %mul3A_324, %add3A_325 : i32
        %mul3A_327 = arith.constant 16 : i32
        %mul3A_328 = arith.muli %add3A_326, %mul3A_327 : i32
        %add3A_329 = arith.addi %mul3A_30, %mul3A_328 : i32
        %get3A_330 = arith.index_cast %add3A_329 : i32 to index
        %get3A_331 = tpu.vector_load %arg4[%get3A_330] {strides = array<i32>} : memref<65536xf32, #tpu.memory_space<vmem>>, vector<16xf32>,
        %mul3A_332 = arith.constant 8 : i32
        %mul3A_333 = arith.muli %scan3A_285, %mul3A_332 : i32
        %add3A_334 = arith.constant 5 : i32
        %add3A_335 = arith.addi %mul3A_333, %add3A_334 : i32
        %mul3A_336 = arith.constant 16 : i32
        %mul3A_337 = arith.muli %add3A_335, %mul3A_336 : i32
        %add3A_338 = arith.addi %mul3A_30, %mul3A_337 : i32
        %get3A_339 = arith.index_cast %add3A_338 : i32 to index
        %get3A_340 = tpu.vector_load %arg4[%get3A_339] {strides = array<i32>} : memref<65536xf32, #tpu.memory_space<vmem>>, vector<16xf32>,
        %mul3A_341 = arith.constant 8 : i32
        %mul3A_342 = arith.muli %scan3A_285, %mul3A_341 : i32
        %add3A_343 = arith.constant 6 : i32
        %add3A_344 = arith.addi %mul3A_342, %add3A_343 : i32
        %mul3A_345 = arith.constant 16 : i32
        %mul3A_346 = arith.muli %add3A_344, %mul3A_345 : i32
        %add3A_347 = arith.addi %mul3A_30, %mul3A_346 : i32
        %get3A_348 = arith.index_cast %add3A_347 : i32 to index
        %get3A_349 = tpu.vector_load %arg4[%get3A_348] {strides = array<i32>} : memref<65536xf32, #tpu.memory_space<vmem>>, vector<16xf32>,
        %mul3A_350 = arith.constant 8 : i32
        %mul3A_351 = arith.muli %scan3A_285, %mul3A_350 : i32
        %add3A_352 = arith.constant 7 : i32
        %add3A_353 = arith.addi %mul3A_351, %add3A_352 : i32
        %mul3A_354 = arith.constant 16 : i32
        %mul3A_355 = arith.muli %add3A_353, %mul3A_354 : i32
        %add3A_356 = arith.addi %mul3A_30, %mul3A_355 : i32
        %get3A_357 = arith.index_cast %add3A_356 : i32 to index
        %get3A_358 = tpu.vector_load %arg4[%get3A_357] {strides = array<i32>} : memref<65536xf32, #tpu.memory_space<vmem>>, vector<16xf32>,
        %bitcast3A_359 = vector.bitcast %get3A_295 : vector<16xf32> to vector<16xi32>
        %lt3A_360 = arith.constant 0 : i32
        %lt3A_361 = vector.broadcast %lt3A_360 : i32 to vector<16xi32>
        %lt3A_362 = arith.cmpi slt, %bitcast3A_359, %lt3A_361 : vector<16xi32>
        %xor3A_363 = arith.constant 2147483647 : i32
        %xor3A_364 = vector.broadcast %xor3A_363 : i32 to vector<16xi32>
        %xor3A_365 = arith.xori %bitcast3A_359, %xor3A_364 : vector<16xi32>
        %select_n3A_366 = arith.select %lt3A_362, %xor3A_365, %bitcast3A_359 : vector<16xi1>, vector<16xi32>
        %bitcast3A_367 = vector.bitcast %get3A_304 : vector<16xf32> to vector<16xi32>
        %lt3A_368 = arith.constant 0 : i32
        %lt3A_369 = vector.broadcast %lt3A_368 : i32 to vector<16xi32>
        %lt3A_370 = arith.cmpi slt, %bitcast3A_367, %lt3A_369 : vector<16xi32>
        %xor3A_371 = arith.constant 2147483647 : i32
        %xor3A_372 = vector.broadcast %xor3A_371 : i32 to vector<16xi32>
        %xor3A_373 = arith.xori %bitcast3A_367, %xor3A_372 : vector<16xi32>
        %select_n3A_374 = arith.select %lt3A_370, %xor3A_373, %bitcast3A_367 : vector<16xi1>, vector<16xi32>
        %bitcast3A_375 = vector.bitcast %get3A_313 : vector<16xf32> to vector<16xi32>
        %lt3A_376 = arith.constant 0 : i32
        %lt3A_377 = vector.broadcast %lt3A_376 : i32 to vector<16xi32>
        %lt3A_378 = arith.cmpi slt, %bitcast3A_375, %lt3A_377 : vector<16xi32>
        %xor3A_379 = arith.constant 2147483647 : i32
        %xor3A_380 = vector.broadcast %xor3A_379 : i32 to vector<16xi32>
        %xor3A_381 = arith.xori %bitcast3A_375, %xor3A_380 : vector<16xi32>
        %select_n3A_382 = arith.select %lt3A_378, %xor3A_381, %bitcast3A_375 : vector<16xi1>, vector<16xi32>
        %bitcast3A_383 = vector.bitcast %get3A_322 : vector<16xf32> to vector<16xi32>
        %lt3A_384 = arith.constant 0 : i32
        %lt3A_385 = vector.broadcast %lt3A_384 : i32 to vector<16xi32>
        %lt3A_386 = arith.cmpi slt, %bitcast3A_383, %lt3A_385 : vector<16xi32>
        %xor3A_387 = arith.constant 2147483647 : i32
        %xor3A_388 = vector.broadcast %xor3A_387 : i32 to vector<16xi32>
        %xor3A_389 = arith.xori %bitcast3A_383, %xor3A_388 : vector<16xi32>
        %select_n3A_390 = arith.select %lt3A_386, %xor3A_389, %bitcast3A_383 : vector<16xi1>, vector<16xi32>
        %bitcast3A_391 = vector.bitcast %get3A_331 : vector<16xf32> to vector<16xi32>
        %lt3A_392 = arith.constant 0 : i32
        %lt3A_393 = vector.broadcast %lt3A_392 : i32 to vector<16xi32>
        %lt3A_394 = arith.cmpi slt, %bitcast3A_391, %lt3A_393 : vector<16xi32>
        %xor3A_395 = arith.constant 2147483647 : i32
        %xor3A_396 = vector.broadcast %xor3A_395 : i32 to vector<16xi32>
        %xor3A_397 = arith.xori %bitcast3A_391, %xor3A_396 : vector<16xi32>
        %select_n3A_398 = arith.select %lt3A_394, %xor3A_397, %bitcast3A_391 : vector<16xi1>, vector<16xi32>
        %bitcast3A_399 = vector.bitcast %get3A_340 : vector<16xf32> to vector<16xi32>
        %lt3A_400 = arith.constant 0 : i32
        %lt3A_401 = vector.broadcast %lt3A_400 : i32 to vector<16xi32>
        %lt3A_402 = arith.cmpi slt, %bitcast3A_399, %lt3A_401 : vector<16xi32>
        %xor3A_403 = arith.constant 2147483647 : i32
        %xor3A_404 = vector.broadcast %xor3A_403 : i32 to vector<16xi32>
        %xor3A_405 = arith.xori %bitcast3A_399, %xor3A_404 : vector<16xi32>
        %select_n3A_406 = arith.select %lt3A_402, %xor3A_405, %bitcast3A_399 : vector<16xi1>, vector<16xi32>
        %bitcast3A_407 = vector.bitcast %get3A_349 : vector<16xf32> to vector<16xi32>
        %lt3A_408 = arith.constant 0 : i32
        %lt3A_409 = vector.broadcast %lt3A_408 : i32 to vector<16xi32>
        %lt3A_410 = arith.cmpi slt, %bitcast3A_407, %lt3A_409 : vector<16xi32>
        %xor3A_411 = arith.constant 2147483647 : i32
        %xor3A_412 = vector.broadcast %xor3A_411 : i32 to vector<16xi32>
        %xor3A_413 = arith.xori %bitcast3A_407, %xor3A_412 : vector<16xi32>
        %select_n3A_414 = arith.select %lt3A_410, %xor3A_413, %bitcast3A_407 : vector<16xi1>, vector<16xi32>
        %bitcast3A_415 = vector.bitcast %get3A_358 : vector<16xf32> to vector<16xi32>
        %lt3A_416 = arith.constant 0 : i32
        %lt3A_417 = vector.broadcast %lt3A_416 : i32 to vector<16xi32>
        %lt3A_418 = arith.cmpi slt, %bitcast3A_415, %lt3A_417 : vector<16xi32>
        %xor3A_419 = arith.constant 2147483647 : i32
        %xor3A_420 = vector.broadcast %xor3A_419 : i32 to vector<16xi32>
        %xor3A_421 = arith.xori %bitcast3A_415, %xor3A_420 : vector<16xi32>
        %select_n3A_422 = arith.select %lt3A_418, %xor3A_421, %bitcast3A_415 : vector<16xi1>, vector<16xi32>
        %ge3A_423 = vector.broadcast %scan3A_24 : i32 to vector<16xi32>
        %ge3A_424 = arith.cmpi sge, %select_n3A_366, %ge3A_423 : vector<16xi32>
        %ge3A_425 = vector.broadcast %scan3A_24 : i32 to vector<16xi32>
        %ge3A_426 = arith.cmpi sge, %select_n3A_374, %ge3A_425 : vector<16xi32>
        %ge3A_427 = vector.broadcast %scan3A_24 : i32 to vector<16xi32>
        %ge3A_428 = arith.cmpi sge, %select_n3A_382, %ge3A_427 : vector<16xi32>
        %ge3A_429 = vector.broadcast %scan3A_24 : i32 to vector<16xi32>
        %ge3A_430 = arith.cmpi sge, %select_n3A_390, %ge3A_429 : vector<16xi32>
        %ge3A_431 = vector.broadcast %scan3A_24 : i32 to vector<16xi32>
        %ge3A_432 = arith.cmpi sge, %select_n3A_398, %ge3A_431 : vector<16xi32>
        %ge3A_433 = vector.broadcast %scan3A_24 : i32 to vector<16xi32>
        %ge3A_434 = arith.cmpi sge, %select_n3A_406, %ge3A_433 : vector<16xi32>
        %ge3A_435 = vector.broadcast %scan3A_24 : i32 to vector<16xi32>
        %ge3A_436 = arith.cmpi sge, %select_n3A_414, %ge3A_435 : vector<16xi32>
        %ge3A_437 = vector.broadcast %scan3A_24 : i32 to vector<16xi32>
        %ge3A_438 = arith.cmpi sge, %select_n3A_422, %ge3A_437 : vector<16xi32>
        %convert_element_type3A_439 = arith.extui %ge3A_424 : vector<16xi1> to vector<16xi32>
        %convert_element_type3A_440 = arith.extui %ge3A_426 : vector<16xi1> to vector<16xi32>
        %convert_element_type3A_441 = arith.extui %ge3A_428 : vector<16xi1> to vector<16xi32>
        %convert_element_type3A_442 = arith.extui %ge3A_430 : vector<16xi1> to vector<16xi32>
        %convert_element_type3A_443 = arith.extui %ge3A_432 : vector<16xi1> to vector<16xi32>
        %convert_element_type3A_444 = arith.extui %ge3A_434 : vector<16xi1> to vector<16xi32>
        %convert_element_type3A_445 = arith.extui %ge3A_436 : vector<16xi1> to vector<16xi32>
        %convert_element_type3A_446 = arith.extui %ge3A_438 : vector<16xi1> to vector<16xi32>
        %add3A_447 = arith.addi %convert_element_type3A_439, %convert_element_type3A_440 : vector<16xi32>
        %add3A_448 = arith.addi %convert_element_type3A_441, %convert_element_type3A_442 : vector<16xi32>
        %add3A_449 = arith.addi %convert_element_type3A_443, %convert_element_type3A_444 : vector<16xi32>
        %add3A_450 = arith.addi %convert_element_type3A_445, %convert_element_type3A_446 : vector<16xi32>
        %add3A_451 = arith.addi %add3A_447, %add3A_448 : vector<16xi32>
        %add3A_452 = arith.addi %scan3A_286, %convert_element_type3A_439 : vector<16xi32>
        %add3A_453 = arith.addi %scan3A_286, %add3A_447 : vector<16xi32>
        %add3A_454 = arith.addi %add3A_447, %convert_element_type3A_441 : vector<16xi32>
        %add3A_455 = arith.addi %scan3A_286, %add3A_454 : vector<16xi32>
        %add3A_456 = arith.addi %scan3A_286, %add3A_451 : vector<16xi32>
        %add3A_457 = arith.addi %add3A_451, %convert_element_type3A_443 : vector<16xi32>
        %add3A_458 = arith.addi %scan3A_286, %add3A_457 : vector<16xi32>
        %add3A_459 = arith.addi %add3A_451, %add3A_449 : vector<16xi32>
        %add3A_460 = arith.addi %scan3A_286, %add3A_459 : vector<16xi32>
        %add3A_461 = arith.addi %add3A_449, %convert_element_type3A_445 : vector<16xi32>
        %add3A_462 = arith.addi %add3A_451, %add3A_461 : vector<16xi32>
        %add3A_463 = arith.addi %scan3A_286, %add3A_462 : vector<16xi32>
        %lt3A_464 = arith.constant 32 : i32
        %lt3A_465 = vector.broadcast %lt3A_464 : i32 to vector<16xi32>
        %lt3A_466 = arith.cmpi slt, %scan3A_286, %lt3A_465 : vector<16xi32>
        %and3A_467 = arith.andi %ge3A_424, %lt3A_466 : vector<16xi1>
        %mul3A_468 = arith.constant 8 : i32
        %mul3A_469 = arith.muli %scan3A_285, %mul3A_468 : i32
        %add3A_470 = arith.constant 0 : i32
        %add3A_471 = arith.addi %mul3A_469, %add3A_470 : i32
        %mul3A_472 = arith.constant 16 : i32
        %mul3A_473 = arith.muli %add3A_471, %mul3A_472 : i32
        %add3A_474 = vector.broadcast %mul3A_473 : i32 to vector<16xi32>
        %add3A_475 = arith.addi %add3A_474, %iota3A : vector<16xi32>
        %add3A_476 = arith.addi %mul3A_42, %scan3A_286 : vector<16xi32>
        tpu.vector_store_idx %arg6[%add3A_476], %add3A_475 masked %and3A_467 : memref<512xi32, #tpu.memory_space<vmem>>[vector<16xi32>], vector<16xi32>, vector<16xi1>
        %lt3A_477 = arith.constant 32 : i32
        %lt3A_478 = vector.broadcast %lt3A_477 : i32 to vector<16xi32>
        %lt3A_479 = arith.cmpi slt, %add3A_452, %lt3A_478 : vector<16xi32>
        %and3A_480 = arith.andi %ge3A_426, %lt3A_479 : vector<16xi1>
        %mul3A_481 = arith.constant 8 : i32
        %mul3A_482 = arith.muli %scan3A_285, %mul3A_481 : i32
        %add3A_483 = arith.constant 1 : i32
        %add3A_484 = arith.addi %mul3A_482, %add3A_483 : i32
        %mul3A_485 = arith.constant 16 : i32
        %mul3A_486 = arith.muli %add3A_484, %mul3A_485 : i32
        %add3A_487 = vector.broadcast %mul3A_486 : i32 to vector<16xi32>
        %add3A_488 = arith.addi %add3A_487, %iota3A : vector<16xi32>
        %add3A_489 = arith.addi %mul3A_42, %add3A_452 : vector<16xi32>
        tpu.vector_store_idx %arg6[%add3A_489], %add3A_488 masked %and3A_480 : memref<512xi32, #tpu.memory_space<vmem>>[vector<16xi32>], vector<16xi32>, vector<16xi1>
        %lt3A_490 = arith.constant 32 : i32
        %lt3A_491 = vector.broadcast %lt3A_490 : i32 to vector<16xi32>
        %lt3A_492 = arith.cmpi slt, %add3A_453, %lt3A_491 : vector<16xi32>
        %and3A_493 = arith.andi %ge3A_428, %lt3A_492 : vector<16xi1>
        %mul3A_494 = arith.constant 8 : i32
        %mul3A_495 = arith.muli %scan3A_285, %mul3A_494 : i32
        %add3A_496 = arith.constant 2 : i32
        %add3A_497 = arith.addi %mul3A_495, %add3A_496 : i32
        %mul3A_498 = arith.constant 16 : i32
        %mul3A_499 = arith.muli %add3A_497, %mul3A_498 : i32
        %add3A_500 = vector.broadcast %mul3A_499 : i32 to vector<16xi32>
        %add3A_501 = arith.addi %add3A_500, %iota3A : vector<16xi32>
        %add3A_502 = arith.addi %mul3A_42, %add3A_453 : vector<16xi32>
        tpu.vector_store_idx %arg6[%add3A_502], %add3A_501 masked %and3A_493 : memref<512xi32, #tpu.memory_space<vmem>>[vector<16xi32>], vector<16xi32>, vector<16xi1>
        %lt3A_503 = arith.constant 32 : i32
        %lt3A_504 = vector.broadcast %lt3A_503 : i32 to vector<16xi32>
        %lt3A_505 = arith.cmpi slt, %add3A_455, %lt3A_504 : vector<16xi32>
        %and3A_506 = arith.andi %ge3A_430, %lt3A_505 : vector<16xi1>
        %mul3A_507 = arith.constant 8 : i32
        %mul3A_508 = arith.muli %scan3A_285, %mul3A_507 : i32
        %add3A_509 = arith.constant 3 : i32
        %add3A_510 = arith.addi %mul3A_508, %add3A_509 : i32
        %mul3A_511 = arith.constant 16 : i32
        %mul3A_512 = arith.muli %add3A_510, %mul3A_511 : i32
        %add3A_513 = vector.broadcast %mul3A_512 : i32 to vector<16xi32>
        %add3A_514 = arith.addi %add3A_513, %iota3A : vector<16xi32>
        %add3A_515 = arith.addi %mul3A_42, %add3A_455 : vector<16xi32>
        tpu.vector_store_idx %arg6[%add3A_515], %add3A_514 masked %and3A_506 : memref<512xi32, #tpu.memory_space<vmem>>[vector<16xi32>], vector<16xi32>, vector<16xi1>
        %lt3A_516 = arith.constant 32 : i32
        %lt3A_517 = vector.broadcast %lt3A_516 : i32 to vector<16xi32>
        %lt3A_518 = arith.cmpi slt, %add3A_456, %lt3A_517 : vector<16xi32>
        %and3A_519 = arith.andi %ge3A_432, %lt3A_518 : vector<16xi1>
        %mul3A_520 = arith.constant 8 : i32
        %mul3A_521 = arith.muli %scan3A_285, %mul3A_520 : i32
        %add3A_522 = arith.constant 4 : i32
        %add3A_523 = arith.addi %mul3A_521, %add3A_522 : i32
        %mul3A_524 = arith.constant 16 : i32
        %mul3A_525 = arith.muli %add3A_523, %mul3A_524 : i32
        %add3A_526 = vector.broadcast %mul3A_525 : i32 to vector<16xi32>
        %add3A_527 = arith.addi %add3A_526, %iota3A : vector<16xi32>
        %add3A_528 = arith.addi %mul3A_42, %add3A_456 : vector<16xi32>
        tpu.vector_store_idx %arg6[%add3A_528], %add3A_527 masked %and3A_519 : memref<512xi32, #tpu.memory_space<vmem>>[vector<16xi32>], vector<16xi32>, vector<16xi1>
        %lt3A_529 = arith.constant 32 : i32
        %lt3A_530 = vector.broadcast %lt3A_529 : i32 to vector<16xi32>
        %lt3A_531 = arith.cmpi slt, %add3A_458, %lt3A_530 : vector<16xi32>
        %and3A_532 = arith.andi %ge3A_434, %lt3A_531 : vector<16xi1>
        %mul3A_533 = arith.constant 8 : i32
        %mul3A_534 = arith.muli %scan3A_285, %mul3A_533 : i32
        %add3A_535 = arith.constant 5 : i32
        %add3A_536 = arith.addi %mul3A_534, %add3A_535 : i32
        %mul3A_537 = arith.constant 16 : i32
        %mul3A_538 = arith.muli %add3A_536, %mul3A_537 : i32
        %add3A_539 = vector.broadcast %mul3A_538 : i32 to vector<16xi32>
        %add3A_540 = arith.addi %add3A_539, %iota3A : vector<16xi32>
        %add3A_541 = arith.addi %mul3A_42, %add3A_458 : vector<16xi32>
        tpu.vector_store_idx %arg6[%add3A_541], %add3A_540 masked %and3A_532 : memref<512xi32, #tpu.memory_space<vmem>>[vector<16xi32>], vector<16xi32>, vector<16xi1>
        %lt3A_542 = arith.constant 32 : i32
        %lt3A_543 = vector.broadcast %lt3A_542 : i32 to vector<16xi32>
        %lt3A_544 = arith.cmpi slt, %add3A_460, %lt3A_543 : vector<16xi32>
        %and3A_545 = arith.andi %ge3A_436, %lt3A_544 : vector<16xi1>
        %mul3A_546 = arith.constant 8 : i32
        %mul3A_547 = arith.muli %scan3A_285, %mul3A_546 : i32
        %add3A_548 = arith.constant 6 : i32
        %add3A_549 = arith.addi %mul3A_547, %add3A_548 : i32
        %mul3A_550 = arith.constant 16 : i32
        %mul3A_551 = arith.muli %add3A_549, %mul3A_550 : i32
        %add3A_552 = vector.broadcast %mul3A_551 : i32 to vector<16xi32>
        %add3A_553 = arith.addi %add3A_552, %iota3A : vector<16xi32>
        %add3A_554 = arith.addi %mul3A_42, %add3A_460 : vector<16xi32>
        tpu.vector_store_idx %arg6[%add3A_554], %add3A_553 masked %and3A_545 : memref<512xi32, #tpu.memory_space<vmem>>[vector<16xi32>], vector<16xi32>, vector<16xi1>
        %lt3A_555 = arith.constant 32 : i32
        %lt3A_556 = vector.broadcast %lt3A_555 : i32 to vector<16xi32>
        %lt3A_557 = arith.cmpi slt, %add3A_463, %lt3A_556 : vector<16xi32>
        %and3A_558 = arith.andi %ge3A_438, %lt3A_557 : vector<16xi1>
        %mul3A_559 = arith.constant 8 : i32
        %mul3A_560 = arith.muli %scan3A_285, %mul3A_559 : i32
        %add3A_561 = arith.constant 7 : i32
        %add3A_562 = arith.addi %mul3A_560, %add3A_561 : i32
        %mul3A_563 = arith.constant 16 : i32
        %mul3A_564 = arith.muli %add3A_562, %mul3A_563 : i32
        %add3A_565 = vector.broadcast %mul3A_564 : i32 to vector<16xi32>
        %add3A_566 = arith.addi %add3A_565, %iota3A : vector<16xi32>
        %add3A_567 = arith.addi %mul3A_42, %add3A_463 : vector<16xi32>
        tpu.vector_store_idx %arg6[%add3A_567], %add3A_566 masked %and3A_558 : memref<512xi32, #tpu.memory_space<vmem>>[vector<16xi32>], vector<16xi32>, vector<16xi1>
        %add3A_568 = arith.addi %add3A_449, %add3A_450 : vector<16xi32>
        %add3A_569 = arith.addi %add3A_451, %add3A_568 : vector<16xi32>
        %add3A_570 = arith.addi %scan3A_286, %add3A_569 : vector<16xi32>
        scf.yield %add3A_570 : vector<16xi32>
      }
      %scan3A_48 = arith.constant 256 : i32
      %reduce_sum3A = arith.constant true
      %reduce_sum3A_49 = vector.broadcast %reduce_sum3A : i1 to vector<16xi1>
      %reduce_sum3A_50 = tpu.scan <sum>, %scan3A_47 masked %reduce_sum3A_49 : vector<16xi32>, vector<16xi1> -> vector<16xi32>
      %reduce_sum3A_51 = vector.extract %reduce_sum3A_50[15] : i32 from vector<16xi32>
      %ge3A = arith.constant 50 : i32
      %ge3A_52 = arith.cmpi sge, %reduce_sum3A_51, %ge3A : i32
      %le3A = arith.constant 512 : i32
      %le3A_53 = arith.cmpi sle, %reduce_sum3A_51, %le3A : i32
      %and3A_54 = arith.andi %ge3A_52, %le3A_53 : i1
      %reduce_max3A = arith.constant true
      %reduce_max3A_55 = vector.broadcast %reduce_max3A : i1 to vector<16xi1>
      %reduce_max3A_56 = arith.constant -2147483648 : i32
      %reduce_max3A_57 = vector.broadcast %reduce_max3A_56 : i32 to vector<16xi32>
      %reduce_max3A_58 = arith.xori %scan3A_47, %reduce_max3A_57 : vector<16xi32>
      %reduce_max3A_59 = tpu.scan <max>, %reduce_max3A_58 masked %reduce_max3A_55 : vector<16xi32>, vector<16xi1> -> vector<16xi32>
      %reduce_max3A_60 = arith.xori %reduce_max3A_59, %reduce_max3A_57 : vector<16xi32>
      %reduce_max3A_61 = vector.extract %reduce_max3A_60[15] : i32 from vector<16xi32>
      %le3A_62 = arith.constant 32 : i32
      %le3A_63 = arith.cmpi sle, %reduce_max3A_61, %le3A_62 : i32
      %and3A_64 = arith.andi %and3A_54, %le3A_63 : i1
      %convert_element_type3A_65 = arith.extui %and3A_64 : i1 to i32
      %cond3A_66 = arith.constant 0 : i32
      %cond3A_67 = arith.constant 0 : i32
      %cond3A_68 = arith.cmpi ne, %convert_element_type3A_65, %cond3A_67 : i32
      %cond3A_69:2 = scf.if %cond3A_68 -> (i32, vector<16xi32>) {
        scf.yield %scan3A_24, %scan3A_47 : i32, vector<16xi32>
      } else {
        %scan3A_285 = arith.constant 0 : i32
        %scan3A_286 = arith.constant 0 : i32
        %scan3A_287 = arith.constant 68 : i32
        %scan3A_288 = arith.addi %scan3A_286, %scan3A_287 : i32
        %scan3A_289 = arith.constant 1 : i32
        %scan3A_290 = scf.for %scan3A_355 = %scan3A_286 to %scan3A_288 step %scan3A_289 iter_args(%scan3A_356 = %scan3A_285) -> (i32)  : i32 {
          %mul3A_357 = arith.constant 4 : i32
          %mul3A_358 = arith.muli %scan3A_355, %mul3A_357 : i32
          %add3A_359 = arith.constant 0 : i32
          %add3A_360 = arith.addi %mul3A_358, %add3A_359 : i32
          %mul3A_361 = arith.constant 16 : i32
          %mul3A_362 = arith.muli %add3A_360, %mul3A_361 : i32
          %swap3A = arith.index_cast %mul3A_362 : i32 to index
          %swap3A_363 = tpu.vector_load %arg5[%swap3A] {strides = array<i32>} : memref<4352xi32, #tpu.memory_space<vmem>>, vector<16xi32>,
          tpu.vector_store %arg5[%swap3A], %broadcast_in_dim3A_2 {strides = array<i32>} : memref<4352xi32, #tpu.memory_space<vmem>>, vector<16xi32>,
          %mul3A_364 = arith.constant 4 : i32
          %mul3A_365 = arith.muli %scan3A_355, %mul3A_364 : i32
          %add3A_366 = arith.constant 1 : i32
          %add3A_367 = arith.addi %mul3A_365, %add3A_366 : i32
          %mul3A_368 = arith.constant 16 : i32
          %mul3A_369 = arith.muli %add3A_367, %mul3A_368 : i32
          %swap3A_370 = arith.index_cast %mul3A_369 : i32 to index
          %swap3A_371 = tpu.vector_load %arg5[%swap3A_370] {strides = array<i32>} : memref<4352xi32, #tpu.memory_space<vmem>>, vector<16xi32>,
          tpu.vector_store %arg5[%swap3A_370], %broadcast_in_dim3A_2 {strides = array<i32>} : memref<4352xi32, #tpu.memory_space<vmem>>, vector<16xi32>,
          %mul3A_372 = arith.constant 4 : i32
          %mul3A_373 = arith.muli %scan3A_355, %mul3A_372 : i32
          %add3A_374 = arith.constant 2 : i32
          %add3A_375 = arith.addi %mul3A_373, %add3A_374 : i32
          %mul3A_376 = arith.constant 16 : i32
          %mul3A_377 = arith.muli %add3A_375, %mul3A_376 : i32
          %swap3A_378 = arith.index_cast %mul3A_377 : i32 to index
          %swap3A_379 = tpu.vector_load %arg5[%swap3A_378] {strides = array<i32>} : memref<4352xi32, #tpu.memory_space<vmem>>, vector<16xi32>,
          tpu.vector_store %arg5[%swap3A_378], %broadcast_in_dim3A_2 {strides = array<i32>} : memref<4352xi32, #tpu.memory_space<vmem>>, vector<16xi32>,
          %mul3A_380 = arith.constant 4 : i32
          %mul3A_381 = arith.muli %scan3A_355, %mul3A_380 : i32
          %add3A_382 = arith.constant 3 : i32
          %add3A_383 = arith.addi %mul3A_381, %add3A_382 : i32
          %mul3A_384 = arith.constant 16 : i32
          %mul3A_385 = arith.muli %add3A_383, %mul3A_384 : i32
          %swap3A_386 = arith.index_cast %mul3A_385 : i32 to index
          %swap3A_387 = tpu.vector_load %arg5[%swap3A_386] {strides = array<i32>} : memref<4352xi32, #tpu.memory_space<vmem>>, vector<16xi32>,
          tpu.vector_store %arg5[%swap3A_386], %broadcast_in_dim3A_2 {strides = array<i32>} : memref<4352xi32, #tpu.memory_space<vmem>>, vector<16xi32>,
          %scan3A_388 = arith.constant 0 : i32
          scf.yield %scan3A_388 : i32
        }
        %scan3A_291 = arith.constant 68 : i32
        %scan3A_292 = arith.constant 0 : i32
        %scan3A_293 = arith.constant 0 : i32
        %scan3A_294 = arith.constant 256 : i32
        %scan3A_295 = arith.addi %scan3A_293, %scan3A_294 : i32
        %scan3A_296 = arith.constant 1 : i32
        %scan3A_297 = scf.for %scan3A_355 = %scan3A_293 to %scan3A_295 step %scan3A_296 iter_args(%scan3A_356 = %scan3A_292) -> (i32)  : i32 {
          %mul3A_357 = arith.constant 8 : i32
          %mul3A_358 = arith.muli %scan3A_355, %mul3A_357 : i32
          %add3A_359 = arith.constant 0 : i32
          %add3A_360 = arith.addi %mul3A_358, %add3A_359 : i32
          %mul3A_361 = arith.constant 16 : i32
          %mul3A_362 = arith.muli %add3A_360, %mul3A_361 : i32
          %add3A_363 = arith.addi %mul3A_30, %mul3A_362 : i32
          %get3A_364 = arith.index_cast %add3A_363 : i32 to index
          %get3A_365 = tpu.vector_load %arg4[%get3A_364] {strides = array<i32>} : memref<65536xf32, #tpu.memory_space<vmem>>, vector<16xf32>,
          %mul3A_366 = arith.constant 8 : i32
          %mul3A_367 = arith.muli %scan3A_355, %mul3A_366 : i32
          %add3A_368 = arith.constant 1 : i32
          %add3A_369 = arith.addi %mul3A_367, %add3A_368 : i32
          %mul3A_370 = arith.constant 16 : i32
          %mul3A_371 = arith.muli %add3A_369, %mul3A_370 : i32
          %add3A_372 = arith.addi %mul3A_30, %mul3A_371 : i32
          %get3A_373 = arith.index_cast %add3A_372 : i32 to index
          %get3A_374 = tpu.vector_load %arg4[%get3A_373] {strides = array<i32>} : memref<65536xf32, #tpu.memory_space<vmem>>, vector<16xf32>,
          %mul3A_375 = arith.constant 8 : i32
          %mul3A_376 = arith.muli %scan3A_355, %mul3A_375 : i32
          %add3A_377 = arith.constant 2 : i32
          %add3A_378 = arith.addi %mul3A_376, %add3A_377 : i32
          %mul3A_379 = arith.constant 16 : i32
          %mul3A_380 = arith.muli %add3A_378, %mul3A_379 : i32
          %add3A_381 = arith.addi %mul3A_30, %mul3A_380 : i32
          %get3A_382 = arith.index_cast %add3A_381 : i32 to index
          %get3A_383 = tpu.vector_load %arg4[%get3A_382] {strides = array<i32>} : memref<65536xf32, #tpu.memory_space<vmem>>, vector<16xf32>,
          %mul3A_384 = arith.constant 8 : i32
          %mul3A_385 = arith.muli %scan3A_355, %mul3A_384 : i32
          %add3A_386 = arith.constant 3 : i32
          %add3A_387 = arith.addi %mul3A_385, %add3A_386 : i32
          %mul3A_388 = arith.constant 16 : i32
          %mul3A_389 = arith.muli %add3A_387, %mul3A_388 : i32
          %add3A_390 = arith.addi %mul3A_30, %mul3A_389 : i32
          %get3A_391 = arith.index_cast %add3A_390 : i32 to index
          %get3A_392 = tpu.vector_load %arg4[%get3A_391] {strides = array<i32>} : memref<65536xf32, #tpu.memory_space<vmem>>, vector<16xf32>,
          %mul3A_393 = arith.constant 8 : i32
          %mul3A_394 = arith.muli %scan3A_355, %mul3A_393 : i32
          %add3A_395 = arith.constant 4 : i32
          %add3A_396 = arith.addi %mul3A_394, %add3A_395 : i32
          %mul3A_397 = arith.constant 16 : i32
          %mul3A_398 = arith.muli %add3A_396, %mul3A_397 : i32
          %add3A_399 = arith.addi %mul3A_30, %mul3A_398 : i32
          %get3A_400 = arith.index_cast %add3A_399 : i32 to index
          %get3A_401 = tpu.vector_load %arg4[%get3A_400] {strides = array<i32>} : memref<65536xf32, #tpu.memory_space<vmem>>, vector<16xf32>,
          %mul3A_402 = arith.constant 8 : i32
          %mul3A_403 = arith.muli %scan3A_355, %mul3A_402 : i32
          %add3A_404 = arith.constant 5 : i32
          %add3A_405 = arith.addi %mul3A_403, %add3A_404 : i32
          %mul3A_406 = arith.constant 16 : i32
          %mul3A_407 = arith.muli %add3A_405, %mul3A_406 : i32
          %add3A_408 = arith.addi %mul3A_30, %mul3A_407 : i32
          %get3A_409 = arith.index_cast %add3A_408 : i32 to index
          %get3A_410 = tpu.vector_load %arg4[%get3A_409] {strides = array<i32>} : memref<65536xf32, #tpu.memory_space<vmem>>, vector<16xf32>,
          %mul3A_411 = arith.constant 8 : i32
          %mul3A_412 = arith.muli %scan3A_355, %mul3A_411 : i32
          %add3A_413 = arith.constant 6 : i32
          %add3A_414 = arith.addi %mul3A_412, %add3A_413 : i32
          %mul3A_415 = arith.constant 16 : i32
          %mul3A_416 = arith.muli %add3A_414, %mul3A_415 : i32
          %add3A_417 = arith.addi %mul3A_30, %mul3A_416 : i32
          %get3A_418 = arith.index_cast %add3A_417 : i32 to index
          %get3A_419 = tpu.vector_load %arg4[%get3A_418] {strides = array<i32>} : memref<65536xf32, #tpu.memory_space<vmem>>, vector<16xf32>,
          %mul3A_420 = arith.constant 8 : i32
          %mul3A_421 = arith.muli %scan3A_355, %mul3A_420 : i32
          %add3A_422 = arith.constant 7 : i32
          %add3A_423 = arith.addi %mul3A_421, %add3A_422 : i32
          %mul3A_424 = arith.constant 16 : i32
          %mul3A_425 = arith.muli %add3A_423, %mul3A_424 : i32
          %add3A_426 = arith.addi %mul3A_30, %mul3A_425 : i32
          %get3A_427 = arith.index_cast %add3A_426 : i32 to index
          %get3A_428 = tpu.vector_load %arg4[%get3A_427] {strides = array<i32>} : memref<65536xf32, #tpu.memory_space<vmem>>, vector<16xf32>,
          %bitcast3A_429 = vector.bitcast %get3A_365 : vector<16xf32> to vector<16xi32>
          %lt3A_430 = arith.constant 0 : i32
          %lt3A_431 = vector.broadcast %lt3A_430 : i32 to vector<16xi32>
          %lt3A_432 = arith.cmpi slt, %bitcast3A_429, %lt3A_431 : vector<16xi32>
          %xor3A_433 = arith.constant 2147483647 : i32
          %xor3A_434 = vector.broadcast %xor3A_433 : i32 to vector<16xi32>
          %xor3A_435 = arith.xori %bitcast3A_429, %xor3A_434 : vector<16xi32>
          %select_n3A_436 = arith.select %lt3A_432, %xor3A_435, %bitcast3A_429 : vector<16xi1>, vector<16xi32>
          %bitcast3A_437 = vector.bitcast %get3A_374 : vector<16xf32> to vector<16xi32>
          %lt3A_438 = arith.constant 0 : i32
          %lt3A_439 = vector.broadcast %lt3A_438 : i32 to vector<16xi32>
          %lt3A_440 = arith.cmpi slt, %bitcast3A_437, %lt3A_439 : vector<16xi32>
          %xor3A_441 = arith.constant 2147483647 : i32
          %xor3A_442 = vector.broadcast %xor3A_441 : i32 to vector<16xi32>
          %xor3A_443 = arith.xori %bitcast3A_437, %xor3A_442 : vector<16xi32>
          %select_n3A_444 = arith.select %lt3A_440, %xor3A_443, %bitcast3A_437 : vector<16xi1>, vector<16xi32>
          %bitcast3A_445 = vector.bitcast %get3A_383 : vector<16xf32> to vector<16xi32>
          %lt3A_446 = arith.constant 0 : i32
          %lt3A_447 = vector.broadcast %lt3A_446 : i32 to vector<16xi32>
          %lt3A_448 = arith.cmpi slt, %bitcast3A_445, %lt3A_447 : vector<16xi32>
          %xor3A_449 = arith.constant 2147483647 : i32
          %xor3A_450 = vector.broadcast %xor3A_449 : i32 to vector<16xi32>
          %xor3A_451 = arith.xori %bitcast3A_445, %xor3A_450 : vector<16xi32>
          %select_n3A_452 = arith.select %lt3A_448, %xor3A_451, %bitcast3A_445 : vector<16xi1>, vector<16xi32>
          %bitcast3A_453 = vector.bitcast %get3A_392 : vector<16xf32> to vector<16xi32>
          %lt3A_454 = arith.constant 0 : i32
          %lt3A_455 = vector.broadcast %lt3A_454 : i32 to vector<16xi32>
          %lt3A_456 = arith.cmpi slt, %bitcast3A_453, %lt3A_455 : vector<16xi32>
          %xor3A_457 = arith.constant 2147483647 : i32
          %xor3A_458 = vector.broadcast %xor3A_457 : i32 to vector<16xi32>
          %xor3A_459 = arith.xori %bitcast3A_453, %xor3A_458 : vector<16xi32>
          %select_n3A_460 = arith.select %lt3A_456, %xor3A_459, %bitcast3A_453 : vector<16xi1>, vector<16xi32>
          %bitcast3A_461 = vector.bitcast %get3A_401 : vector<16xf32> to vector<16xi32>
          %lt3A_462 = arith.constant 0 : i32
          %lt3A_463 = vector.broadcast %lt3A_462 : i32 to vector<16xi32>
          %lt3A_464 = arith.cmpi slt, %bitcast3A_461, %lt3A_463 : vector<16xi32>
          %xor3A_465 = arith.constant 2147483647 : i32
          %xor3A_466 = vector.broadcast %xor3A_465 : i32 to vector<16xi32>
          %xor3A_467 = arith.xori %bitcast3A_461, %xor3A_466 : vector<16xi32>
          %select_n3A_468 = arith.select %lt3A_464, %xor3A_467, %bitcast3A_461 : vector<16xi1>, vector<16xi32>
          %bitcast3A_469 = vector.bitcast %get3A_410 : vector<16xf32> to vector<16xi32>
          %lt3A_470 = arith.constant 0 : i32
          %lt3A_471 = vector.broadcast %lt3A_470 : i32 to vector<16xi32>
          %lt3A_472 = arith.cmpi slt, %bitcast3A_469, %lt3A_471 : vector<16xi32>
          %xor3A_473 = arith.constant 2147483647 : i32
          %xor3A_474 = vector.broadcast %xor3A_473 : i32 to vector<16xi32>
          %xor3A_475 = arith.xori %bitcast3A_469, %xor3A_474 : vector<16xi32>
          %select_n3A_476 = arith.select %lt3A_472, %xor3A_475, %bitcast3A_469 : vector<16xi1>, vector<16xi32>
          %bitcast3A_477 = vector.bitcast %get3A_419 : vector<16xf32> to vector<16xi32>
          %lt3A_478 = arith.constant 0 : i32
          %lt3A_479 = vector.broadcast %lt3A_478 : i32 to vector<16xi32>
          %lt3A_480 = arith.cmpi slt, %bitcast3A_477, %lt3A_479 : vector<16xi32>
          %xor3A_481 = arith.constant 2147483647 : i32
          %xor3A_482 = vector.broadcast %xor3A_481 : i32 to vector<16xi32>
          %xor3A_483 = arith.xori %bitcast3A_477, %xor3A_482 : vector<16xi32>
          %select_n3A_484 = arith.select %lt3A_480, %xor3A_483, %bitcast3A_477 : vector<16xi1>, vector<16xi32>
          %bitcast3A_485 = vector.bitcast %get3A_428 : vector<16xf32> to vector<16xi32>
          %lt3A_486 = arith.constant 0 : i32
          %lt3A_487 = vector.broadcast %lt3A_486 : i32 to vector<16xi32>
          %lt3A_488 = arith.cmpi slt, %bitcast3A_485, %lt3A_487 : vector<16xi32>
          %xor3A_489 = arith.constant 2147483647 : i32
          %xor3A_490 = vector.broadcast %xor3A_489 : i32 to vector<16xi32>
          %xor3A_491 = arith.xori %bitcast3A_485, %xor3A_490 : vector<16xi32>
          %select_n3A_492 = arith.select %lt3A_488, %xor3A_491, %bitcast3A_485 : vector<16xi1>, vector<16xi32>
          %shift_right_arithmetic3A_493 = arith.constant 20 : i32
          %shift_right_arithmetic3A_494 = vector.broadcast %shift_right_arithmetic3A_493 : i32 to vector<16xi32>
          %shift_right_arithmetic3A_495 = arith.shrsi %select_n3A_436, %shift_right_arithmetic3A_494 : vector<16xi32>
          %add3A_496 = arith.constant 2048 : i32
          %add3A_497 = vector.broadcast %add3A_496 : i32 to vector<16xi32>
          %add3A_498 = arith.addi %shift_right_arithmetic3A_495, %add3A_497 : vector<16xi32>
          %and3A_499 = arith.constant 15 : i32
          %and3A_500 = vector.broadcast %and3A_499 : i32 to vector<16xi32>
          %and3A_501 = arith.andi %add3A_498, %and3A_500 : vector<16xi32>
          %shift_left3A = arith.constant 8 : i32
          %shift_left3A_502 = vector.broadcast %shift_left3A : i32 to vector<16xi32>
          %shift_left3A_503 = arith.shli %and3A_501, %shift_left3A_502 : vector<16xi32>
          %shift_right_arithmetic3A_504 = arith.constant 4 : i32
          %shift_right_arithmetic3A_505 = vector.broadcast %shift_right_arithmetic3A_504 : i32 to vector<16xi32>
          %shift_right_arithmetic3A_506 = arith.shrsi %add3A_498, %shift_right_arithmetic3A_505 : vector<16xi32>
          %or3A = arith.ori %shift_left3A_503, %shift_right_arithmetic3A_506 : vector<16xi32>
          %shift_right_arithmetic3A_507 = arith.constant 20 : i32
          %shift_right_arithmetic3A_508 = vector.broadcast %shift_right_arithmetic3A_507 : i32 to vector<16xi32>
          %shift_right_arithmetic3A_509 = arith.shrsi %select_n3A_444, %shift_right_arithmetic3A_508 : vector<16xi32>
          %add3A_510 = arith.constant 2048 : i32
          %add3A_511 = vector.broadcast %add3A_510 : i32 to vector<16xi32>
          %add3A_512 = arith.addi %shift_right_arithmetic3A_509, %add3A_511 : vector<16xi32>
          %and3A_513 = arith.constant 15 : i32
          %and3A_514 = vector.broadcast %and3A_513 : i32 to vector<16xi32>
          %and3A_515 = arith.andi %add3A_512, %and3A_514 : vector<16xi32>
          %shift_left3A_516 = arith.constant 8 : i32
          %shift_left3A_517 = vector.broadcast %shift_left3A_516 : i32 to vector<16xi32>
          %shift_left3A_518 = arith.shli %and3A_515, %shift_left3A_517 : vector<16xi32>
          %shift_right_arithmetic3A_519 = arith.constant 4 : i32
          %shift_right_arithmetic3A_520 = vector.broadcast %shift_right_arithmetic3A_519 : i32 to vector<16xi32>
          %shift_right_arithmetic3A_521 = arith.shrsi %add3A_512, %shift_right_arithmetic3A_520 : vector<16xi32>
          %or3A_522 = arith.ori %shift_left3A_518, %shift_right_arithmetic3A_521 : vector<16xi32>
          %shift_right_arithmetic3A_523 = arith.constant 20 : i32
          %shift_right_arithmetic3A_524 = vector.broadcast %shift_right_arithmetic3A_523 : i32 to vector<16xi32>
          %shift_right_arithmetic3A_525 = arith.shrsi %select_n3A_452, %shift_right_arithmetic3A_524 : vector<16xi32>
          %add3A_526 = arith.constant 2048 : i32
          %add3A_527 = vector.broadcast %add3A_526 : i32 to vector<16xi32>
          %add3A_528 = arith.addi %shift_right_arithmetic3A_525, %add3A_527 : vector<16xi32>
          %and3A_529 = arith.constant 15 : i32
          %and3A_530 = vector.broadcast %and3A_529 : i32 to vector<16xi32>
          %and3A_531 = arith.andi %add3A_528, %and3A_530 : vector<16xi32>
          %shift_left3A_532 = arith.constant 8 : i32
          %shift_left3A_533 = vector.broadcast %shift_left3A_532 : i32 to vector<16xi32>
          %shift_left3A_534 = arith.shli %and3A_531, %shift_left3A_533 : vector<16xi32>
          %shift_right_arithmetic3A_535 = arith.constant 4 : i32
          %shift_right_arithmetic3A_536 = vector.broadcast %shift_right_arithmetic3A_535 : i32 to vector<16xi32>
          %shift_right_arithmetic3A_537 = arith.shrsi %add3A_528, %shift_right_arithmetic3A_536 : vector<16xi32>
          %or3A_538 = arith.ori %shift_left3A_534, %shift_right_arithmetic3A_537 : vector<16xi32>
          %shift_right_arithmetic3A_539 = arith.constant 20 : i32
          %shift_right_arithmetic3A_540 = vector.broadcast %shift_right_arithmetic3A_539 : i32 to vector<16xi32>
          %shift_right_arithmetic3A_541 = arith.shrsi %select_n3A_460, %shift_right_arithmetic3A_540 : vector<16xi32>
          %add3A_542 = arith.constant 2048 : i32
          %add3A_543 = vector.broadcast %add3A_542 : i32 to vector<16xi32>
          %add3A_544 = arith.addi %shift_right_arithmetic3A_541, %add3A_543 : vector<16xi32>
          %and3A_545 = arith.constant 15 : i32
          %and3A_546 = vector.broadcast %and3A_545 : i32 to vector<16xi32>
          %and3A_547 = arith.andi %add3A_544, %and3A_546 : vector<16xi32>
          %shift_left3A_548 = arith.constant 8 : i32
          %shift_left3A_549 = vector.broadcast %shift_left3A_548 : i32 to vector<16xi32>
          %shift_left3A_550 = arith.shli %and3A_547, %shift_left3A_549 : vector<16xi32>
          %shift_right_arithmetic3A_551 = arith.constant 4 : i32
          %shift_right_arithmetic3A_552 = vector.broadcast %shift_right_arithmetic3A_551 : i32 to vector<16xi32>
          %shift_right_arithmetic3A_553 = arith.shrsi %add3A_544, %shift_right_arithmetic3A_552 : vector<16xi32>
          %or3A_554 = arith.ori %shift_left3A_550, %shift_right_arithmetic3A_553 : vector<16xi32>
          %shift_right_arithmetic3A_555 = arith.constant 20 : i32
          %shift_right_arithmetic3A_556 = vector.broadcast %shift_right_arithmetic3A_555 : i32 to vector<16xi32>
          %shift_right_arithmetic3A_557 = arith.shrsi %select_n3A_468, %shift_right_arithmetic3A_556 : vector<16xi32>
          %add3A_558 = arith.constant 2048 : i32
          %add3A_559 = vector.broadcast %add3A_558 : i32 to vector<16xi32>
          %add3A_560 = arith.addi %shift_right_arithmetic3A_557, %add3A_559 : vector<16xi32>
          %and3A_561 = arith.constant 15 : i32
          %and3A_562 = vector.broadcast %and3A_561 : i32 to vector<16xi32>
          %and3A_563 = arith.andi %add3A_560, %and3A_562 : vector<16xi32>
          %shift_left3A_564 = arith.constant 8 : i32
          %shift_left3A_565 = vector.broadcast %shift_left3A_564 : i32 to vector<16xi32>
          %shift_left3A_566 = arith.shli %and3A_563, %shift_left3A_565 : vector<16xi32>
          %shift_right_arithmetic3A_567 = arith.constant 4 : i32
          %shift_right_arithmetic3A_568 = vector.broadcast %shift_right_arithmetic3A_567 : i32 to vector<16xi32>
          %shift_right_arithmetic3A_569 = arith.shrsi %add3A_560, %shift_right_arithmetic3A_568 : vector<16xi32>
          %or3A_570 = arith.ori %shift_left3A_566, %shift_right_arithmetic3A_569 : vector<16xi32>
          %shift_right_arithmetic3A_571 = arith.constant 20 : i32
          %shift_right_arithmetic3A_572 = vector.broadcast %shift_right_arithmetic3A_571 : i32 to vector<16xi32>
          %shift_right_arithmetic3A_573 = arith.shrsi %select_n3A_476, %shift_right_arithmetic3A_572 : vector<16xi32>
          %add3A_574 = arith.constant 2048 : i32
          %add3A_575 = vector.broadcast %add3A_574 : i32 to vector<16xi32>
          %add3A_576 = arith.addi %shift_right_arithmetic3A_573, %add3A_575 : vector<16xi32>
          %and3A_577 = arith.constant 15 : i32
          %and3A_578 = vector.broadcast %and3A_577 : i32 to vector<16xi32>
          %and3A_579 = arith.andi %add3A_576, %and3A_578 : vector<16xi32>
          %shift_left3A_580 = arith.constant 8 : i32
          %shift_left3A_581 = vector.broadcast %shift_left3A_580 : i32 to vector<16xi32>
          %shift_left3A_582 = arith.shli %and3A_579, %shift_left3A_581 : vector<16xi32>
          %shift_right_arithmetic3A_583 = arith.constant 4 : i32
          %shift_right_arithmetic3A_584 = vector.broadcast %shift_right_arithmetic3A_583 : i32 to vector<16xi32>
          %shift_right_arithmetic3A_585 = arith.shrsi %add3A_576, %shift_right_arithmetic3A_584 : vector<16xi32>
          %or3A_586 = arith.ori %shift_left3A_582, %shift_right_arithmetic3A_585 : vector<16xi32>
          %shift_right_arithmetic3A_587 = arith.constant 20 : i32
          %shift_right_arithmetic3A_588 = vector.broadcast %shift_right_arithmetic3A_587 : i32 to vector<16xi32>
          %shift_right_arithmetic3A_589 = arith.shrsi %select_n3A_484, %shift_right_arithmetic3A_588 : vector<16xi32>
          %add3A_590 = arith.constant 2048 : i32
          %add3A_591 = vector.broadcast %add3A_590 : i32 to vector<16xi32>
          %add3A_592 = arith.addi %shift_right_arithmetic3A_589, %add3A_591 : vector<16xi32>
          %and3A_593 = arith.constant 15 : i32
          %and3A_594 = vector.broadcast %and3A_593 : i32 to vector<16xi32>
          %and3A_595 = arith.andi %add3A_592, %and3A_594 : vector<16xi32>
          %shift_left3A_596 = arith.constant 8 : i32
          %shift_left3A_597 = vector.broadcast %shift_left3A_596 : i32 to vector<16xi32>
          %shift_left3A_598 = arith.shli %and3A_595, %shift_left3A_597 : vector<16xi32>
          %shift_right_arithmetic3A_599 = arith.constant 4 : i32
          %shift_right_arithmetic3A_600 = vector.broadcast %shift_right_arithmetic3A_599 : i32 to vector<16xi32>
          %shift_right_arithmetic3A_601 = arith.shrsi %add3A_592, %shift_right_arithmetic3A_600 : vector<16xi32>
          %or3A_602 = arith.ori %shift_left3A_598, %shift_right_arithmetic3A_601 : vector<16xi32>
          %shift_right_arithmetic3A_603 = arith.constant 20 : i32
          %shift_right_arithmetic3A_604 = vector.broadcast %shift_right_arithmetic3A_603 : i32 to vector<16xi32>
          %shift_right_arithmetic3A_605 = arith.shrsi %select_n3A_492, %shift_right_arithmetic3A_604 : vector<16xi32>
          %add3A_606 = arith.constant 2048 : i32
          %add3A_607 = vector.broadcast %add3A_606 : i32 to vector<16xi32>
          %add3A_608 = arith.addi %shift_right_arithmetic3A_605, %add3A_607 : vector<16xi32>
          %and3A_609 = arith.constant 15 : i32
          %and3A_610 = vector.broadcast %and3A_609 : i32 to vector<16xi32>
          %and3A_611 = arith.andi %add3A_608, %and3A_610 : vector<16xi32>
          %shift_left3A_612 = arith.constant 8 : i32
          %shift_left3A_613 = vector.broadcast %shift_left3A_612 : i32 to vector<16xi32>
          %shift_left3A_614 = arith.shli %and3A_611, %shift_left3A_613 : vector<16xi32>
          %shift_right_arithmetic3A_615 = arith.constant 4 : i32
          %shift_right_arithmetic3A_616 = vector.broadcast %shift_right_arithmetic3A_615 : i32 to vector<16xi32>
          %shift_right_arithmetic3A_617 = arith.shrsi %add3A_608, %shift_right_arithmetic3A_616 : vector<16xi32>
          %or3A_618 = arith.ori %shift_left3A_614, %shift_right_arithmetic3A_617 : vector<16xi32>
          tpu.vector_store_idx %arg5[%or3A], %broadcast_in_dim3A_0 {add = true} : memref<4352xi32, #tpu.memory_space<vmem>>[vector<16xi32>], vector<16xi32>,
          tpu.vector_store_idx %arg5[%or3A_522], %broadcast_in_dim3A_0 {add = true} : memref<4352xi32, #tpu.memory_space<vmem>>[vector<16xi32>], vector<16xi32>,
          tpu.vector_store_idx %arg5[%or3A_538], %broadcast_in_dim3A_0 {add = true} : memref<4352xi32, #tpu.memory_space<vmem>>[vector<16xi32>], vector<16xi32>,
          tpu.vector_store_idx %arg5[%or3A_554], %broadcast_in_dim3A_0 {add = true} : memref<4352xi32, #tpu.memory_space<vmem>>[vector<16xi32>], vector<16xi32>,
          tpu.vector_store_idx %arg5[%or3A_570], %broadcast_in_dim3A_0 {add = true} : memref<4352xi32, #tpu.memory_space<vmem>>[vector<16xi32>], vector<16xi32>,
          tpu.vector_store_idx %arg5[%or3A_586], %broadcast_in_dim3A_0 {add = true} : memref<4352xi32, #tpu.memory_space<vmem>>[vector<16xi32>], vector<16xi32>,
          tpu.vector_store_idx %arg5[%or3A_602], %broadcast_in_dim3A_0 {add = true} : memref<4352xi32, #tpu.memory_space<vmem>>[vector<16xi32>], vector<16xi32>,
          tpu.vector_store_idx %arg5[%or3A_618], %broadcast_in_dim3A_0 {add = true} : memref<4352xi32, #tpu.memory_space<vmem>>[vector<16xi32>], vector<16xi32>,
          %scan3A_619 = arith.constant 0 : i32
          scf.yield %scan3A_619 : i32
        }
        %scan3A_298 = arith.constant 256 : i32
        %scan3A_299 = arith.constant 0 : i32
        %scan3A_300 = arith.constant 0 : i32
        %scan3A_301 = arith.constant 16 : i32
        %scan3A_302 = arith.addi %scan3A_300, %scan3A_301 : i32
        %scan3A_303 = arith.constant 1 : i32
        %scan3A_304 = scf.for %scan3A_355 = %scan3A_300 to %scan3A_302 step %scan3A_303 iter_args(%scan3A_356 = %scan3A_299) -> (i32)  : i32 {
          %mul3A_357 = arith.constant 16 : i32
          %mul3A_358 = arith.muli %scan3A_355, %mul3A_357 : i32
          %add3A_359 = arith.constant 0 : i32
          %add3A_360 = arith.addi %add3A_359, %mul3A_358 : i32
          %get3A_361 = arith.index_cast %add3A_360 : i32 to index
          %get3A_362 = tpu.vector_load %arg5[%get3A_361] {strides = array<i32>} : memref<4352xi32, #tpu.memory_space<vmem>>, vector<16xi32>,
          %add3A_363 = arith.addi %broadcast_in_dim3A_2, %get3A_362 : vector<16xi32>
          %mul3A_364 = arith.constant 16 : i32
          %mul3A_365 = arith.muli %scan3A_355, %mul3A_364 : i32
          %add3A_366 = arith.constant 256 : i32
          %add3A_367 = arith.addi %add3A_366, %mul3A_365 : i32
          %get3A_368 = arith.index_cast %add3A_367 : i32 to index
          %get3A_369 = tpu.vector_load %arg5[%get3A_368] {strides = array<i32>} : memref<4352xi32, #tpu.memory_space<vmem>>, vector<16xi32>,
          %add3A_370 = arith.addi %add3A_363, %get3A_369 : vector<16xi32>
          %mul3A_371 = arith.constant 16 : i32
          %mul3A_372 = arith.muli %scan3A_355, %mul3A_371 : i32
          %add3A_373 = arith.constant 512 : i32
          %add3A_374 = arith.addi %add3A_373, %mul3A_372 : i32
          %get3A_375 = arith.index_cast %add3A_374 : i32 to index
          %get3A_376 = tpu.vector_load %arg5[%get3A_375] {strides = array<i32>} : memref<4352xi32, #tpu.memory_space<vmem>>, vector<16xi32>,
          %add3A_377 = arith.addi %add3A_370, %get3A_376 : vector<16xi32>
          %mul3A_378 = arith.constant 16 : i32
          %mul3A_379 = arith.muli %scan3A_355, %mul3A_378 : i32
          %add3A_380 = arith.constant 768 : i32
          %add3A_381 = arith.addi %add3A_380, %mul3A_379 : i32
          %get3A_382 = arith.index_cast %add3A_381 : i32 to index
          %get3A_383 = tpu.vector_load %arg5[%get3A_382] {strides = array<i32>} : memref<4352xi32, #tpu.memory_space<vmem>>, vector<16xi32>,
          %add3A_384 = arith.addi %add3A_377, %get3A_383 : vector<16xi32>
          %mul3A_385 = arith.constant 16 : i32
          %mul3A_386 = arith.muli %scan3A_355, %mul3A_385 : i32
          %add3A_387 = arith.constant 1024 : i32
          %add3A_388 = arith.addi %add3A_387, %mul3A_386 : i32
          %get3A_389 = arith.index_cast %add3A_388 : i32 to index
          %get3A_390 = tpu.vector_load %arg5[%get3A_389] {strides = array<i32>} : memref<4352xi32, #tpu.memory_space<vmem>>, vector<16xi32>,
          %add3A_391 = arith.addi %add3A_384, %get3A_390 : vector<16xi32>
          %mul3A_392 = arith.constant 16 : i32
          %mul3A_393 = arith.muli %scan3A_355, %mul3A_392 : i32
          %add3A_394 = arith.constant 1280 : i32
          %add3A_395 = arith.addi %add3A_394, %mul3A_393 : i32
          %get3A_396 = arith.index_cast %add3A_395 : i32 to index
          %get3A_397 = tpu.vector_load %arg5[%get3A_396] {strides = array<i32>} : memref<4352xi32, #tpu.memory_space<vmem>>, vector<16xi32>,
          %add3A_398 = arith.addi %add3A_391, %get3A_397 : vector<16xi32>
          %mul3A_399 = arith.constant 16 : i32
          %mul3A_400 = arith.muli %scan3A_355, %mul3A_399 : i32
          %add3A_401 = arith.constant 1536 : i32
          %add3A_402 = arith.addi %add3A_401, %mul3A_400 : i32
          %get3A_403 = arith.index_cast %add3A_402 : i32 to index
          %get3A_404 = tpu.vector_load %arg5[%get3A_403] {strides = array<i32>} : memref<4352xi32, #tpu.memory_space<vmem>>, vector<16xi32>,
          %add3A_405 = arith.addi %add3A_398, %get3A_404 : vector<16xi32>
          %mul3A_406 = arith.constant 16 : i32
          %mul3A_407 = arith.muli %scan3A_355, %mul3A_406 : i32
          %add3A_408 = arith.constant 1792 : i32
          %add3A_409 = arith.addi %add3A_408, %mul3A_407 : i32
          %get3A_410 = arith.index_cast %add3A_409 : i32 to index
          %get3A_411 = tpu.vector_load %arg5[%get3A_410] {strides = array<i32>} : memref<4352xi32, #tpu.memory_space<vmem>>, vector<16xi32>,
          %add3A_412 = arith.addi %add3A_405, %get3A_411 : vector<16xi32>
          %mul3A_413 = arith.constant 16 : i32
          %mul3A_414 = arith.muli %scan3A_355, %mul3A_413 : i32
          %add3A_415 = arith.constant 2048 : i32
          %add3A_416 = arith.addi %add3A_415, %mul3A_414 : i32
          %get3A_417 = arith.index_cast %add3A_416 : i32 to index
          %get3A_418 = tpu.vector_load %arg5[%get3A_417] {strides = array<i32>} : memref<4352xi32, #tpu.memory_space<vmem>>, vector<16xi32>,
          %add3A_419 = arith.addi %add3A_412, %get3A_418 : vector<16xi32>
          %mul3A_420 = arith.constant 16 : i32
          %mul3A_421 = arith.muli %scan3A_355, %mul3A_420 : i32
          %add3A_422 = arith.constant 2304 : i32
          %add3A_423 = arith.addi %add3A_422, %mul3A_421 : i32
          %get3A_424 = arith.index_cast %add3A_423 : i32 to index
          %get3A_425 = tpu.vector_load %arg5[%get3A_424] {strides = array<i32>} : memref<4352xi32, #tpu.memory_space<vmem>>, vector<16xi32>,
          %add3A_426 = arith.addi %add3A_419, %get3A_425 : vector<16xi32>
          %mul3A_427 = arith.constant 16 : i32
          %mul3A_428 = arith.muli %scan3A_355, %mul3A_427 : i32
          %add3A_429 = arith.constant 2560 : i32
          %add3A_430 = arith.addi %add3A_429, %mul3A_428 : i32
          %get3A_431 = arith.index_cast %add3A_430 : i32 to index
          %get3A_432 = tpu.vector_load %arg5[%get3A_431] {strides = array<i32>} : memref<4352xi32, #tpu.memory_space<vmem>>, vector<16xi32>,
          %add3A_433 = arith.addi %add3A_426, %get3A_432 : vector<16xi32>
          %mul3A_434 = arith.constant 16 : i32
          %mul3A_435 = arith.muli %scan3A_355, %mul3A_434 : i32
          %add3A_436 = arith.constant 2816 : i32
          %add3A_437 = arith.addi %add3A_436, %mul3A_435 : i32
          %get3A_438 = arith.index_cast %add3A_437 : i32 to index
          %get3A_439 = tpu.vector_load %arg5[%get3A_438] {strides = array<i32>} : memref<4352xi32, #tpu.memory_space<vmem>>, vector<16xi32>,
          %add3A_440 = arith.addi %add3A_433, %get3A_439 : vector<16xi32>
          %mul3A_441 = arith.constant 16 : i32
          %mul3A_442 = arith.muli %scan3A_355, %mul3A_441 : i32
          %add3A_443 = arith.constant 3072 : i32
          %add3A_444 = arith.addi %add3A_443, %mul3A_442 : i32
          %get3A_445 = arith.index_cast %add3A_444 : i32 to index
          %get3A_446 = tpu.vector_load %arg5[%get3A_445] {strides = array<i32>} : memref<4352xi32, #tpu.memory_space<vmem>>, vector<16xi32>,
          %add3A_447 = arith.addi %add3A_440, %get3A_446 : vector<16xi32>
          %mul3A_448 = arith.constant 16 : i32
          %mul3A_449 = arith.muli %scan3A_355, %mul3A_448 : i32
          %add3A_450 = arith.constant 3328 : i32
          %add3A_451 = arith.addi %add3A_450, %mul3A_449 : i32
          %get3A_452 = arith.index_cast %add3A_451 : i32 to index
          %get3A_453 = tpu.vector_load %arg5[%get3A_452] {strides = array<i32>} : memref<4352xi32, #tpu.memory_space<vmem>>, vector<16xi32>,
          %add3A_454 = arith.addi %add3A_447, %get3A_453 : vector<16xi32>
          %mul3A_455 = arith.constant 16 : i32
          %mul3A_456 = arith.muli %scan3A_355, %mul3A_455 : i32
          %add3A_457 = arith.constant 3584 : i32
          %add3A_458 = arith.addi %add3A_457, %mul3A_456 : i32
          %get3A_459 = arith.index_cast %add3A_458 : i32 to index
          %get3A_460 = tpu.vector_load %arg5[%get3A_459] {strides = array<i32>} : memref<4352xi32, #tpu.memory_space<vmem>>, vector<16xi32>,
          %add3A_461 = arith.addi %add3A_454, %get3A_460 : vector<16xi32>
          %mul3A_462 = arith.constant 16 : i32
          %mul3A_463 = arith.muli %scan3A_355, %mul3A_462 : i32
          %add3A_464 = arith.constant 3840 : i32
          %add3A_465 = arith.addi %add3A_464, %mul3A_463 : i32
          %get3A_466 = arith.index_cast %add3A_465 : i32 to index
          %get3A_467 = tpu.vector_load %arg5[%get3A_466] {strides = array<i32>} : memref<4352xi32, #tpu.memory_space<vmem>>, vector<16xi32>,
          %add3A_468 = arith.addi %add3A_461, %get3A_467 : vector<16xi32>
          %mul3A_469 = arith.constant 16 : i32
          %mul3A_470 = arith.muli %scan3A_355, %mul3A_469 : i32
          %add3A_471 = arith.constant 4096 : i32
          %add3A_472 = arith.addi %add3A_471, %mul3A_470 : i32
          %swap3A = arith.index_cast %add3A_472 : i32 to index
          %swap3A_473 = tpu.vector_load %arg5[%swap3A] {strides = array<i32>} : memref<4352xi32, #tpu.memory_space<vmem>>, vector<16xi32>,
          tpu.vector_store %arg5[%swap3A], %add3A_468 {strides = array<i32>} : memref<4352xi32, #tpu.memory_space<vmem>>, vector<16xi32>,
          %scan3A_474 = arith.constant 0 : i32
          scf.yield %scan3A_474 : i32
        }
        %scan3A_305 = arith.constant 16 : i32
        %scan3A_306 = arith.constant 0 : i32
        %scan3A_307 = arith.constant 0 : i32
        %scan3A_308 = arith.constant 0 : i32
        %scan3A_309 = arith.constant 0 : i32
        %scan3A_310 = arith.constant 0 : i32
        %scan3A_311 = arith.constant 16 : i32
        %scan3A_312 = arith.addi %scan3A_310, %scan3A_311 : i32
        %scan3A_313 = arith.constant 1 : i32
        %scan3A_314:4 = scf.for %scan3A_355 = %scan3A_310 to %scan3A_312 step %scan3A_313 iter_args(%scan3A_356 = %scan3A_306, %scan3A_357 = %scan3A_307, %scan3A_358 = %scan3A_308, %scan3A_359 = %scan3A_309) -> (i32, i32, i32, i32)  : i32 {
          %sub3A_360 = arith.constant 15 : i32
          %sub3A_361 = arith.subi %sub3A_360, %scan3A_355 : i32
          %mul3A_362 = arith.constant 16 : i32
          %mul3A_363 = arith.muli %sub3A_361, %mul3A_362 : i32
          %add3A_364 = arith.constant 4096 : i32
          %add3A_365 = arith.addi %add3A_364, %mul3A_363 : i32
          %get3A_366 = arith.index_cast %add3A_365 : i32 to index
          %get3A_367 = tpu.vector_load %arg5[%get3A_366] {strides = array<i32>} : memref<4352xi32, #tpu.memory_space<vmem>>, vector<16xi32>,
          %reduce_sum3A_368 = arith.constant true
          %reduce_sum3A_369 = vector.broadcast %reduce_sum3A_368 : i1 to vector<16xi1>
          %reduce_sum3A_370 = tpu.scan <sum>, %get3A_367 masked %reduce_sum3A_369 : vector<16xi32>, vector<16xi1> -> vector<16xi32>
          %reduce_sum3A_371 = vector.extract %reduce_sum3A_370[15] : i32 from vector<16xi32>
          %broadcast_in_dim3A_372 = arith.constant true
          %broadcast_in_dim3A_373 = vector.broadcast %broadcast_in_dim3A_372 : i1 to vector<16xi1>
          %masked_cumsum3A_374 = tpu.scan <sum>, %get3A_367 masked %broadcast_in_dim3A_373 : vector<16xi32>, vector<16xi1> -> vector<16xi32>
          %add3A_375 = arith.addi %scan3A_356, %reduce_sum3A_371 : i32
          %sub3A_376 = vector.broadcast %add3A_375 : i32 to vector<16xi32>
          %sub3A_377 = arith.subi %sub3A_376, %masked_cumsum3A_374 : vector<16xi32>
          %add3A_378 = arith.addi %sub3A_377, %get3A_367 : vector<16xi32>
          %ge3A_379 = arith.constant 50 : i32
          %ge3A_380 = vector.broadcast %ge3A_379 : i32 to vector<16xi32>
          %ge3A_381 = arith.cmpi sge, %add3A_378, %ge3A_380 : vector<16xi32>
          %convert_element_type3A_382 = arith.extui %ge3A_381 : vector<16xi1> to vector<16xi32>
          %reduce_sum3A_383 = arith.constant true
          %reduce_sum3A_384 = vector.broadcast %reduce_sum3A_383 : i1 to vector<16xi1>
          %reduce_sum3A_385 = tpu.scan <sum>, %convert_element_type3A_382 masked %reduce_sum3A_384 : vector<16xi32>, vector<16xi1> -> vector<16xi32>
          %reduce_sum3A_386 = vector.extract %reduce_sum3A_385[15] : i32 from vector<16xi32>
          %gt3A_387 = arith.constant 0 : i32
          %gt3A_388 = arith.cmpi sgt, %reduce_sum3A_386, %gt3A_387 : i32
          %eq3A_389 = arith.constant 0 : i32
          %eq3A_390 = arith.cmpi eq, %scan3A_357, %eq3A_389 : i32
          %and3A_391 = arith.andi %gt3A_388, %eq3A_390 : i1
          %sub3A_392 = arith.constant 1 : i32
          %sub3A_393 = arith.subi %reduce_sum3A_386, %sub3A_392 : i32
          %iota3A_394 = tpu.iota {dimensions = array<i32: 0>} : vector<16xi32>
          %eq3A_395 = vector.broadcast %sub3A_393 : i32 to vector<16xi32>
          %eq3A_396 = arith.cmpi eq, %iota3A_394, %eq3A_395 : vector<16xi32>
          %broadcast_in_dim3A_397 = arith.constant 0 : i32
          %broadcast_in_dim3A_398 = vector.broadcast %broadcast_in_dim3A_397 : i32 to vector<16xi32>
          %select_n3A_399 = arith.select %eq3A_396, %masked_cumsum3A_374, %broadcast_in_dim3A_398 : vector<16xi1>, vector<16xi32>
          %reduce_sum3A_400 = arith.constant true
          %reduce_sum3A_401 = vector.broadcast %reduce_sum3A_400 : i1 to vector<16xi1>
          %reduce_sum3A_402 = tpu.scan <sum>, %select_n3A_399 masked %reduce_sum3A_401 : vector<16xi32>, vector<16xi1> -> vector<16xi32>
          %reduce_sum3A_403 = vector.extract %reduce_sum3A_402[15] : i32 from vector<16xi32>
          %mul3A_404 = arith.constant 16 : i32
          %mul3A_405 = arith.muli %sub3A_361, %mul3A_404 : i32
          %add3A_406 = arith.addi %mul3A_405, %sub3A_393 : i32
          %add3A_407 = arith.addi %scan3A_356, %reduce_sum3A_371 : i32
          %sub3A_408 = arith.subi %add3A_407, %reduce_sum3A_403 : i32
          %select_n3A_409 = arith.select %and3A_391, %add3A_406, %scan3A_358 : i32
          %select_n3A_410 = arith.select %and3A_391, %sub3A_408, %scan3A_359 : i32
          %jit3A_411 = arith.constant 1 : i32
          %select_n3A_412 = arith.select %and3A_391, %jit3A_411, %scan3A_357 : i32
          %eq3A_413 = arith.constant 0 : i32
          %eq3A_414 = arith.cmpi eq, %scan3A_357, %eq3A_413 : i32
          %add3A_415 = arith.addi %scan3A_356, %reduce_sum3A_371 : i32
          %select_n3A_416 = arith.select %eq3A_414, %add3A_415, %scan3A_356 : i32
          scf.yield %select_n3A_416, %select_n3A_412, %select_n3A_409, %select_n3A_410 : i32, i32, i32, i32
        }
        %scan3A_315 = arith.constant 16 : i32
        %mul3A_316 = arith.constant 256 : i32
        %mul3A_317 = vector.broadcast %mul3A_316 : i32 to vector<16xi32>
        %mul3A_318 = arith.muli %iota3A, %mul3A_317 : vector<16xi32>
        %add3A_319 = vector.broadcast %scan3A_314#2 : i32 to vector<16xi32>
        %add3A_320 = arith.addi %mul3A_318, %add3A_319 : vector<16xi32>
        %gather3A = tpu.vector_load_idx %arg5[%add3A_320] : memref<4352xi32, #tpu.memory_space<vmem>>[vector<16xi32>], vector<16xi32>,
        %broadcast_in_dim3A_321 = arith.constant true
        %broadcast_in_dim3A_322 = vector.broadcast %broadcast_in_dim3A_321 : i1 to vector<16xi1>
        %masked_cumsum3A_323 = tpu.scan <sum>, %gather3A masked %broadcast_in_dim3A_322 : vector<16xi32>, vector<16xi1> -> vector<16xi32>
        %reduce_sum3A_324 = arith.constant true
        %reduce_sum3A_325 = vector.broadcast %reduce_sum3A_324 : i1 to vector<16xi1>
        %reduce_sum3A_326 = tpu.scan <sum>, %gather3A masked %reduce_sum3A_325 : vector<16xi32>, vector<16xi1> -> vector<16xi32>
        %reduce_sum3A_327 = vector.extract %reduce_sum3A_326[15] : i32 from vector<16xi32>
        %add3A_328 = arith.addi %scan3A_314#3, %reduce_sum3A_327 : i32
        %sub3A_329 = vector.broadcast %add3A_328 : i32 to vector<16xi32>
        %sub3A_330 = arith.subi %sub3A_329, %masked_cumsum3A_323 : vector<16xi32>
        %add3A_331 = arith.addi %sub3A_330, %gather3A : vector<16xi32>
        %ge3A_332 = arith.constant 50 : i32
        %ge3A_333 = vector.broadcast %ge3A_332 : i32 to vector<16xi32>
        %ge3A_334 = arith.cmpi sge, %add3A_331, %ge3A_333 : vector<16xi32>
        %convert_element_type3A_335 = arith.extui %ge3A_334 : vector<16xi1> to vector<16xi32>
        %reduce_sum3A_336 = arith.constant true
        %reduce_sum3A_337 = vector.broadcast %reduce_sum3A_336 : i1 to vector<16xi1>
        %reduce_sum3A_338 = tpu.scan <sum>, %convert_element_type3A_335 masked %reduce_sum3A_337 : vector<16xi32>, vector<16xi1> -> vector<16xi32>
        %reduce_sum3A_339 = vector.extract %reduce_sum3A_338[15] : i32 from vector<16xi32>
        %mul3A_340 = arith.constant 16 : i32
        %mul3A_341 = arith.muli %scan3A_314#2, %mul3A_340 : i32
        %sub3A_342 = arith.constant 1 : i32
        %sub3A_343 = arith.subi %reduce_sum3A_339, %sub3A_342 : i32
        %add3A_344 = arith.addi %mul3A_341, %sub3A_343 : i32
        %sub3A_345 = arith.constant 2048 : i32
        %sub3A_346 = arith.subi %add3A_344, %sub3A_345 : i32
        %mul3A_347 = arith.constant 1048576 : i32
        %mul3A_348 = arith.muli %sub3A_346, %mul3A_347 : i32
        %scan3A_349 = arith.constant 0 : i32
        %scan3A_350 = arith.constant 256 : i32
        %scan3A_351 = arith.addi %scan3A_349, %scan3A_350 : i32
        %scan3A_352 = arith.constant 1 : i32
        %scan3A_353 = scf.for %scan3A_355 = %scan3A_349 to %scan3A_351 step %scan3A_352 iter_args(%scan3A_356 = %broadcast_in_dim3A_2) -> (vector<16xi32>)  : i32 {
          %mul3A_357 = arith.constant 8 : i32
          %mul3A_358 = arith.muli %scan3A_355, %mul3A_357 : i32
          %add3A_359 = arith.constant 0 : i32
          %add3A_360 = arith.addi %mul3A_358, %add3A_359 : i32
          %mul3A_361 = arith.constant 16 : i32
          %mul3A_362 = arith.muli %add3A_360, %mul3A_361 : i32
          %add3A_363 = arith.addi %mul3A_30, %mul3A_362 : i32
          %get3A_364 = arith.index_cast %add3A_363 : i32 to index
          %get3A_365 = tpu.vector_load %arg4[%get3A_364] {strides = array<i32>} : memref<65536xf32, #tpu.memory_space<vmem>>, vector<16xf32>,
          %mul3A_366 = arith.constant 8 : i32
          %mul3A_367 = arith.muli %scan3A_355, %mul3A_366 : i32
          %add3A_368 = arith.constant 1 : i32
          %add3A_369 = arith.addi %mul3A_367, %add3A_368 : i32
          %mul3A_370 = arith.constant 16 : i32
          %mul3A_371 = arith.muli %add3A_369, %mul3A_370 : i32
          %add3A_372 = arith.addi %mul3A_30, %mul3A_371 : i32
          %get3A_373 = arith.index_cast %add3A_372 : i32 to index
          %get3A_374 = tpu.vector_load %arg4[%get3A_373] {strides = array<i32>} : memref<65536xf32, #tpu.memory_space<vmem>>, vector<16xf32>,
          %mul3A_375 = arith.constant 8 : i32
          %mul3A_376 = arith.muli %scan3A_355, %mul3A_375 : i32
          %add3A_377 = arith.constant 2 : i32
          %add3A_378 = arith.addi %mul3A_376, %add3A_377 : i32
          %mul3A_379 = arith.constant 16 : i32
          %mul3A_380 = arith.muli %add3A_378, %mul3A_379 : i32
          %add3A_381 = arith.addi %mul3A_30, %mul3A_380 : i32
          %get3A_382 = arith.index_cast %add3A_381 : i32 to index
          %get3A_383 = tpu.vector_load %arg4[%get3A_382] {strides = array<i32>} : memref<65536xf32, #tpu.memory_space<vmem>>, vector<16xf32>,
          %mul3A_384 = arith.constant 8 : i32
          %mul3A_385 = arith.muli %scan3A_355, %mul3A_384 : i32
          %add3A_386 = arith.constant 3 : i32
          %add3A_387 = arith.addi %mul3A_385, %add3A_386 : i32
          %mul3A_388 = arith.constant 16 : i32
          %mul3A_389 = arith.muli %add3A_387, %mul3A_388 : i32
          %add3A_390 = arith.addi %mul3A_30, %mul3A_389 : i32
          %get3A_391 = arith.index_cast %add3A_390 : i32 to index
          %get3A_392 = tpu.vector_load %arg4[%get3A_391] {strides = array<i32>} : memref<65536xf32, #tpu.memory_space<vmem>>, vector<16xf32>,
          %mul3A_393 = arith.constant 8 : i32
          %mul3A_394 = arith.muli %scan3A_355, %mul3A_393 : i32
          %add3A_395 = arith.constant 4 : i32
          %add3A_396 = arith.addi %mul3A_394, %add3A_395 : i32
          %mul3A_397 = arith.constant 16 : i32
          %mul3A_398 = arith.muli %add3A_396, %mul3A_397 : i32
          %add3A_399 = arith.addi %mul3A_30, %mul3A_398 : i32
          %get3A_400 = arith.index_cast %add3A_399 : i32 to index
          %get3A_401 = tpu.vector_load %arg4[%get3A_400] {strides = array<i32>} : memref<65536xf32, #tpu.memory_space<vmem>>, vector<16xf32>,
          %mul3A_402 = arith.constant 8 : i32
          %mul3A_403 = arith.muli %scan3A_355, %mul3A_402 : i32
          %add3A_404 = arith.constant 5 : i32
          %add3A_405 = arith.addi %mul3A_403, %add3A_404 : i32
          %mul3A_406 = arith.constant 16 : i32
          %mul3A_407 = arith.muli %add3A_405, %mul3A_406 : i32
          %add3A_408 = arith.addi %mul3A_30, %mul3A_407 : i32
          %get3A_409 = arith.index_cast %add3A_408 : i32 to index
          %get3A_410 = tpu.vector_load %arg4[%get3A_409] {strides = array<i32>} : memref<65536xf32, #tpu.memory_space<vmem>>, vector<16xf32>,
          %mul3A_411 = arith.constant 8 : i32
          %mul3A_412 = arith.muli %scan3A_355, %mul3A_411 : i32
          %add3A_413 = arith.constant 6 : i32
          %add3A_414 = arith.addi %mul3A_412, %add3A_413 : i32
          %mul3A_415 = arith.constant 16 : i32
          %mul3A_416 = arith.muli %add3A_414, %mul3A_415 : i32
          %add3A_417 = arith.addi %mul3A_30, %mul3A_416 : i32
          %get3A_418 = arith.index_cast %add3A_417 : i32 to index
          %get3A_419 = tpu.vector_load %arg4[%get3A_418] {strides = array<i32>} : memref<65536xf32, #tpu.memory_space<vmem>>, vector<16xf32>,
          %mul3A_420 = arith.constant 8 : i32
          %mul3A_421 = arith.muli %scan3A_355, %mul3A_420 : i32
          %add3A_422 = arith.constant 7 : i32
          %add3A_423 = arith.addi %mul3A_421, %add3A_422 : i32
          %mul3A_424 = arith.constant 16 : i32
          %mul3A_425 = arith.muli %add3A_423, %mul3A_424 : i32
          %add3A_426 = arith.addi %mul3A_30, %mul3A_425 : i32
          %get3A_427 = arith.index_cast %add3A_426 : i32 to index
          %get3A_428 = tpu.vector_load %arg4[%get3A_427] {strides = array<i32>} : memref<65536xf32, #tpu.memory_space<vmem>>, vector<16xf32>,
          %bitcast3A_429 = vector.bitcast %get3A_365 : vector<16xf32> to vector<16xi32>
          %lt3A_430 = arith.constant 0 : i32
          %lt3A_431 = vector.broadcast %lt3A_430 : i32 to vector<16xi32>
          %lt3A_432 = arith.cmpi slt, %bitcast3A_429, %lt3A_431 : vector<16xi32>
          %xor3A_433 = arith.constant 2147483647 : i32
          %xor3A_434 = vector.broadcast %xor3A_433 : i32 to vector<16xi32>
          %xor3A_435 = arith.xori %bitcast3A_429, %xor3A_434 : vector<16xi32>
          %select_n3A_436 = arith.select %lt3A_432, %xor3A_435, %bitcast3A_429 : vector<16xi1>, vector<16xi32>
          %bitcast3A_437 = vector.bitcast %get3A_374 : vector<16xf32> to vector<16xi32>
          %lt3A_438 = arith.constant 0 : i32
          %lt3A_439 = vector.broadcast %lt3A_438 : i32 to vector<16xi32>
          %lt3A_440 = arith.cmpi slt, %bitcast3A_437, %lt3A_439 : vector<16xi32>
          %xor3A_441 = arith.constant 2147483647 : i32
          %xor3A_442 = vector.broadcast %xor3A_441 : i32 to vector<16xi32>
          %xor3A_443 = arith.xori %bitcast3A_437, %xor3A_442 : vector<16xi32>
          %select_n3A_444 = arith.select %lt3A_440, %xor3A_443, %bitcast3A_437 : vector<16xi1>, vector<16xi32>
          %bitcast3A_445 = vector.bitcast %get3A_383 : vector<16xf32> to vector<16xi32>
          %lt3A_446 = arith.constant 0 : i32
          %lt3A_447 = vector.broadcast %lt3A_446 : i32 to vector<16xi32>
          %lt3A_448 = arith.cmpi slt, %bitcast3A_445, %lt3A_447 : vector<16xi32>
          %xor3A_449 = arith.constant 2147483647 : i32
          %xor3A_450 = vector.broadcast %xor3A_449 : i32 to vector<16xi32>
          %xor3A_451 = arith.xori %bitcast3A_445, %xor3A_450 : vector<16xi32>
          %select_n3A_452 = arith.select %lt3A_448, %xor3A_451, %bitcast3A_445 : vector<16xi1>, vector<16xi32>
          %bitcast3A_453 = vector.bitcast %get3A_392 : vector<16xf32> to vector<16xi32>
          %lt3A_454 = arith.constant 0 : i32
          %lt3A_455 = vector.broadcast %lt3A_454 : i32 to vector<16xi32>
          %lt3A_456 = arith.cmpi slt, %bitcast3A_453, %lt3A_455 : vector<16xi32>
          %xor3A_457 = arith.constant 2147483647 : i32
          %xor3A_458 = vector.broadcast %xor3A_457 : i32 to vector<16xi32>
          %xor3A_459 = arith.xori %bitcast3A_453, %xor3A_458 : vector<16xi32>
          %select_n3A_460 = arith.select %lt3A_456, %xor3A_459, %bitcast3A_453 : vector<16xi1>, vector<16xi32>
          %bitcast3A_461 = vector.bitcast %get3A_401 : vector<16xf32> to vector<16xi32>
          %lt3A_462 = arith.constant 0 : i32
          %lt3A_463 = vector.broadcast %lt3A_462 : i32 to vector<16xi32>
          %lt3A_464 = arith.cmpi slt, %bitcast3A_461, %lt3A_463 : vector<16xi32>
          %xor3A_465 = arith.constant 2147483647 : i32
          %xor3A_466 = vector.broadcast %xor3A_465 : i32 to vector<16xi32>
          %xor3A_467 = arith.xori %bitcast3A_461, %xor3A_466 : vector<16xi32>
          %select_n3A_468 = arith.select %lt3A_464, %xor3A_467, %bitcast3A_461 : vector<16xi1>, vector<16xi32>
          %bitcast3A_469 = vector.bitcast %get3A_410 : vector<16xf32> to vector<16xi32>
          %lt3A_470 = arith.constant 0 : i32
          %lt3A_471 = vector.broadcast %lt3A_470 : i32 to vector<16xi32>
          %lt3A_472 = arith.cmpi slt, %bitcast3A_469, %lt3A_471 : vector<16xi32>
          %xor3A_473 = arith.constant 2147483647 : i32
          %xor3A_474 = vector.broadcast %xor3A_473 : i32 to vector<16xi32>
          %xor3A_475 = arith.xori %bitcast3A_469, %xor3A_474 : vector<16xi32>
          %select_n3A_476 = arith.select %lt3A_472, %xor3A_475, %bitcast3A_469 : vector<16xi1>, vector<16xi32>
          %bitcast3A_477 = vector.bitcast %get3A_419 : vector<16xf32> to vector<16xi32>
          %lt3A_478 = arith.constant 0 : i32
          %lt3A_479 = vector.broadcast %lt3A_478 : i32 to vector<16xi32>
          %lt3A_480 = arith.cmpi slt, %bitcast3A_477, %lt3A_479 : vector<16xi32>
          %xor3A_481 = arith.constant 2147483647 : i32
          %xor3A_482 = vector.broadcast %xor3A_481 : i32 to vector<16xi32>
          %xor3A_483 = arith.xori %bitcast3A_477, %xor3A_482 : vector<16xi32>
          %select_n3A_484 = arith.select %lt3A_480, %xor3A_483, %bitcast3A_477 : vector<16xi1>, vector<16xi32>
          %bitcast3A_485 = vector.bitcast %get3A_428 : vector<16xf32> to vector<16xi32>
          %lt3A_486 = arith.constant 0 : i32
          %lt3A_487 = vector.broadcast %lt3A_486 : i32 to vector<16xi32>
          %lt3A_488 = arith.cmpi slt, %bitcast3A_485, %lt3A_487 : vector<16xi32>
          %xor3A_489 = arith.constant 2147483647 : i32
          %xor3A_490 = vector.broadcast %xor3A_489 : i32 to vector<16xi32>
          %xor3A_491 = arith.xori %bitcast3A_485, %xor3A_490 : vector<16xi32>
          %select_n3A_492 = arith.select %lt3A_488, %xor3A_491, %bitcast3A_485 : vector<16xi1>, vector<16xi32>
          %ge3A_493 = vector.broadcast %mul3A_348 : i32 to vector<16xi32>
          %ge3A_494 = arith.cmpi sge, %select_n3A_436, %ge3A_493 : vector<16xi32>
          %ge3A_495 = vector.broadcast %mul3A_348 : i32 to vector<16xi32>
          %ge3A_496 = arith.cmpi sge, %select_n3A_444, %ge3A_495 : vector<16xi32>
          %ge3A_497 = vector.broadcast %mul3A_348 : i32 to vector<16xi32>
          %ge3A_498 = arith.cmpi sge, %select_n3A_452, %ge3A_497 : vector<16xi32>
          %ge3A_499 = vector.broadcast %mul3A_348 : i32 to vector<16xi32>
          %ge3A_500 = arith.cmpi sge, %select_n3A_460, %ge3A_499 : vector<16xi32>
          %ge3A_501 = vector.broadcast %mul3A_348 : i32 to vector<16xi32>
          %ge3A_502 = arith.cmpi sge, %select_n3A_468, %ge3A_501 : vector<16xi32>
          %ge3A_503 = vector.broadcast %mul3A_348 : i32 to vector<16xi32>
          %ge3A_504 = arith.cmpi sge, %select_n3A_476, %ge3A_503 : vector<16xi32>
          %ge3A_505 = vector.broadcast %mul3A_348 : i32 to vector<16xi32>
          %ge3A_506 = arith.cmpi sge, %select_n3A_484, %ge3A_505 : vector<16xi32>
          %ge3A_507 = vector.broadcast %mul3A_348 : i32 to vector<16xi32>
          %ge3A_508 = arith.cmpi sge, %select_n3A_492, %ge3A_507 : vector<16xi32>
          %convert_element_type3A_509 = arith.extui %ge3A_494 : vector<16xi1> to vector<16xi32>
          %convert_element_type3A_510 = arith.extui %ge3A_496 : vector<16xi1> to vector<16xi32>
          %convert_element_type3A_511 = arith.extui %ge3A_498 : vector<16xi1> to vector<16xi32>
          %convert_element_type3A_512 = arith.extui %ge3A_500 : vector<16xi1> to vector<16xi32>
          %convert_element_type3A_513 = arith.extui %ge3A_502 : vector<16xi1> to vector<16xi32>
          %convert_element_type3A_514 = arith.extui %ge3A_504 : vector<16xi1> to vector<16xi32>
          %convert_element_type3A_515 = arith.extui %ge3A_506 : vector<16xi1> to vector<16xi32>
          %convert_element_type3A_516 = arith.extui %ge3A_508 : vector<16xi1> to vector<16xi32>
          %add3A_517 = arith.addi %convert_element_type3A_509, %convert_element_type3A_510 : vector<16xi32>
          %add3A_518 = arith.addi %convert_element_type3A_511, %convert_element_type3A_512 : vector<16xi32>
          %add3A_519 = arith.addi %convert_element_type3A_513, %convert_element_type3A_514 : vector<16xi32>
          %add3A_520 = arith.addi %convert_element_type3A_515, %convert_element_type3A_516 : vector<16xi32>
          %add3A_521 = arith.addi %add3A_517, %add3A_518 : vector<16xi32>
          %add3A_522 = arith.addi %scan3A_356, %convert_element_type3A_509 : vector<16xi32>
          %add3A_523 = arith.addi %scan3A_356, %add3A_517 : vector<16xi32>
          %add3A_524 = arith.addi %add3A_517, %convert_element_type3A_511 : vector<16xi32>
          %add3A_525 = arith.addi %scan3A_356, %add3A_524 : vector<16xi32>
          %add3A_526 = arith.addi %scan3A_356, %add3A_521 : vector<16xi32>
          %add3A_527 = arith.addi %add3A_521, %convert_element_type3A_513 : vector<16xi32>
          %add3A_528 = arith.addi %scan3A_356, %add3A_527 : vector<16xi32>
          %add3A_529 = arith.addi %add3A_521, %add3A_519 : vector<16xi32>
          %add3A_530 = arith.addi %scan3A_356, %add3A_529 : vector<16xi32>
          %add3A_531 = arith.addi %add3A_519, %convert_element_type3A_515 : vector<16xi32>
          %add3A_532 = arith.addi %add3A_521, %add3A_531 : vector<16xi32>
          %add3A_533 = arith.addi %scan3A_356, %add3A_532 : vector<16xi32>
          %lt3A_534 = arith.constant 32 : i32
          %lt3A_535 = vector.broadcast %lt3A_534 : i32 to vector<16xi32>
          %lt3A_536 = arith.cmpi slt, %scan3A_356, %lt3A_535 : vector<16xi32>
          %and3A_537 = arith.andi %ge3A_494, %lt3A_536 : vector<16xi1>
          %mul3A_538 = arith.constant 8 : i32
          %mul3A_539 = arith.muli %scan3A_355, %mul3A_538 : i32
          %add3A_540 = arith.constant 0 : i32
          %add3A_541 = arith.addi %mul3A_539, %add3A_540 : i32
          %mul3A_542 = arith.constant 16 : i32
          %mul3A_543 = arith.muli %add3A_541, %mul3A_542 : i32
          %add3A_544 = vector.broadcast %mul3A_543 : i32 to vector<16xi32>
          %add3A_545 = arith.addi %add3A_544, %iota3A : vector<16xi32>
          %add3A_546 = arith.addi %mul3A_42, %scan3A_356 : vector<16xi32>
          tpu.vector_store_idx %arg6[%add3A_546], %add3A_545 masked %and3A_537 : memref<512xi32, #tpu.memory_space<vmem>>[vector<16xi32>], vector<16xi32>, vector<16xi1>
          %lt3A_547 = arith.constant 32 : i32
          %lt3A_548 = vector.broadcast %lt3A_547 : i32 to vector<16xi32>
          %lt3A_549 = arith.cmpi slt, %add3A_522, %lt3A_548 : vector<16xi32>
          %and3A_550 = arith.andi %ge3A_496, %lt3A_549 : vector<16xi1>
          %mul3A_551 = arith.constant 8 : i32
          %mul3A_552 = arith.muli %scan3A_355, %mul3A_551 : i32
          %add3A_553 = arith.constant 1 : i32
          %add3A_554 = arith.addi %mul3A_552, %add3A_553 : i32
          %mul3A_555 = arith.constant 16 : i32
          %mul3A_556 = arith.muli %add3A_554, %mul3A_555 : i32
          %add3A_557 = vector.broadcast %mul3A_556 : i32 to vector<16xi32>
          %add3A_558 = arith.addi %add3A_557, %iota3A : vector<16xi32>
          %add3A_559 = arith.addi %mul3A_42, %add3A_522 : vector<16xi32>
          tpu.vector_store_idx %arg6[%add3A_559], %add3A_558 masked %and3A_550 : memref<512xi32, #tpu.memory_space<vmem>>[vector<16xi32>], vector<16xi32>, vector<16xi1>
          %lt3A_560 = arith.constant 32 : i32
          %lt3A_561 = vector.broadcast %lt3A_560 : i32 to vector<16xi32>
          %lt3A_562 = arith.cmpi slt, %add3A_523, %lt3A_561 : vector<16xi32>
          %and3A_563 = arith.andi %ge3A_498, %lt3A_562 : vector<16xi1>
          %mul3A_564 = arith.constant 8 : i32
          %mul3A_565 = arith.muli %scan3A_355, %mul3A_564 : i32
          %add3A_566 = arith.constant 2 : i32
          %add3A_567 = arith.addi %mul3A_565, %add3A_566 : i32
          %mul3A_568 = arith.constant 16 : i32
          %mul3A_569 = arith.muli %add3A_567, %mul3A_568 : i32
          %add3A_570 = vector.broadcast %mul3A_569 : i32 to vector<16xi32>
          %add3A_571 = arith.addi %add3A_570, %iota3A : vector<16xi32>
          %add3A_572 = arith.addi %mul3A_42, %add3A_523 : vector<16xi32>
          tpu.vector_store_idx %arg6[%add3A_572], %add3A_571 masked %and3A_563 : memref<512xi32, #tpu.memory_space<vmem>>[vector<16xi32>], vector<16xi32>, vector<16xi1>
          %lt3A_573 = arith.constant 32 : i32
          %lt3A_574 = vector.broadcast %lt3A_573 : i32 to vector<16xi32>
          %lt3A_575 = arith.cmpi slt, %add3A_525, %lt3A_574 : vector<16xi32>
          %and3A_576 = arith.andi %ge3A_500, %lt3A_575 : vector<16xi1>
          %mul3A_577 = arith.constant 8 : i32
          %mul3A_578 = arith.muli %scan3A_355, %mul3A_577 : i32
          %add3A_579 = arith.constant 3 : i32
          %add3A_580 = arith.addi %mul3A_578, %add3A_579 : i32
          %mul3A_581 = arith.constant 16 : i32
          %mul3A_582 = arith.muli %add3A_580, %mul3A_581 : i32
          %add3A_583 = vector.broadcast %mul3A_582 : i32 to vector<16xi32>
          %add3A_584 = arith.addi %add3A_583, %iota3A : vector<16xi32>
          %add3A_585 = arith.addi %mul3A_42, %add3A_525 : vector<16xi32>
          tpu.vector_store_idx %arg6[%add3A_585], %add3A_584 masked %and3A_576 : memref<512xi32, #tpu.memory_space<vmem>>[vector<16xi32>], vector<16xi32>, vector<16xi1>
          %lt3A_586 = arith.constant 32 : i32
          %lt3A_587 = vector.broadcast %lt3A_586 : i32 to vector<16xi32>
          %lt3A_588 = arith.cmpi slt, %add3A_526, %lt3A_587 : vector<16xi32>
          %and3A_589 = arith.andi %ge3A_502, %lt3A_588 : vector<16xi1>
          %mul3A_590 = arith.constant 8 : i32
          %mul3A_591 = arith.muli %scan3A_355, %mul3A_590 : i32
          %add3A_592 = arith.constant 4 : i32
          %add3A_593 = arith.addi %mul3A_591, %add3A_592 : i32
          %mul3A_594 = arith.constant 16 : i32
          %mul3A_595 = arith.muli %add3A_593, %mul3A_594 : i32
          %add3A_596 = vector.broadcast %mul3A_595 : i32 to vector<16xi32>
          %add3A_597 = arith.addi %add3A_596, %iota3A : vector<16xi32>
          %add3A_598 = arith.addi %mul3A_42, %add3A_526 : vector<16xi32>
          tpu.vector_store_idx %arg6[%add3A_598], %add3A_597 masked %and3A_589 : memref<512xi32, #tpu.memory_space<vmem>>[vector<16xi32>], vector<16xi32>, vector<16xi1>
          %lt3A_599 = arith.constant 32 : i32
          %lt3A_600 = vector.broadcast %lt3A_599 : i32 to vector<16xi32>
          %lt3A_601 = arith.cmpi slt, %add3A_528, %lt3A_600 : vector<16xi32>
          %and3A_602 = arith.andi %ge3A_504, %lt3A_601 : vector<16xi1>
          %mul3A_603 = arith.constant 8 : i32
          %mul3A_604 = arith.muli %scan3A_355, %mul3A_603 : i32
          %add3A_605 = arith.constant 5 : i32
          %add3A_606 = arith.addi %mul3A_604, %add3A_605 : i32
          %mul3A_607 = arith.constant 16 : i32
          %mul3A_608 = arith.muli %add3A_606, %mul3A_607 : i32
          %add3A_609 = vector.broadcast %mul3A_608 : i32 to vector<16xi32>
          %add3A_610 = arith.addi %add3A_609, %iota3A : vector<16xi32>
          %add3A_611 = arith.addi %mul3A_42, %add3A_528 : vector<16xi32>
          tpu.vector_store_idx %arg6[%add3A_611], %add3A_610 masked %and3A_602 : memref<512xi32, #tpu.memory_space<vmem>>[vector<16xi32>], vector<16xi32>, vector<16xi1>
          %lt3A_612 = arith.constant 32 : i32
          %lt3A_613 = vector.broadcast %lt3A_612 : i32 to vector<16xi32>
          %lt3A_614 = arith.cmpi slt, %add3A_530, %lt3A_613 : vector<16xi32>
          %and3A_615 = arith.andi %ge3A_506, %lt3A_614 : vector<16xi1>
          %mul3A_616 = arith.constant 8 : i32
          %mul3A_617 = arith.muli %scan3A_355, %mul3A_616 : i32
          %add3A_618 = arith.constant 6 : i32
          %add3A_619 = arith.addi %mul3A_617, %add3A_618 : i32
          %mul3A_620 = arith.constant 16 : i32
          %mul3A_621 = arith.muli %add3A_619, %mul3A_620 : i32
          %add3A_622 = vector.broadcast %mul3A_621 : i32 to vector<16xi32>
          %add3A_623 = arith.addi %add3A_622, %iota3A : vector<16xi32>
          %add3A_624 = arith.addi %mul3A_42, %add3A_530 : vector<16xi32>
          tpu.vector_store_idx %arg6[%add3A_624], %add3A_623 masked %and3A_615 : memref<512xi32, #tpu.memory_space<vmem>>[vector<16xi32>], vector<16xi32>, vector<16xi1>
          %lt3A_625 = arith.constant 32 : i32
          %lt3A_626 = vector.broadcast %lt3A_625 : i32 to vector<16xi32>
          %lt3A_627 = arith.cmpi slt, %add3A_533, %lt3A_626 : vector<16xi32>
          %and3A_628 = arith.andi %ge3A_508, %lt3A_627 : vector<16xi1>
          %mul3A_629 = arith.constant 8 : i32
          %mul3A_630 = arith.muli %scan3A_355, %mul3A_629 : i32
          %add3A_631 = arith.constant 7 : i32
          %add3A_632 = arith.addi %mul3A_630, %add3A_631 : i32
          %mul3A_633 = arith.constant 16 : i32
          %mul3A_634 = arith.muli %add3A_632, %mul3A_633 : i32
          %add3A_635 = vector.broadcast %mul3A_634 : i32 to vector<16xi32>
          %add3A_636 = arith.addi %add3A_635, %iota3A : vector<16xi32>
          %add3A_637 = arith.addi %mul3A_42, %add3A_533 : vector<16xi32>
          tpu.vector_store_idx %arg6[%add3A_637], %add3A_636 masked %and3A_628 : memref<512xi32, #tpu.memory_space<vmem>>[vector<16xi32>], vector<16xi32>, vector<16xi1>
          %add3A_638 = arith.addi %add3A_519, %add3A_520 : vector<16xi32>
          %add3A_639 = arith.addi %add3A_521, %add3A_638 : vector<16xi32>
          %add3A_640 = arith.addi %scan3A_356, %add3A_639 : vector<16xi32>
          scf.yield %add3A_640 : vector<16xi32>
        }
        %scan3A_354 = arith.constant 256 : i32
        scf.yield %mul3A_348, %scan3A_353 : i32, vector<16xi32>
      }
      %min3A = arith.constant 32 : i32
      %min3A_70 = vector.broadcast %min3A : i32 to vector<16xi32>
      %min3A_71 = arith.minsi %cond3A_69#1, %min3A_70 : vector<16xi32>
      %broadcast_in_dim3A_72 = arith.constant true
      %broadcast_in_dim3A_73 = vector.broadcast %broadcast_in_dim3A_72 : i1 to vector<16xi1>
      %masked_cumsum3A = tpu.scan <sum>, %min3A_71 masked %broadcast_in_dim3A_73 : vector<16xi32>, vector<16xi1> -> vector<16xi32>
      %sub3A = arith.subi %masked_cumsum3A, %min3A_71 : vector<16xi32>
      %reduce_sum3A_74 = arith.constant true
      %reduce_sum3A_75 = vector.broadcast %reduce_sum3A_74 : i1 to vector<16xi1>
      %reduce_sum3A_76 = tpu.scan <sum>, %min3A_71 masked %reduce_sum3A_75 : vector<16xi32>, vector<16xi1> -> vector<16xi32>
      %reduce_sum3A_77 = vector.extract %reduce_sum3A_76[15] : i32 from vector<16xi32>
      %broadcast_in_dim3A_78 = arith.constant -2147483648 : i32
      %broadcast_in_dim3A_79 = vector.broadcast %broadcast_in_dim3A_78 : i32 to vector<16xi32>
      %broadcast_in_dim3A_80 = arith.constant 1073741824 : i32
      %broadcast_in_dim3A_81 = vector.broadcast %broadcast_in_dim3A_80 : i32 to vector<16xi32>
      %scan3A_82 = arith.constant 0 : i32
      %scan3A_83 = arith.constant 0 : i32
      %scan3A_84 = arith.constant 8 : i32
      %scan3A_85 = arith.addi %scan3A_83, %scan3A_84 : i32
      %scan3A_86 = arith.constant 1 : i32
      %scan3A_87 = scf.for %scan3A_285 = %scan3A_83 to %scan3A_85 step %scan3A_86 iter_args(%scan3A_286 = %scan3A_82) -> (i32)  : i32 {
        %mul3A_287 = arith.constant 4 : i32
        %mul3A_288 = arith.muli %scan3A_285, %mul3A_287 : i32
        %add3A_289 = arith.constant 0 : i32
        %add3A_290 = arith.addi %mul3A_288, %add3A_289 : i32
        %mul3A_291 = arith.constant 16 : i32
        %mul3A_292 = arith.muli %add3A_290, %mul3A_291 : i32
        %swap3A = arith.index_cast %mul3A_292 : i32 to index
        %swap3A_293 = tpu.vector_load %arg7[%swap3A] {strides = array<i32>} : memref<512xi32, #tpu.memory_space<vmem>>, vector<16xi32>,
        tpu.vector_store %arg7[%swap3A], %broadcast_in_dim3A_79 {strides = array<i32>} : memref<512xi32, #tpu.memory_space<vmem>>, vector<16xi32>,
        %mul3A_294 = arith.constant 4 : i32
        %mul3A_295 = arith.muli %scan3A_285, %mul3A_294 : i32
        %add3A_296 = arith.constant 0 : i32
        %add3A_297 = arith.addi %mul3A_295, %add3A_296 : i32
        %mul3A_298 = arith.constant 16 : i32
        %mul3A_299 = arith.muli %add3A_297, %mul3A_298 : i32
        %swap3A_300 = arith.index_cast %mul3A_299 : i32 to index
        %swap3A_301 = tpu.vector_load %arg8[%swap3A_300] {strides = array<i32>} : memref<512xi32, #tpu.memory_space<vmem>>, vector<16xi32>,
        tpu.vector_store %arg8[%swap3A_300], %broadcast_in_dim3A_81 {strides = array<i32>} : memref<512xi32, #tpu.memory_space<vmem>>, vector<16xi32>,
        %mul3A_302 = arith.constant 4 : i32
        %mul3A_303 = arith.muli %scan3A_285, %mul3A_302 : i32
        %add3A_304 = arith.constant 0 : i32
        %add3A_305 = arith.addi %mul3A_303, %add3A_304 : i32
        %mul3A_306 = arith.constant 16 : i32
        %mul3A_307 = arith.muli %add3A_305, %mul3A_306 : i32
        %swap3A_308 = arith.index_cast %mul3A_307 : i32 to index
        %swap3A_309 = tpu.vector_load %arg9[%swap3A_308] {strides = array<i32>} : memref<512xi32, #tpu.memory_space<vmem>>, vector<16xi32>,
        tpu.vector_store %arg9[%swap3A_308], %broadcast_in_dim3A_2 {strides = array<i32>} : memref<512xi32, #tpu.memory_space<vmem>>, vector<16xi32>,
        %mul3A_310 = arith.constant 4 : i32
        %mul3A_311 = arith.muli %scan3A_285, %mul3A_310 : i32
        %add3A_312 = arith.constant 1 : i32
        %add3A_313 = arith.addi %mul3A_311, %add3A_312 : i32
        %mul3A_314 = arith.constant 16 : i32
        %mul3A_315 = arith.muli %add3A_313, %mul3A_314 : i32
        %swap3A_316 = arith.index_cast %mul3A_315 : i32 to index
        %swap3A_317 = tpu.vector_load %arg7[%swap3A_316] {strides = array<i32>} : memref<512xi32, #tpu.memory_space<vmem>>, vector<16xi32>,
        tpu.vector_store %arg7[%swap3A_316], %broadcast_in_dim3A_79 {strides = array<i32>} : memref<512xi32, #tpu.memory_space<vmem>>, vector<16xi32>,
        %mul3A_318 = arith.constant 4 : i32
        %mul3A_319 = arith.muli %scan3A_285, %mul3A_318 : i32
        %add3A_320 = arith.constant 1 : i32
        %add3A_321 = arith.addi %mul3A_319, %add3A_320 : i32
        %mul3A_322 = arith.constant 16 : i32
        %mul3A_323 = arith.muli %add3A_321, %mul3A_322 : i32
        %swap3A_324 = arith.index_cast %mul3A_323 : i32 to index
        %swap3A_325 = tpu.vector_load %arg8[%swap3A_324] {strides = array<i32>} : memref<512xi32, #tpu.memory_space<vmem>>, vector<16xi32>,
        tpu.vector_store %arg8[%swap3A_324], %broadcast_in_dim3A_81 {strides = array<i32>} : memref<512xi32, #tpu.memory_space<vmem>>, vector<16xi32>,
        %mul3A_326 = arith.constant 4 : i32
        %mul3A_327 = arith.muli %scan3A_285, %mul3A_326 : i32
        %add3A_328 = arith.constant 1 : i32
        %add3A_329 = arith.addi %mul3A_327, %add3A_328 : i32
        %mul3A_330 = arith.constant 16 : i32
        %mul3A_331 = arith.muli %add3A_329, %mul3A_330 : i32
        %swap3A_332 = arith.index_cast %mul3A_331 : i32 to index
        %swap3A_333 = tpu.vector_load %arg9[%swap3A_332] {strides = array<i32>} : memref<512xi32, #tpu.memory_space<vmem>>, vector<16xi32>,
        tpu.vector_store %arg9[%swap3A_332], %broadcast_in_dim3A_2 {strides = array<i32>} : memref<512xi32, #tpu.memory_space<vmem>>, vector<16xi32>,
        %mul3A_334 = arith.constant 4 : i32
        %mul3A_335 = arith.muli %scan3A_285, %mul3A_334 : i32
        %add3A_336 = arith.constant 2 : i32
        %add3A_337 = arith.addi %mul3A_335, %add3A_336 : i32
        %mul3A_338 = arith.constant 16 : i32
        %mul3A_339 = arith.muli %add3A_337, %mul3A_338 : i32
        %swap3A_340 = arith.index_cast %mul3A_339 : i32 to index
        %swap3A_341 = tpu.vector_load %arg7[%swap3A_340] {strides = array<i32>} : memref<512xi32, #tpu.memory_space<vmem>>, vector<16xi32>,
        tpu.vector_store %arg7[%swap3A_340], %broadcast_in_dim3A_79 {strides = array<i32>} : memref<512xi32, #tpu.memory_space<vmem>>, vector<16xi32>,
        %mul3A_342 = arith.constant 4 : i32
        %mul3A_343 = arith.muli %scan3A_285, %mul3A_342 : i32
        %add3A_344 = arith.constant 2 : i32
        %add3A_345 = arith.addi %mul3A_343, %add3A_344 : i32
        %mul3A_346 = arith.constant 16 : i32
        %mul3A_347 = arith.muli %add3A_345, %mul3A_346 : i32
        %swap3A_348 = arith.index_cast %mul3A_347 : i32 to index
        %swap3A_349 = tpu.vector_load %arg8[%swap3A_348] {strides = array<i32>} : memref<512xi32, #tpu.memory_space<vmem>>, vector<16xi32>,
        tpu.vector_store %arg8[%swap3A_348], %broadcast_in_dim3A_81 {strides = array<i32>} : memref<512xi32, #tpu.memory_space<vmem>>, vector<16xi32>,
        %mul3A_350 = arith.constant 4 : i32
        %mul3A_351 = arith.muli %scan3A_285, %mul3A_350 : i32
        %add3A_352 = arith.constant 2 : i32
        %add3A_353 = arith.addi %mul3A_351, %add3A_352 : i32
        %mul3A_354 = arith.constant 16 : i32
        %mul3A_355 = arith.muli %add3A_353, %mul3A_354 : i32
        %swap3A_356 = arith.index_cast %mul3A_355 : i32 to index
        %swap3A_357 = tpu.vector_load %arg9[%swap3A_356] {strides = array<i32>} : memref<512xi32, #tpu.memory_space<vmem>>, vector<16xi32>,
        tpu.vector_store %arg9[%swap3A_356], %broadcast_in_dim3A_2 {strides = array<i32>} : memref<512xi32, #tpu.memory_space<vmem>>, vector<16xi32>,
        %mul3A_358 = arith.constant 4 : i32
        %mul3A_359 = arith.muli %scan3A_285, %mul3A_358 : i32
        %add3A_360 = arith.constant 3 : i32
        %add3A_361 = arith.addi %mul3A_359, %add3A_360 : i32
        %mul3A_362 = arith.constant 16 : i32
        %mul3A_363 = arith.muli %add3A_361, %mul3A_362 : i32
        %swap3A_364 = arith.index_cast %mul3A_363 : i32 to index
        %swap3A_365 = tpu.vector_load %arg7[%swap3A_364] {strides = array<i32>} : memref<512xi32, #tpu.memory_space<vmem>>, vector<16xi32>,
        tpu.vector_store %arg7[%swap3A_364], %broadcast_in_dim3A_79 {strides = array<i32>} : memref<512xi32, #tpu.memory_space<vmem>>, vector<16xi32>,
        %mul3A_366 = arith.constant 4 : i32
        %mul3A_367 = arith.muli %scan3A_285, %mul3A_366 : i32
        %add3A_368 = arith.constant 3 : i32
        %add3A_369 = arith.addi %mul3A_367, %add3A_368 : i32
        %mul3A_370 = arith.constant 16 : i32
        %mul3A_371 = arith.muli %add3A_369, %mul3A_370 : i32
        %swap3A_372 = arith.index_cast %mul3A_371 : i32 to index
        %swap3A_373 = tpu.vector_load %arg8[%swap3A_372] {strides = array<i32>} : memref<512xi32, #tpu.memory_space<vmem>>, vector<16xi32>,
        tpu.vector_store %arg8[%swap3A_372], %broadcast_in_dim3A_81 {strides = array<i32>} : memref<512xi32, #tpu.memory_space<vmem>>, vector<16xi32>,
        %mul3A_374 = arith.constant 4 : i32
        %mul3A_375 = arith.muli %scan3A_285, %mul3A_374 : i32
        %add3A_376 = arith.constant 3 : i32
        %add3A_377 = arith.addi %mul3A_375, %add3A_376 : i32
        %mul3A_378 = arith.constant 16 : i32
        %mul3A_379 = arith.muli %add3A_377, %mul3A_378 : i32
        %swap3A_380 = arith.index_cast %mul3A_379 : i32 to index
        %swap3A_381 = tpu.vector_load %arg9[%swap3A_380] {strides = array<i32>} : memref<512xi32, #tpu.memory_space<vmem>>, vector<16xi32>,
        tpu.vector_store %arg9[%swap3A_380], %broadcast_in_dim3A_2 {strides = array<i32>} : memref<512xi32, #tpu.memory_space<vmem>>, vector<16xi32>,
        %scan3A_382 = arith.constant 0 : i32
        scf.yield %scan3A_382 : i32
      }
      %scan3A_88 = arith.constant 8 : i32
      %scan3A_89 = arith.constant 0 : i32
      %scan3A_90 = arith.constant 0 : i32
      %scan3A_91 = arith.constant 32 : i32
      %scan3A_92 = arith.addi %scan3A_90, %scan3A_91 : i32
      %scan3A_93 = arith.constant 1 : i32
      %scan3A_94 = scf.for %scan3A_285 = %scan3A_90 to %scan3A_92 step %scan3A_93 iter_args(%scan3A_286 = %scan3A_89) -> (i32)  : i32 {
        %shift_right_arithmetic3A_287 = arith.constant 1 : i32
        %shift_right_arithmetic3A_288 = arith.shrsi %scan3A_285, %shift_right_arithmetic3A_287 : i32
        %and3A_289 = arith.constant 1 : i32
        %and3A_290 = arith.andi %scan3A_285, %and3A_289 : i32
        %shift_left3A = arith.constant 4 : i32
        %shift_left3A_291 = arith.shli %and3A_290, %shift_left3A : i32
        %iota3A_292 = tpu.iota {dimensions = array<i32: 0>} : vector<16xi32>
        %eq3A_293 = vector.broadcast %shift_right_arithmetic3A_288 : i32 to vector<16xi32>
        %eq3A_294 = arith.cmpi eq, %iota3A_292, %eq3A_293 : vector<16xi32>
        %broadcast_in_dim3A_295 = arith.constant 0 : i32
        %broadcast_in_dim3A_296 = vector.broadcast %broadcast_in_dim3A_295 : i32 to vector<16xi32>
        %select_n3A_297 = arith.select %eq3A_294, %min3A_71, %broadcast_in_dim3A_296 : vector<16xi1>, vector<16xi32>
        %reduce_sum3A_298 = arith.constant true
        %reduce_sum3A_299 = vector.broadcast %reduce_sum3A_298 : i1 to vector<16xi1>
        %reduce_sum3A_300 = tpu.scan <sum>, %select_n3A_297 masked %reduce_sum3A_299 : vector<16xi32>, vector<16xi1> -> vector<16xi32>
        %reduce_sum3A_301 = vector.extract %reduce_sum3A_300[15] : i32 from vector<16xi32>
        %iota3A_302 = tpu.iota {dimensions = array<i32: 0>} : vector<16xi32>
        %eq3A_303 = vector.broadcast %shift_right_arithmetic3A_288 : i32 to vector<16xi32>
        %eq3A_304 = arith.cmpi eq, %iota3A_302, %eq3A_303 : vector<16xi32>
        %broadcast_in_dim3A_305 = arith.constant 0 : i32
        %broadcast_in_dim3A_306 = vector.broadcast %broadcast_in_dim3A_305 : i32 to vector<16xi32>
        %select_n3A_307 = arith.select %eq3A_304, %sub3A, %broadcast_in_dim3A_306 : vector<16xi1>, vector<16xi32>
        %reduce_sum3A_308 = arith.constant true
        %reduce_sum3A_309 = vector.broadcast %reduce_sum3A_308 : i1 to vector<16xi1>
        %reduce_sum3A_310 = tpu.scan <sum>, %select_n3A_307 masked %reduce_sum3A_309 : vector<16xi32>, vector<16xi1> -> vector<16xi32>
        %reduce_sum3A_311 = vector.extract %reduce_sum3A_310[15] : i32 from vector<16xi32>
        %mul3A_312 = arith.constant 16 : i32
        %mul3A_313 = arith.muli %scan3A_285, %mul3A_312 : i32
        %get3A_314 = arith.index_cast %mul3A_313 : i32 to index
        %get3A_315 = tpu.vector_load %arg6[%get3A_314] {strides = array<i32>} : memref<512xi32, #tpu.memory_space<vmem>>, vector<16xi32>,
        %sub3A_316 = arith.subi %reduce_sum3A_301, %shift_left3A_291 : i32
        %lt3A_317 = vector.broadcast %sub3A_316 : i32 to vector<16xi32>
        %lt3A_318 = arith.cmpi slt, %iota3A, %lt3A_317 : vector<16xi32>
        %add3A_319 = arith.addi %reduce_sum3A_311, %shift_left3A_291 : i32
        %add3A_320 = vector.broadcast %add3A_319 : i32 to vector<16xi32>
        %add3A_321 = arith.addi %add3A_320, %iota3A : vector<16xi32>
        tpu.vector_store_idx %arg8[%add3A_321], %get3A_315 masked %lt3A_318 : memref<512xi32, #tpu.memory_space<vmem>>[vector<16xi32>], vector<16xi32>, vector<16xi1>
        %scan3A_322 = arith.constant 0 : i32
        scf.yield %scan3A_322 : i32
      }
      %scan3A_95 = arith.constant 32 : i32
      %min3A_96 = arith.constant 512 : i32
      %min3A_97 = arith.minsi %reduce_sum3A_77, %min3A_96 : i32
      %add3A_98 = arith.constant 15 : i32
      %add3A_99 = arith.addi %min3A_97, %add3A_98 : i32
      %shift_right_arithmetic3A = arith.constant 4 : i32
      %shift_right_arithmetic3A_100 = arith.shrsi %add3A_99, %shift_right_arithmetic3A : i32
      %while3A = arith.constant 0 : i32
      %while3A_101 = arith.constant 0 : i32
      %while3A_102 = arith.subi %shift_right_arithmetic3A_100, %while3A : i32
      %while3A_103 = arith.addi %while3A, %while3A_102 : i32
      %while3A_104 = arith.constant 1 : i32
      %while3A_105 = arith.divsi %while3A_102, %while3A_104 : i32
      %while3A_106 = arith.muli %while3A_105, %while3A_104 : i32
      %while3A_107 = arith.addi %while3A, %while3A_106 : i32
      %while3A_108 = arith.constant 1 : i32
      %while3A_109 = scf.for %while3A_285 = %while3A to %while3A_107 step %while3A_108 iter_args(%while3A_286 = %while3A_101) -> (i32)  : i32 {
        %mul3A_287 = arith.constant 16 : i32
        %mul3A_288 = arith.muli %while3A_285, %mul3A_287 : i32
        %get3A_289 = arith.index_cast %mul3A_288 : i32 to index
        %get3A_290 = tpu.vector_load %arg8[%get3A_289] {strides = array<i32>} : memref<512xi32, #tpu.memory_space<vmem>>, vector<16xi32>,
        %lt3A_291 = arith.constant 32768 : i32
        %lt3A_292 = vector.broadcast %lt3A_291 : i32 to vector<16xi32>
        %lt3A_293 = arith.cmpi slt, %get3A_290, %lt3A_292 : vector<16xi32>
        %select_n3A_294 = arith.select %lt3A_293, %get3A_290, %broadcast_in_dim3A_2 : vector<16xi1>, vector<16xi32>
        %add3A_295 = vector.broadcast %mul3A_30 : i32 to vector<16xi32>
        %add3A_296 = arith.addi %select_n3A_294, %add3A_295 : vector<16xi32>
        %gather3A = tpu.vector_load_idx %arg4[%add3A_296] : memref<65536xf32, #tpu.memory_space<vmem>>[vector<16xi32>], vector<16xf32>,
        %bitcast3A_297 = vector.bitcast %gather3A : vector<16xf32> to vector<16xi32>
        %lt3A_298 = arith.constant 0 : i32
        %lt3A_299 = vector.broadcast %lt3A_298 : i32 to vector<16xi32>
        %lt3A_300 = arith.cmpi slt, %bitcast3A_297, %lt3A_299 : vector<16xi32>
        %xor3A_301 = arith.constant 2147483647 : i32
        %xor3A_302 = vector.broadcast %xor3A_301 : i32 to vector<16xi32>
        %xor3A_303 = arith.xori %bitcast3A_297, %xor3A_302 : vector<16xi32>
        %select_n3A_304 = arith.select %lt3A_300, %xor3A_303, %bitcast3A_297 : vector<16xi1>, vector<16xi32>
        %jit3A_305 = arith.constant -2147483648 : i32
        %broadcast_in_dim3A_306 = vector.broadcast %jit3A_305 : i32 to vector<16xi32>
        %select_n3A_307 = arith.select %lt3A_293, %select_n3A_304, %broadcast_in_dim3A_306 : vector<16xi1>, vector<16xi32>
        %mul3A_308 = arith.constant 16 : i32
        %mul3A_309 = arith.muli %while3A_285, %mul3A_308 : i32
        %swap3A = arith.index_cast %mul3A_309 : i32 to index
        %swap3A_310 = tpu.vector_load %arg7[%swap3A] {strides = array<i32>} : memref<512xi32, #tpu.memory_space<vmem>>, vector<16xi32>,
        tpu.vector_store %arg7[%swap3A], %select_n3A_307 {strides = array<i32>} : memref<512xi32, #tpu.memory_space<vmem>>, vector<16xi32>,
        %while3A_311 = arith.constant 0 : i32
        scf.yield %while3A_311 : i32
      }
      %while3A_110 = arith.constant 1 : i32
      %while3A_111 = scf.for %while3A_285 = %while3A_107 to %while3A_103 step %while3A_110 iter_args(%while3A_286 = %while3A_109) -> (i32)  : i32 {
        %mul3A_287 = arith.constant 16 : i32
        %mul3A_288 = arith.muli %while3A_285, %mul3A_287 : i32
        %get3A_289 = arith.index_cast %mul3A_288 : i32 to index
        %get3A_290 = tpu.vector_load %arg8[%get3A_289] {strides = array<i32>} : memref<512xi32, #tpu.memory_space<vmem>>, vector<16xi32>,
        %lt3A_291 = arith.constant 32768 : i32
        %lt3A_292 = vector.broadcast %lt3A_291 : i32 to vector<16xi32>
        %lt3A_293 = arith.cmpi slt, %get3A_290, %lt3A_292 : vector<16xi32>
        %select_n3A_294 = arith.select %lt3A_293, %get3A_290, %broadcast_in_dim3A_2 : vector<16xi1>, vector<16xi32>
        %add3A_295 = vector.broadcast %mul3A_30 : i32 to vector<16xi32>
        %add3A_296 = arith.addi %select_n3A_294, %add3A_295 : vector<16xi32>
        %gather3A = tpu.vector_load_idx %arg4[%add3A_296] : memref<65536xf32, #tpu.memory_space<vmem>>[vector<16xi32>], vector<16xf32>,
        %bitcast3A_297 = vector.bitcast %gather3A : vector<16xf32> to vector<16xi32>
        %lt3A_298 = arith.constant 0 : i32
        %lt3A_299 = vector.broadcast %lt3A_298 : i32 to vector<16xi32>
        %lt3A_300 = arith.cmpi slt, %bitcast3A_297, %lt3A_299 : vector<16xi32>
        %xor3A_301 = arith.constant 2147483647 : i32
        %xor3A_302 = vector.broadcast %xor3A_301 : i32 to vector<16xi32>
        %xor3A_303 = arith.xori %bitcast3A_297, %xor3A_302 : vector<16xi32>
        %select_n3A_304 = arith.select %lt3A_300, %xor3A_303, %bitcast3A_297 : vector<16xi1>, vector<16xi32>
        %jit3A_305 = arith.constant -2147483648 : i32
        %broadcast_in_dim3A_306 = vector.broadcast %jit3A_305 : i32 to vector<16xi32>
        %select_n3A_307 = arith.select %lt3A_293, %select_n3A_304, %broadcast_in_dim3A_306 : vector<16xi1>, vector<16xi32>
        %mul3A_308 = arith.constant 16 : i32
        %mul3A_309 = arith.muli %while3A_285, %mul3A_308 : i32
        %swap3A = arith.index_cast %mul3A_309 : i32 to index
        %swap3A_310 = tpu.vector_load %arg7[%swap3A] {strides = array<i32>} : memref<512xi32, #tpu.memory_space<vmem>>, vector<16xi32>,
        tpu.vector_store %arg7[%swap3A], %select_n3A_307 {strides = array<i32>} : memref<512xi32, #tpu.memory_space<vmem>>, vector<16xi32>,
        %while3A_311 = arith.constant 0 : i32
        scf.yield %while3A_311 : i32
      }
      %add3A_112 = arith.constant 3 : i32
      %add3A_113 = arith.addi %shift_right_arithmetic3A_100, %add3A_112 : i32
      %shift_right_arithmetic3A_114 = arith.constant 2 : i32
      %shift_right_arithmetic3A_115 = arith.shrsi %add3A_113, %shift_right_arithmetic3A_114 : i32
      %add3A_116 = arith.constant 4 : i32
      %add3A_117 = arith.addi %min3A_97, %add3A_116 : i32
      %sub3A_118 = arith.constant 1 : i32
      %sub3A_119 = arith.subi %add3A_117, %sub3A_118 : i32
      %shift_right_arithmetic3A_120 = arith.constant 2 : i32
      %shift_right_arithmetic3A_121 = arith.shrsi %sub3A_119, %shift_right_arithmetic3A_120 : i32
      %while3A_122 = arith.constant 0 : i32
      %while3A_123 = arith.constant 0 : i32
      %while3A_124 = arith.subi %shift_right_arithmetic3A_121, %while3A_122 : i32
      %while3A_125 = arith.addi %while3A_122, %while3A_124 : i32
      %while3A_126 = arith.constant 1 : i32
      %while3A_127 = arith.divsi %while3A_124, %while3A_126 : i32
      %while3A_128 = arith.muli %while3A_127, %while3A_126 : i32
      %while3A_129 = arith.addi %while3A_122, %while3A_128 : i32
      %while3A_130 = arith.constant 1 : i32
      %while3A_131 = scf.for %while3A_285 = %while3A_122 to %while3A_129 step %while3A_130 iter_args(%while3A_286 = %while3A_123) -> (i32)  : i32 {
        %mul3A_287 = arith.constant 4 : i32
        %mul3A_288 = arith.muli %while3A_285, %mul3A_287 : i32
        %add3A_289 = arith.constant 0 : i32
        %add3A_290 = arith.addi %mul3A_288, %add3A_289 : i32
        %min3A_291 = arith.constant 511 : i32
        %min3A_292 = arith.minsi %add3A_290, %min3A_291 : i32
        %add3A_293 = vector.broadcast %min3A_292 : i32 to vector<16xi32>
        %add3A_294 = arith.addi %broadcast_in_dim3A_2, %add3A_293 : vector<16xi32>
        %lt3A_295 = arith.cmpi slt, %add3A_290, %min3A_97 : i32
        %gather3A = tpu.vector_load_idx %arg7[%add3A_294] : memref<512xi32, #tpu.memory_space<vmem>>[vector<16xi32>], vector<16xi32>,
        %jit3A_296 = arith.constant -2147483648 : i32
        %broadcast_in_dim3A_297 = vector.broadcast %jit3A_296 : i32 to vector<16xi32>
        %select_n3A_298 = arith.select %lt3A_295, %gather3A, %broadcast_in_dim3A_297 : vector<16xi32>
        %gather3A_299 = tpu.vector_load_idx %arg8[%add3A_294] : memref<512xi32, #tpu.memory_space<vmem>>[vector<16xi32>], vector<16xi32>,
        %jit3A_300 = arith.constant 1073741824 : i32
        %broadcast_in_dim3A_301 = vector.broadcast %jit3A_300 : i32 to vector<16xi32>
        %select_n3A_302 = arith.select %lt3A_295, %gather3A_299, %broadcast_in_dim3A_301 : vector<16xi32>
        %mul3A_303 = arith.constant 4 : i32
        %mul3A_304 = arith.muli %while3A_285, %mul3A_303 : i32
        %add3A_305 = arith.constant 1 : i32
        %add3A_306 = arith.addi %mul3A_304, %add3A_305 : i32
        %min3A_307 = arith.constant 511 : i32
        %min3A_308 = arith.minsi %add3A_306, %min3A_307 : i32
        %add3A_309 = vector.broadcast %min3A_308 : i32 to vector<16xi32>
        %add3A_310 = arith.addi %broadcast_in_dim3A_2, %add3A_309 : vector<16xi32>
        %lt3A_311 = arith.cmpi slt, %add3A_306, %min3A_97 : i32
        %gather3A_312 = tpu.vector_load_idx %arg7[%add3A_310] : memref<512xi32, #tpu.memory_space<vmem>>[vector<16xi32>], vector<16xi32>,
        %jit3A_313 = arith.constant -2147483648 : i32
        %broadcast_in_dim3A_314 = vector.broadcast %jit3A_313 : i32 to vector<16xi32>
        %select_n3A_315 = arith.select %lt3A_311, %gather3A_312, %broadcast_in_dim3A_314 : vector<16xi32>
        %gather3A_316 = tpu.vector_load_idx %arg8[%add3A_310] : memref<512xi32, #tpu.memory_space<vmem>>[vector<16xi32>], vector<16xi32>,
        %jit3A_317 = arith.constant 1073741824 : i32
        %broadcast_in_dim3A_318 = vector.broadcast %jit3A_317 : i32 to vector<16xi32>
        %select_n3A_319 = arith.select %lt3A_311, %gather3A_316, %broadcast_in_dim3A_318 : vector<16xi32>
        %mul3A_320 = arith.constant 4 : i32
        %mul3A_321 = arith.muli %while3A_285, %mul3A_320 : i32
        %add3A_322 = arith.constant 2 : i32
        %add3A_323 = arith.addi %mul3A_321, %add3A_322 : i32
        %min3A_324 = arith.constant 511 : i32
        %min3A_325 = arith.minsi %add3A_323, %min3A_324 : i32
        %add3A_326 = vector.broadcast %min3A_325 : i32 to vector<16xi32>
        %add3A_327 = arith.addi %broadcast_in_dim3A_2, %add3A_326 : vector<16xi32>
        %lt3A_328 = arith.cmpi slt, %add3A_323, %min3A_97 : i32
        %gather3A_329 = tpu.vector_load_idx %arg7[%add3A_327] : memref<512xi32, #tpu.memory_space<vmem>>[vector<16xi32>], vector<16xi32>,
        %jit3A_330 = arith.constant -2147483648 : i32
        %broadcast_in_dim3A_331 = vector.broadcast %jit3A_330 : i32 to vector<16xi32>
        %select_n3A_332 = arith.select %lt3A_328, %gather3A_329, %broadcast_in_dim3A_331 : vector<16xi32>
        %gather3A_333 = tpu.vector_load_idx %arg8[%add3A_327] : memref<512xi32, #tpu.memory_space<vmem>>[vector<16xi32>], vector<16xi32>,
        %jit3A_334 = arith.constant 1073741824 : i32
        %broadcast_in_dim3A_335 = vector.broadcast %jit3A_334 : i32 to vector<16xi32>
        %select_n3A_336 = arith.select %lt3A_328, %gather3A_333, %broadcast_in_dim3A_335 : vector<16xi32>
        %mul3A_337 = arith.constant 4 : i32
        %mul3A_338 = arith.muli %while3A_285, %mul3A_337 : i32
        %add3A_339 = arith.constant 3 : i32
        %add3A_340 = arith.addi %mul3A_338, %add3A_339 : i32
        %min3A_341 = arith.constant 511 : i32
        %min3A_342 = arith.minsi %add3A_340, %min3A_341 : i32
        %add3A_343 = vector.broadcast %min3A_342 : i32 to vector<16xi32>
        %add3A_344 = arith.addi %broadcast_in_dim3A_2, %add3A_343 : vector<16xi32>
        %lt3A_345 = arith.cmpi slt, %add3A_340, %min3A_97 : i32
        %gather3A_346 = tpu.vector_load_idx %arg7[%add3A_344] : memref<512xi32, #tpu.memory_space<vmem>>[vector<16xi32>], vector<16xi32>,
        %jit3A_347 = arith.constant -2147483648 : i32
        %broadcast_in_dim3A_348 = vector.broadcast %jit3A_347 : i32 to vector<16xi32>
        %select_n3A_349 = arith.select %lt3A_345, %gather3A_346, %broadcast_in_dim3A_348 : vector<16xi32>
        %gather3A_350 = tpu.vector_load_idx %arg8[%add3A_344] : memref<512xi32, #tpu.memory_space<vmem>>[vector<16xi32>], vector<16xi32>,
        %jit3A_351 = arith.constant 1073741824 : i32
        %broadcast_in_dim3A_352 = vector.broadcast %jit3A_351 : i32 to vector<16xi32>
        %select_n3A_353 = arith.select %lt3A_345, %gather3A_350, %broadcast_in_dim3A_352 : vector<16xi32>
        %while3A_354 = arith.constant 0 : i32
        %while3A_355 = arith.constant 0 : i32
        %while3A_356 = arith.subi %shift_right_arithmetic3A_115, %while3A_354 : i32
        %while3A_357 = arith.addi %while3A_354, %while3A_356 : i32
        %while3A_358 = arith.constant 1 : i32
        %while3A_359 = arith.divsi %while3A_356, %while3A_358 : i32
        %while3A_360 = arith.muli %while3A_359, %while3A_358 : i32
        %while3A_361 = arith.addi %while3A_354, %while3A_360 : i32
        %while3A_362 = arith.constant 1 : i32
        %while3A_363 = scf.for %while3A_367 = %while3A_354 to %while3A_361 step %while3A_362 iter_args(%while3A_368 = %while3A_355) -> (i32)  : i32 {
          %mul3A_369 = arith.constant 4 : i32
          %mul3A_370 = arith.muli %while3A_367, %mul3A_369 : i32
          %add3A_371 = arith.constant 0 : i32
          %add3A_372 = arith.addi %mul3A_370, %add3A_371 : i32
          %mul3A_373 = arith.constant 16 : i32
          %mul3A_374 = arith.muli %add3A_372, %mul3A_373 : i32
          %get3A_375 = arith.index_cast %mul3A_374 : i32 to index
          %get3A_376 = tpu.vector_load %arg7[%get3A_375] {strides = array<i32>} : memref<512xi32, #tpu.memory_space<vmem>>, vector<16xi32>,
          %mul3A_377 = arith.constant 4 : i32
          %mul3A_378 = arith.muli %while3A_367, %mul3A_377 : i32
          %add3A_379 = arith.constant 1 : i32
          %add3A_380 = arith.addi %mul3A_378, %add3A_379 : i32
          %mul3A_381 = arith.constant 16 : i32
          %mul3A_382 = arith.muli %add3A_380, %mul3A_381 : i32
          %get3A_383 = arith.index_cast %mul3A_382 : i32 to index
          %get3A_384 = tpu.vector_load %arg7[%get3A_383] {strides = array<i32>} : memref<512xi32, #tpu.memory_space<vmem>>, vector<16xi32>,
          %mul3A_385 = arith.constant 4 : i32
          %mul3A_386 = arith.muli %while3A_367, %mul3A_385 : i32
          %add3A_387 = arith.constant 2 : i32
          %add3A_388 = arith.addi %mul3A_386, %add3A_387 : i32
          %mul3A_389 = arith.constant 16 : i32
          %mul3A_390 = arith.muli %add3A_388, %mul3A_389 : i32
          %get3A_391 = arith.index_cast %mul3A_390 : i32 to index
          %get3A_392 = tpu.vector_load %arg7[%get3A_391] {strides = array<i32>} : memref<512xi32, #tpu.memory_space<vmem>>, vector<16xi32>,
          %mul3A_393 = arith.constant 4 : i32
          %mul3A_394 = arith.muli %while3A_367, %mul3A_393 : i32
          %add3A_395 = arith.constant 3 : i32
          %add3A_396 = arith.addi %mul3A_394, %add3A_395 : i32
          %mul3A_397 = arith.constant 16 : i32
          %mul3A_398 = arith.muli %add3A_396, %mul3A_397 : i32
          %get3A_399 = arith.index_cast %mul3A_398 : i32 to index
          %get3A_400 = tpu.vector_load %arg7[%get3A_399] {strides = array<i32>} : memref<512xi32, #tpu.memory_space<vmem>>, vector<16xi32>,
          %mul3A_401 = arith.constant 4 : i32
          %mul3A_402 = arith.muli %while3A_367, %mul3A_401 : i32
          %add3A_403 = arith.constant 0 : i32
          %add3A_404 = arith.addi %mul3A_402, %add3A_403 : i32
          %mul3A_405 = arith.constant 16 : i32
          %mul3A_406 = arith.muli %add3A_404, %mul3A_405 : i32
          %get3A_407 = arith.index_cast %mul3A_406 : i32 to index
          %get3A_408 = tpu.vector_load %arg8[%get3A_407] {strides = array<i32>} : memref<512xi32, #tpu.memory_space<vmem>>, vector<16xi32>,
          %mul3A_409 = arith.constant 4 : i32
          %mul3A_410 = arith.muli %while3A_367, %mul3A_409 : i32
          %add3A_411 = arith.constant 1 : i32
          %add3A_412 = arith.addi %mul3A_410, %add3A_411 : i32
          %mul3A_413 = arith.constant 16 : i32
          %mul3A_414 = arith.muli %add3A_412, %mul3A_413 : i32
          %get3A_415 = arith.index_cast %mul3A_414 : i32 to index
          %get3A_416 = tpu.vector_load %arg8[%get3A_415] {strides = array<i32>} : memref<512xi32, #tpu.memory_space<vmem>>, vector<16xi32>,
          %mul3A_417 = arith.constant 4 : i32
          %mul3A_418 = arith.muli %while3A_367, %mul3A_417 : i32
          %add3A_419 = arith.constant 2 : i32
          %add3A_420 = arith.addi %mul3A_418, %add3A_419 : i32
          %mul3A_421 = arith.constant 16 : i32
          %mul3A_422 = arith.muli %add3A_420, %mul3A_421 : i32
          %get3A_423 = arith.index_cast %mul3A_422 : i32 to index
          %get3A_424 = tpu.vector_load %arg8[%get3A_423] {strides = array<i32>} : memref<512xi32, #tpu.memory_space<vmem>>, vector<16xi32>,
          %mul3A_425 = arith.constant 4 : i32
          %mul3A_426 = arith.muli %while3A_367, %mul3A_425 : i32
          %add3A_427 = arith.constant 3 : i32
          %add3A_428 = arith.addi %mul3A_426, %add3A_427 : i32
          %mul3A_429 = arith.constant 16 : i32
          %mul3A_430 = arith.muli %add3A_428, %mul3A_429 : i32
          %get3A_431 = arith.index_cast %mul3A_430 : i32 to index
          %get3A_432 = tpu.vector_load %arg8[%get3A_431] {strides = array<i32>} : memref<512xi32, #tpu.memory_space<vmem>>, vector<16xi32>,
          %mul3A_433 = arith.constant 4 : i32
          %mul3A_434 = arith.muli %while3A_367, %mul3A_433 : i32
          %add3A_435 = arith.constant 0 : i32
          %add3A_436 = arith.addi %mul3A_434, %add3A_435 : i32
          %mul3A_437 = arith.constant 16 : i32
          %mul3A_438 = arith.muli %add3A_436, %mul3A_437 : i32
          %get3A_439 = arith.index_cast %mul3A_438 : i32 to index
          %get3A_440 = tpu.vector_load %arg9[%get3A_439] {strides = array<i32>} : memref<512xi32, #tpu.memory_space<vmem>>, vector<16xi32>,
          %mul3A_441 = arith.constant 4 : i32
          %mul3A_442 = arith.muli %while3A_367, %mul3A_441 : i32
          %add3A_443 = arith.constant 1 : i32
          %add3A_444 = arith.addi %mul3A_442, %add3A_443 : i32
          %mul3A_445 = arith.constant 16 : i32
          %mul3A_446 = arith.muli %add3A_444, %mul3A_445 : i32
          %get3A_447 = arith.index_cast %mul3A_446 : i32 to index
          %get3A_448 = tpu.vector_load %arg9[%get3A_447] {strides = array<i32>} : memref<512xi32, #tpu.memory_space<vmem>>, vector<16xi32>,
          %mul3A_449 = arith.constant 4 : i32
          %mul3A_450 = arith.muli %while3A_367, %mul3A_449 : i32
          %add3A_451 = arith.constant 2 : i32
          %add3A_452 = arith.addi %mul3A_450, %add3A_451 : i32
          %mul3A_453 = arith.constant 16 : i32
          %mul3A_454 = arith.muli %add3A_452, %mul3A_453 : i32
          %get3A_455 = arith.index_cast %mul3A_454 : i32 to index
          %get3A_456 = tpu.vector_load %arg9[%get3A_455] {strides = array<i32>} : memref<512xi32, #tpu.memory_space<vmem>>, vector<16xi32>,
          %mul3A_457 = arith.constant 4 : i32
          %mul3A_458 = arith.muli %while3A_367, %mul3A_457 : i32
          %add3A_459 = arith.constant 3 : i32
          %add3A_460 = arith.addi %mul3A_458, %add3A_459 : i32
          %mul3A_461 = arith.constant 16 : i32
          %mul3A_462 = arith.muli %add3A_460, %mul3A_461 : i32
          %get3A_463 = arith.index_cast %mul3A_462 : i32 to index
          %get3A_464 = tpu.vector_load %arg9[%get3A_463] {strides = array<i32>} : memref<512xi32, #tpu.memory_space<vmem>>, vector<16xi32>,
          %gt3A_465 = arith.cmpi sgt, %select_n3A_298, %get3A_376 : vector<16xi32>
          %convert_element_type3A_466 = arith.extui %gt3A_465 : vector<16xi1> to vector<16xi32>
          %eq3A_467 = arith.cmpi eq, %select_n3A_298, %get3A_376 : vector<16xi32>
          %lt3A_468 = arith.cmpi slt, %select_n3A_302, %get3A_408 : vector<16xi32>
          %and3A_469 = arith.andi %eq3A_467, %lt3A_468 : vector<16xi1>
          %convert_element_type3A_470 = arith.extui %and3A_469 : vector<16xi1> to vector<16xi32>
          %add3A_471 = arith.addi %convert_element_type3A_466, %convert_element_type3A_470 : vector<16xi32>
          %gt3A_472 = arith.cmpi sgt, %select_n3A_315, %get3A_376 : vector<16xi32>
          %convert_element_type3A_473 = arith.extui %gt3A_472 : vector<16xi1> to vector<16xi32>
          %eq3A_474 = arith.cmpi eq, %select_n3A_315, %get3A_376 : vector<16xi32>
          %lt3A_475 = arith.cmpi slt, %select_n3A_319, %get3A_408 : vector<16xi32>
          %and3A_476 = arith.andi %eq3A_474, %lt3A_475 : vector<16xi1>
          %convert_element_type3A_477 = arith.extui %and3A_476 : vector<16xi1> to vector<16xi32>
          %add3A_478 = arith.addi %convert_element_type3A_473, %convert_element_type3A_477 : vector<16xi32>
          %gt3A_479 = arith.cmpi sgt, %select_n3A_332, %get3A_376 : vector<16xi32>
          %convert_element_type3A_480 = arith.extui %gt3A_479 : vector<16xi1> to vector<16xi32>
          %eq3A_481 = arith.cmpi eq, %select_n3A_332, %get3A_376 : vector<16xi32>
          %lt3A_482 = arith.cmpi slt, %select_n3A_336, %get3A_408 : vector<16xi32>
          %and3A_483 = arith.andi %eq3A_481, %lt3A_482 : vector<16xi1>
          %convert_element_type3A_484 = arith.extui %and3A_483 : vector<16xi1> to vector<16xi32>
          %add3A_485 = arith.addi %convert_element_type3A_480, %convert_element_type3A_484 : vector<16xi32>
          %gt3A_486 = arith.cmpi sgt, %select_n3A_349, %get3A_376 : vector<16xi32>
          %convert_element_type3A_487 = arith.extui %gt3A_486 : vector<16xi1> to vector<16xi32>
          %eq3A_488 = arith.cmpi eq, %select_n3A_349, %get3A_376 : vector<16xi32>
          %lt3A_489 = arith.cmpi slt, %select_n3A_353, %get3A_408 : vector<16xi32>
          %and3A_490 = arith.andi %eq3A_488, %lt3A_489 : vector<16xi1>
          %convert_element_type3A_491 = arith.extui %and3A_490 : vector<16xi1> to vector<16xi32>
          %add3A_492 = arith.addi %convert_element_type3A_487, %convert_element_type3A_491 : vector<16xi32>
          %add3A_493 = arith.addi %add3A_471, %add3A_478 : vector<16xi32>
          %add3A_494 = arith.addi %add3A_485, %add3A_492 : vector<16xi32>
          %add3A_495 = arith.addi %add3A_493, %add3A_494 : vector<16xi32>
          %add3A_496 = arith.addi %get3A_440, %add3A_495 : vector<16xi32>
          %mul3A_497 = arith.constant 4 : i32
          %mul3A_498 = arith.muli %while3A_367, %mul3A_497 : i32
          %add3A_499 = arith.constant 0 : i32
          %add3A_500 = arith.addi %mul3A_498, %add3A_499 : i32
          %mul3A_501 = arith.constant 16 : i32
          %mul3A_502 = arith.muli %add3A_500, %mul3A_501 : i32
          %swap3A = arith.index_cast %mul3A_502 : i32 to index
          %swap3A_503 = tpu.vector_load %arg9[%swap3A] {strides = array<i32>} : memref<512xi32, #tpu.memory_space<vmem>>, vector<16xi32>,
          tpu.vector_store %arg9[%swap3A], %add3A_496 {strides = array<i32>} : memref<512xi32, #tpu.memory_space<vmem>>, vector<16xi32>,
          %gt3A_504 = arith.cmpi sgt, %select_n3A_298, %get3A_384 : vector<16xi32>
          %convert_element_type3A_505 = arith.extui %gt3A_504 : vector<16xi1> to vector<16xi32>
          %eq3A_506 = arith.cmpi eq, %select_n3A_298, %get3A_384 : vector<16xi32>
          %lt3A_507 = arith.cmpi slt, %select_n3A_302, %get3A_416 : vector<16xi32>
          %and3A_508 = arith.andi %eq3A_506, %lt3A_507 : vector<16xi1>
          %convert_element_type3A_509 = arith.extui %and3A_508 : vector<16xi1> to vector<16xi32>
          %add3A_510 = arith.addi %convert_element_type3A_505, %convert_element_type3A_509 : vector<16xi32>
          %gt3A_511 = arith.cmpi sgt, %select_n3A_315, %get3A_384 : vector<16xi32>
          %convert_element_type3A_512 = arith.extui %gt3A_511 : vector<16xi1> to vector<16xi32>
          %eq3A_513 = arith.cmpi eq, %select_n3A_315, %get3A_384 : vector<16xi32>
          %lt3A_514 = arith.cmpi slt, %select_n3A_319, %get3A_416 : vector<16xi32>
          %and3A_515 = arith.andi %eq3A_513, %lt3A_514 : vector<16xi1>
          %convert_element_type3A_516 = arith.extui %and3A_515 : vector<16xi1> to vector<16xi32>
          %add3A_517 = arith.addi %convert_element_type3A_512, %convert_element_type3A_516 : vector<16xi32>
          %gt3A_518 = arith.cmpi sgt, %select_n3A_332, %get3A_384 : vector<16xi32>
          %convert_element_type3A_519 = arith.extui %gt3A_518 : vector<16xi1> to vector<16xi32>
          %eq3A_520 = arith.cmpi eq, %select_n3A_332, %get3A_384 : vector<16xi32>
          %lt3A_521 = arith.cmpi slt, %select_n3A_336, %get3A_416 : vector<16xi32>
          %and3A_522 = arith.andi %eq3A_520, %lt3A_521 : vector<16xi1>
          %convert_element_type3A_523 = arith.extui %and3A_522 : vector<16xi1> to vector<16xi32>
          %add3A_524 = arith.addi %convert_element_type3A_519, %convert_element_type3A_523 : vector<16xi32>
          %gt3A_525 = arith.cmpi sgt, %select_n3A_349, %get3A_384 : vector<16xi32>
          %convert_element_type3A_526 = arith.extui %gt3A_525 : vector<16xi1> to vector<16xi32>
          %eq3A_527 = arith.cmpi eq, %select_n3A_349, %get3A_384 : vector<16xi32>
          %lt3A_528 = arith.cmpi slt, %select_n3A_353, %get3A_416 : vector<16xi32>
          %and3A_529 = arith.andi %eq3A_527, %lt3A_528 : vector<16xi1>
          %convert_element_type3A_530 = arith.extui %and3A_529 : vector<16xi1> to vector<16xi32>
          %add3A_531 = arith.addi %convert_element_type3A_526, %convert_element_type3A_530 : vector<16xi32>
          %add3A_532 = arith.addi %add3A_510, %add3A_517 : vector<16xi32>
          %add3A_533 = arith.addi %add3A_524, %add3A_531 : vector<16xi32>
          %add3A_534 = arith.addi %add3A_532, %add3A_533 : vector<16xi32>
          %add3A_535 = arith.addi %get3A_448, %add3A_534 : vector<16xi32>
          %mul3A_536 = arith.constant 4 : i32
          %mul3A_537 = arith.muli %while3A_367, %mul3A_536 : i32
          %add3A_538 = arith.constant 1 : i32
          %add3A_539 = arith.addi %mul3A_537, %add3A_538 : i32
          %mul3A_540 = arith.constant 16 : i32
          %mul3A_541 = arith.muli %add3A_539, %mul3A_540 : i32
          %swap3A_542 = arith.index_cast %mul3A_541 : i32 to index
          %swap3A_543 = tpu.vector_load %arg9[%swap3A_542] {strides = array<i32>} : memref<512xi32, #tpu.memory_space<vmem>>, vector<16xi32>,
          tpu.vector_store %arg9[%swap3A_542], %add3A_535 {strides = array<i32>} : memref<512xi32, #tpu.memory_space<vmem>>, vector<16xi32>,
          %gt3A_544 = arith.cmpi sgt, %select_n3A_298, %get3A_392 : vector<16xi32>
          %convert_element_type3A_545 = arith.extui %gt3A_544 : vector<16xi1> to vector<16xi32>
          %eq3A_546 = arith.cmpi eq, %select_n3A_298, %get3A_392 : vector<16xi32>
          %lt3A_547 = arith.cmpi slt, %select_n3A_302, %get3A_424 : vector<16xi32>
          %and3A_548 = arith.andi %eq3A_546, %lt3A_547 : vector<16xi1>
          %convert_element_type3A_549 = arith.extui %and3A_548 : vector<16xi1> to vector<16xi32>
          %add3A_550 = arith.addi %convert_element_type3A_545, %convert_element_type3A_549 : vector<16xi32>
          %gt3A_551 = arith.cmpi sgt, %select_n3A_315, %get3A_392 : vector<16xi32>
          %convert_element_type3A_552 = arith.extui %gt3A_551 : vector<16xi1> to vector<16xi32>
          %eq3A_553 = arith.cmpi eq, %select_n3A_315, %get3A_392 : vector<16xi32>
          %lt3A_554 = arith.cmpi slt, %select_n3A_319, %get3A_424 : vector<16xi32>
          %and3A_555 = arith.andi %eq3A_553, %lt3A_554 : vector<16xi1>
          %convert_element_type3A_556 = arith.extui %and3A_555 : vector<16xi1> to vector<16xi32>
          %add3A_557 = arith.addi %convert_element_type3A_552, %convert_element_type3A_556 : vector<16xi32>
          %gt3A_558 = arith.cmpi sgt, %select_n3A_332, %get3A_392 : vector<16xi32>
          %convert_element_type3A_559 = arith.extui %gt3A_558 : vector<16xi1> to vector<16xi32>
          %eq3A_560 = arith.cmpi eq, %select_n3A_332, %get3A_392 : vector<16xi32>
          %lt3A_561 = arith.cmpi slt, %select_n3A_336, %get3A_424 : vector<16xi32>
          %and3A_562 = arith.andi %eq3A_560, %lt3A_561 : vector<16xi1>
          %convert_element_type3A_563 = arith.extui %and3A_562 : vector<16xi1> to vector<16xi32>
          %add3A_564 = arith.addi %convert_element_type3A_559, %convert_element_type3A_563 : vector<16xi32>
          %gt3A_565 = arith.cmpi sgt, %select_n3A_349, %get3A_392 : vector<16xi32>
          %convert_element_type3A_566 = arith.extui %gt3A_565 : vector<16xi1> to vector<16xi32>
          %eq3A_567 = arith.cmpi eq, %select_n3A_349, %get3A_392 : vector<16xi32>
          %lt3A_568 = arith.cmpi slt, %select_n3A_353, %get3A_424 : vector<16xi32>
          %and3A_569 = arith.andi %eq3A_567, %lt3A_568 : vector<16xi1>
          %convert_element_type3A_570 = arith.extui %and3A_569 : vector<16xi1> to vector<16xi32>
          %add3A_571 = arith.addi %convert_element_type3A_566, %convert_element_type3A_570 : vector<16xi32>
          %add3A_572 = arith.addi %add3A_550, %add3A_557 : vector<16xi32>
          %add3A_573 = arith.addi %add3A_564, %add3A_571 : vector<16xi32>
          %add3A_574 = arith.addi %add3A_572, %add3A_573 : vector<16xi32>
          %add3A_575 = arith.addi %get3A_456, %add3A_574 : vector<16xi32>
          %mul3A_576 = arith.constant 4 : i32
          %mul3A_577 = arith.muli %while3A_367, %mul3A_576 : i32
          %add3A_578 = arith.constant 2 : i32
          %add3A_579 = arith.addi %mul3A_577, %add3A_578 : i32
          %mul3A_580 = arith.constant 16 : i32
          %mul3A_581 = arith.muli %add3A_579, %mul3A_580 : i32
          %swap3A_582 = arith.index_cast %mul3A_581 : i32 to index
          %swap3A_583 = tpu.vector_load %arg9[%swap3A_582] {strides = array<i32>} : memref<512xi32, #tpu.memory_space<vmem>>, vector<16xi32>,
          tpu.vector_store %arg9[%swap3A_582], %add3A_575 {strides = array<i32>} : memref<512xi32, #tpu.memory_space<vmem>>, vector<16xi32>,
          %gt3A_584 = arith.cmpi sgt, %select_n3A_298, %get3A_400 : vector<16xi32>
          %convert_element_type3A_585 = arith.extui %gt3A_584 : vector<16xi1> to vector<16xi32>
          %eq3A_586 = arith.cmpi eq, %select_n3A_298, %get3A_400 : vector<16xi32>
          %lt3A_587 = arith.cmpi slt, %select_n3A_302, %get3A_432 : vector<16xi32>
          %and3A_588 = arith.andi %eq3A_586, %lt3A_587 : vector<16xi1>
          %convert_element_type3A_589 = arith.extui %and3A_588 : vector<16xi1> to vector<16xi32>
          %add3A_590 = arith.addi %convert_element_type3A_585, %convert_element_type3A_589 : vector<16xi32>
          %gt3A_591 = arith.cmpi sgt, %select_n3A_315, %get3A_400 : vector<16xi32>
          %convert_element_type3A_592 = arith.extui %gt3A_591 : vector<16xi1> to vector<16xi32>
          %eq3A_593 = arith.cmpi eq, %select_n3A_315, %get3A_400 : vector<16xi32>
          %lt3A_594 = arith.cmpi slt, %select_n3A_319, %get3A_432 : vector<16xi32>
          %and3A_595 = arith.andi %eq3A_593, %lt3A_594 : vector<16xi1>
          %convert_element_type3A_596 = arith.extui %and3A_595 : vector<16xi1> to vector<16xi32>
          %add3A_597 = arith.addi %convert_element_type3A_592, %convert_element_type3A_596 : vector<16xi32>
          %gt3A_598 = arith.cmpi sgt, %select_n3A_332, %get3A_400 : vector<16xi32>
          %convert_element_type3A_599 = arith.extui %gt3A_598 : vector<16xi1> to vector<16xi32>
          %eq3A_600 = arith.cmpi eq, %select_n3A_332, %get3A_400 : vector<16xi32>
          %lt3A_601 = arith.cmpi slt, %select_n3A_336, %get3A_432 : vector<16xi32>
          %and3A_602 = arith.andi %eq3A_600, %lt3A_601 : vector<16xi1>
          %convert_element_type3A_603 = arith.extui %and3A_602 : vector<16xi1> to vector<16xi32>
          %add3A_604 = arith.addi %convert_element_type3A_599, %convert_element_type3A_603 : vector<16xi32>
          %gt3A_605 = arith.cmpi sgt, %select_n3A_349, %get3A_400 : vector<16xi32>
          %convert_element_type3A_606 = arith.extui %gt3A_605 : vector<16xi1> to vector<16xi32>
          %eq3A_607 = arith.cmpi eq, %select_n3A_349, %get3A_400 : vector<16xi32>
          %lt3A_608 = arith.cmpi slt, %select_n3A_353, %get3A_432 : vector<16xi32>
          %and3A_609 = arith.andi %eq3A_607, %lt3A_608 : vector<16xi1>
          %convert_element_type3A_610 = arith.extui %and3A_609 : vector<16xi1> to vector<16xi32>
          %add3A_611 = arith.addi %convert_element_type3A_606, %convert_element_type3A_610 : vector<16xi32>
          %add3A_612 = arith.addi %add3A_590, %add3A_597 : vector<16xi32>
          %add3A_613 = arith.addi %add3A_604, %add3A_611 : vector<16xi32>
          %add3A_614 = arith.addi %add3A_612, %add3A_613 : vector<16xi32>
          %add3A_615 = arith.addi %get3A_464, %add3A_614 : vector<16xi32>
          %mul3A_616 = arith.constant 4 : i32
          %mul3A_617 = arith.muli %while3A_367, %mul3A_616 : i32
          %add3A_618 = arith.constant 3 : i32
          %add3A_619 = arith.addi %mul3A_617, %add3A_618 : i32
          %mul3A_620 = arith.constant 16 : i32
          %mul3A_621 = arith.muli %add3A_619, %mul3A_620 : i32
          %swap3A_622 = arith.index_cast %mul3A_621 : i32 to index
          %swap3A_623 = tpu.vector_load %arg9[%swap3A_622] {strides = array<i32>} : memref<512xi32, #tpu.memory_space<vmem>>, vector<16xi32>,
          tpu.vector_store %arg9[%swap3A_622], %add3A_615 {strides = array<i32>} : memref<512xi32, #tpu.memory_space<vmem>>, vector<16xi32>,
          %while3A_624 = arith.constant 0 : i32
          scf.yield %while3A_624 : i32
        }
        %while3A_364 = arith.constant 1 : i32
        %while3A_365 = scf.for %while3A_367 = %while3A_361 to %while3A_357 step %while3A_364 iter_args(%while3A_368 = %while3A_363) -> (i32)  : i32 {
          %mul3A_369 = arith.constant 4 : i32
          %mul3A_370 = arith.muli %while3A_367, %mul3A_369 : i32
          %add3A_371 = arith.constant 0 : i32
          %add3A_372 = arith.addi %mul3A_370, %add3A_371 : i32
          %mul3A_373 = arith.constant 16 : i32
          %mul3A_374 = arith.muli %add3A_372, %mul3A_373 : i32
          %get3A_375 = arith.index_cast %mul3A_374 : i32 to index
          %get3A_376 = tpu.vector_load %arg7[%get3A_375] {strides = array<i32>} : memref<512xi32, #tpu.memory_space<vmem>>, vector<16xi32>,
          %mul3A_377 = arith.constant 4 : i32
          %mul3A_378 = arith.muli %while3A_367, %mul3A_377 : i32
          %add3A_379 = arith.constant 1 : i32
          %add3A_380 = arith.addi %mul3A_378, %add3A_379 : i32
          %mul3A_381 = arith.constant 16 : i32
          %mul3A_382 = arith.muli %add3A_380, %mul3A_381 : i32
          %get3A_383 = arith.index_cast %mul3A_382 : i32 to index
          %get3A_384 = tpu.vector_load %arg7[%get3A_383] {strides = array<i32>} : memref<512xi32, #tpu.memory_space<vmem>>, vector<16xi32>,
          %mul3A_385 = arith.constant 4 : i32
          %mul3A_386 = arith.muli %while3A_367, %mul3A_385 : i32
          %add3A_387 = arith.constant 2 : i32
          %add3A_388 = arith.addi %mul3A_386, %add3A_387 : i32
          %mul3A_389 = arith.constant 16 : i32
          %mul3A_390 = arith.muli %add3A_388, %mul3A_389 : i32
          %get3A_391 = arith.index_cast %mul3A_390 : i32 to index
          %get3A_392 = tpu.vector_load %arg7[%get3A_391] {strides = array<i32>} : memref<512xi32, #tpu.memory_space<vmem>>, vector<16xi32>,
          %mul3A_393 = arith.constant 4 : i32
          %mul3A_394 = arith.muli %while3A_367, %mul3A_393 : i32
          %add3A_395 = arith.constant 3 : i32
          %add3A_396 = arith.addi %mul3A_394, %add3A_395 : i32
          %mul3A_397 = arith.constant 16 : i32
          %mul3A_398 = arith.muli %add3A_396, %mul3A_397 : i32
          %get3A_399 = arith.index_cast %mul3A_398 : i32 to index
          %get3A_400 = tpu.vector_load %arg7[%get3A_399] {strides = array<i32>} : memref<512xi32, #tpu.memory_space<vmem>>, vector<16xi32>,
          %mul3A_401 = arith.constant 4 : i32
          %mul3A_402 = arith.muli %while3A_367, %mul3A_401 : i32
          %add3A_403 = arith.constant 0 : i32
          %add3A_404 = arith.addi %mul3A_402, %add3A_403 : i32
          %mul3A_405 = arith.constant 16 : i32
          %mul3A_406 = arith.muli %add3A_404, %mul3A_405 : i32
          %get3A_407 = arith.index_cast %mul3A_406 : i32 to index
          %get3A_408 = tpu.vector_load %arg8[%get3A_407] {strides = array<i32>} : memref<512xi32, #tpu.memory_space<vmem>>, vector<16xi32>,
          %mul3A_409 = arith.constant 4 : i32
          %mul3A_410 = arith.muli %while3A_367, %mul3A_409 : i32
          %add3A_411 = arith.constant 1 : i32
          %add3A_412 = arith.addi %mul3A_410, %add3A_411 : i32
          %mul3A_413 = arith.constant 16 : i32
          %mul3A_414 = arith.muli %add3A_412, %mul3A_413 : i32
          %get3A_415 = arith.index_cast %mul3A_414 : i32 to index
          %get3A_416 = tpu.vector_load %arg8[%get3A_415] {strides = array<i32>} : memref<512xi32, #tpu.memory_space<vmem>>, vector<16xi32>,
          %mul3A_417 = arith.constant 4 : i32
          %mul3A_418 = arith.muli %while3A_367, %mul3A_417 : i32
          %add3A_419 = arith.constant 2 : i32
          %add3A_420 = arith.addi %mul3A_418, %add3A_419 : i32
          %mul3A_421 = arith.constant 16 : i32
          %mul3A_422 = arith.muli %add3A_420, %mul3A_421 : i32
          %get3A_423 = arith.index_cast %mul3A_422 : i32 to index
          %get3A_424 = tpu.vector_load %arg8[%get3A_423] {strides = array<i32>} : memref<512xi32, #tpu.memory_space<vmem>>, vector<16xi32>,
          %mul3A_425 = arith.constant 4 : i32
          %mul3A_426 = arith.muli %while3A_367, %mul3A_425 : i32
          %add3A_427 = arith.constant 3 : i32
          %add3A_428 = arith.addi %mul3A_426, %add3A_427 : i32
          %mul3A_429 = arith.constant 16 : i32
          %mul3A_430 = arith.muli %add3A_428, %mul3A_429 : i32
          %get3A_431 = arith.index_cast %mul3A_430 : i32 to index
          %get3A_432 = tpu.vector_load %arg8[%get3A_431] {strides = array<i32>} : memref<512xi32, #tpu.memory_space<vmem>>, vector<16xi32>,
          %mul3A_433 = arith.constant 4 : i32
          %mul3A_434 = arith.muli %while3A_367, %mul3A_433 : i32
          %add3A_435 = arith.constant 0 : i32
          %add3A_436 = arith.addi %mul3A_434, %add3A_435 : i32
          %mul3A_437 = arith.constant 16 : i32
          %mul3A_438 = arith.muli %add3A_436, %mul3A_437 : i32
          %get3A_439 = arith.index_cast %mul3A_438 : i32 to index
          %get3A_440 = tpu.vector_load %arg9[%get3A_439] {strides = array<i32>} : memref<512xi32, #tpu.memory_space<vmem>>, vector<16xi32>,
          %mul3A_441 = arith.constant 4 : i32
          %mul3A_442 = arith.muli %while3A_367, %mul3A_441 : i32
          %add3A_443 = arith.constant 1 : i32
          %add3A_444 = arith.addi %mul3A_442, %add3A_443 : i32
          %mul3A_445 = arith.constant 16 : i32
          %mul3A_446 = arith.muli %add3A_444, %mul3A_445 : i32
          %get3A_447 = arith.index_cast %mul3A_446 : i32 to index
          %get3A_448 = tpu.vector_load %arg9[%get3A_447] {strides = array<i32>} : memref<512xi32, #tpu.memory_space<vmem>>, vector<16xi32>,
          %mul3A_449 = arith.constant 4 : i32
          %mul3A_450 = arith.muli %while3A_367, %mul3A_449 : i32
          %add3A_451 = arith.constant 2 : i32
          %add3A_452 = arith.addi %mul3A_450, %add3A_451 : i32
          %mul3A_453 = arith.constant 16 : i32
          %mul3A_454 = arith.muli %add3A_452, %mul3A_453 : i32
          %get3A_455 = arith.index_cast %mul3A_454 : i32 to index
          %get3A_456 = tpu.vector_load %arg9[%get3A_455] {strides = array<i32>} : memref<512xi32, #tpu.memory_space<vmem>>, vector<16xi32>,
          %mul3A_457 = arith.constant 4 : i32
          %mul3A_458 = arith.muli %while3A_367, %mul3A_457 : i32
          %add3A_459 = arith.constant 3 : i32
          %add3A_460 = arith.addi %mul3A_458, %add3A_459 : i32
          %mul3A_461 = arith.constant 16 : i32
          %mul3A_462 = arith.muli %add3A_460, %mul3A_461 : i32
          %get3A_463 = arith.index_cast %mul3A_462 : i32 to index
          %get3A_464 = tpu.vector_load %arg9[%get3A_463] {strides = array<i32>} : memref<512xi32, #tpu.memory_space<vmem>>, vector<16xi32>,
          %gt3A_465 = arith.cmpi sgt, %select_n3A_298, %get3A_376 : vector<16xi32>
          %convert_element_type3A_466 = arith.extui %gt3A_465 : vector<16xi1> to vector<16xi32>
          %eq3A_467 = arith.cmpi eq, %select_n3A_298, %get3A_376 : vector<16xi32>
          %lt3A_468 = arith.cmpi slt, %select_n3A_302, %get3A_408 : vector<16xi32>
          %and3A_469 = arith.andi %eq3A_467, %lt3A_468 : vector<16xi1>
          %convert_element_type3A_470 = arith.extui %and3A_469 : vector<16xi1> to vector<16xi32>
          %add3A_471 = arith.addi %convert_element_type3A_466, %convert_element_type3A_470 : vector<16xi32>
          %gt3A_472 = arith.cmpi sgt, %select_n3A_315, %get3A_376 : vector<16xi32>
          %convert_element_type3A_473 = arith.extui %gt3A_472 : vector<16xi1> to vector<16xi32>
          %eq3A_474 = arith.cmpi eq, %select_n3A_315, %get3A_376 : vector<16xi32>
          %lt3A_475 = arith.cmpi slt, %select_n3A_319, %get3A_408 : vector<16xi32>
          %and3A_476 = arith.andi %eq3A_474, %lt3A_475 : vector<16xi1>
          %convert_element_type3A_477 = arith.extui %and3A_476 : vector<16xi1> to vector<16xi32>
          %add3A_478 = arith.addi %convert_element_type3A_473, %convert_element_type3A_477 : vector<16xi32>
          %gt3A_479 = arith.cmpi sgt, %select_n3A_332, %get3A_376 : vector<16xi32>
          %convert_element_type3A_480 = arith.extui %gt3A_479 : vector<16xi1> to vector<16xi32>
          %eq3A_481 = arith.cmpi eq, %select_n3A_332, %get3A_376 : vector<16xi32>
          %lt3A_482 = arith.cmpi slt, %select_n3A_336, %get3A_408 : vector<16xi32>
          %and3A_483 = arith.andi %eq3A_481, %lt3A_482 : vector<16xi1>
          %convert_element_type3A_484 = arith.extui %and3A_483 : vector<16xi1> to vector<16xi32>
          %add3A_485 = arith.addi %convert_element_type3A_480, %convert_element_type3A_484 : vector<16xi32>
          %gt3A_486 = arith.cmpi sgt, %select_n3A_349, %get3A_376 : vector<16xi32>
          %convert_element_type3A_487 = arith.extui %gt3A_486 : vector<16xi1> to vector<16xi32>
          %eq3A_488 = arith.cmpi eq, %select_n3A_349, %get3A_376 : vector<16xi32>
          %lt3A_489 = arith.cmpi slt, %select_n3A_353, %get3A_408 : vector<16xi32>
          %and3A_490 = arith.andi %eq3A_488, %lt3A_489 : vector<16xi1>
          %convert_element_type3A_491 = arith.extui %and3A_490 : vector<16xi1> to vector<16xi32>
          %add3A_492 = arith.addi %convert_element_type3A_487, %convert_element_type3A_491 : vector<16xi32>
          %add3A_493 = arith.addi %add3A_471, %add3A_478 : vector<16xi32>
          %add3A_494 = arith.addi %add3A_485, %add3A_492 : vector<16xi32>
          %add3A_495 = arith.addi %add3A_493, %add3A_494 : vector<16xi32>
          %add3A_496 = arith.addi %get3A_440, %add3A_495 : vector<16xi32>
          %mul3A_497 = arith.constant 4 : i32
          %mul3A_498 = arith.muli %while3A_367, %mul3A_497 : i32
          %add3A_499 = arith.constant 0 : i32
          %add3A_500 = arith.addi %mul3A_498, %add3A_499 : i32
          %mul3A_501 = arith.constant 16 : i32
          %mul3A_502 = arith.muli %add3A_500, %mul3A_501 : i32
          %swap3A = arith.index_cast %mul3A_502 : i32 to index
          %swap3A_503 = tpu.vector_load %arg9[%swap3A] {strides = array<i32>} : memref<512xi32, #tpu.memory_space<vmem>>, vector<16xi32>,
          tpu.vector_store %arg9[%swap3A], %add3A_496 {strides = array<i32>} : memref<512xi32, #tpu.memory_space<vmem>>, vector<16xi32>,
          %gt3A_504 = arith.cmpi sgt, %select_n3A_298, %get3A_384 : vector<16xi32>
          %convert_element_type3A_505 = arith.extui %gt3A_504 : vector<16xi1> to vector<16xi32>
          %eq3A_506 = arith.cmpi eq, %select_n3A_298, %get3A_384 : vector<16xi32>
          %lt3A_507 = arith.cmpi slt, %select_n3A_302, %get3A_416 : vector<16xi32>
          %and3A_508 = arith.andi %eq3A_506, %lt3A_507 : vector<16xi1>
          %convert_element_type3A_509 = arith.extui %and3A_508 : vector<16xi1> to vector<16xi32>
          %add3A_510 = arith.addi %convert_element_type3A_505, %convert_element_type3A_509 : vector<16xi32>
          %gt3A_511 = arith.cmpi sgt, %select_n3A_315, %get3A_384 : vector<16xi32>
          %convert_element_type3A_512 = arith.extui %gt3A_511 : vector<16xi1> to vector<16xi32>
          %eq3A_513 = arith.cmpi eq, %select_n3A_315, %get3A_384 : vector<16xi32>
          %lt3A_514 = arith.cmpi slt, %select_n3A_319, %get3A_416 : vector<16xi32>
          %and3A_515 = arith.andi %eq3A_513, %lt3A_514 : vector<16xi1>
          %convert_element_type3A_516 = arith.extui %and3A_515 : vector<16xi1> to vector<16xi32>
          %add3A_517 = arith.addi %convert_element_type3A_512, %convert_element_type3A_516 : vector<16xi32>
          %gt3A_518 = arith.cmpi sgt, %select_n3A_332, %get3A_384 : vector<16xi32>
          %convert_element_type3A_519 = arith.extui %gt3A_518 : vector<16xi1> to vector<16xi32>
          %eq3A_520 = arith.cmpi eq, %select_n3A_332, %get3A_384 : vector<16xi32>
          %lt3A_521 = arith.cmpi slt, %select_n3A_336, %get3A_416 : vector<16xi32>
          %and3A_522 = arith.andi %eq3A_520, %lt3A_521 : vector<16xi1>
          %convert_element_type3A_523 = arith.extui %and3A_522 : vector<16xi1> to vector<16xi32>
          %add3A_524 = arith.addi %convert_element_type3A_519, %convert_element_type3A_523 : vector<16xi32>
          %gt3A_525 = arith.cmpi sgt, %select_n3A_349, %get3A_384 : vector<16xi32>
          %convert_element_type3A_526 = arith.extui %gt3A_525 : vector<16xi1> to vector<16xi32>
          %eq3A_527 = arith.cmpi eq, %select_n3A_349, %get3A_384 : vector<16xi32>
          %lt3A_528 = arith.cmpi slt, %select_n3A_353, %get3A_416 : vector<16xi32>
          %and3A_529 = arith.andi %eq3A_527, %lt3A_528 : vector<16xi1>
          %convert_element_type3A_530 = arith.extui %and3A_529 : vector<16xi1> to vector<16xi32>
          %add3A_531 = arith.addi %convert_element_type3A_526, %convert_element_type3A_530 : vector<16xi32>
          %add3A_532 = arith.addi %add3A_510, %add3A_517 : vector<16xi32>
          %add3A_533 = arith.addi %add3A_524, %add3A_531 : vector<16xi32>
          %add3A_534 = arith.addi %add3A_532, %add3A_533 : vector<16xi32>
          %add3A_535 = arith.addi %get3A_448, %add3A_534 : vector<16xi32>
          %mul3A_536 = arith.constant 4 : i32
          %mul3A_537 = arith.muli %while3A_367, %mul3A_536 : i32
          %add3A_538 = arith.constant 1 : i32
          %add3A_539 = arith.addi %mul3A_537, %add3A_538 : i32
          %mul3A_540 = arith.constant 16 : i32
          %mul3A_541 = arith.muli %add3A_539, %mul3A_540 : i32
          %swap3A_542 = arith.index_cast %mul3A_541 : i32 to index
          %swap3A_543 = tpu.vector_load %arg9[%swap3A_542] {strides = array<i32>} : memref<512xi32, #tpu.memory_space<vmem>>, vector<16xi32>,
          tpu.vector_store %arg9[%swap3A_542], %add3A_535 {strides = array<i32>} : memref<512xi32, #tpu.memory_space<vmem>>, vector<16xi32>,
          %gt3A_544 = arith.cmpi sgt, %select_n3A_298, %get3A_392 : vector<16xi32>
          %convert_element_type3A_545 = arith.extui %gt3A_544 : vector<16xi1> to vector<16xi32>
          %eq3A_546 = arith.cmpi eq, %select_n3A_298, %get3A_392 : vector<16xi32>
          %lt3A_547 = arith.cmpi slt, %select_n3A_302, %get3A_424 : vector<16xi32>
          %and3A_548 = arith.andi %eq3A_546, %lt3A_547 : vector<16xi1>
          %convert_element_type3A_549 = arith.extui %and3A_548 : vector<16xi1> to vector<16xi32>
          %add3A_550 = arith.addi %convert_element_type3A_545, %convert_element_type3A_549 : vector<16xi32>
          %gt3A_551 = arith.cmpi sgt, %select_n3A_315, %get3A_392 : vector<16xi32>
          %convert_element_type3A_552 = arith.extui %gt3A_551 : vector<16xi1> to vector<16xi32>
          %eq3A_553 = arith.cmpi eq, %select_n3A_315, %get3A_392 : vector<16xi32>
          %lt3A_554 = arith.cmpi slt, %select_n3A_319, %get3A_424 : vector<16xi32>
          %and3A_555 = arith.andi %eq3A_553, %lt3A_554 : vector<16xi1>
          %convert_element_type3A_556 = arith.extui %and3A_555 : vector<16xi1> to vector<16xi32>
          %add3A_557 = arith.addi %convert_element_type3A_552, %convert_element_type3A_556 : vector<16xi32>
          %gt3A_558 = arith.cmpi sgt, %select_n3A_332, %get3A_392 : vector<16xi32>
          %convert_element_type3A_559 = arith.extui %gt3A_558 : vector<16xi1> to vector<16xi32>
          %eq3A_560 = arith.cmpi eq, %select_n3A_332, %get3A_392 : vector<16xi32>
          %lt3A_561 = arith.cmpi slt, %select_n3A_336, %get3A_424 : vector<16xi32>
          %and3A_562 = arith.andi %eq3A_560, %lt3A_561 : vector<16xi1>
          %convert_element_type3A_563 = arith.extui %and3A_562 : vector<16xi1> to vector<16xi32>
          %add3A_564 = arith.addi %convert_element_type3A_559, %convert_element_type3A_563 : vector<16xi32>
          %gt3A_565 = arith.cmpi sgt, %select_n3A_349, %get3A_392 : vector<16xi32>
          %convert_element_type3A_566 = arith.extui %gt3A_565 : vector<16xi1> to vector<16xi32>
          %eq3A_567 = arith.cmpi eq, %select_n3A_349, %get3A_392 : vector<16xi32>
          %lt3A_568 = arith.cmpi slt, %select_n3A_353, %get3A_424 : vector<16xi32>
          %and3A_569 = arith.andi %eq3A_567, %lt3A_568 : vector<16xi1>
          %convert_element_type3A_570 = arith.extui %and3A_569 : vector<16xi1> to vector<16xi32>
          %add3A_571 = arith.addi %convert_element_type3A_566, %convert_element_type3A_570 : vector<16xi32>
          %add3A_572 = arith.addi %add3A_550, %add3A_557 : vector<16xi32>
          %add3A_573 = arith.addi %add3A_564, %add3A_571 : vector<16xi32>
          %add3A_574 = arith.addi %add3A_572, %add3A_573 : vector<16xi32>
          %add3A_575 = arith.addi %get3A_456, %add3A_574 : vector<16xi32>
          %mul3A_576 = arith.constant 4 : i32
          %mul3A_577 = arith.muli %while3A_367, %mul3A_576 : i32
          %add3A_578 = arith.constant 2 : i32
          %add3A_579 = arith.addi %mul3A_577, %add3A_578 : i32
          %mul3A_580 = arith.constant 16 : i32
          %mul3A_581 = arith.muli %add3A_579, %mul3A_580 : i32
          %swap3A_582 = arith.index_cast %mul3A_581 : i32 to index
          %swap3A_583 = tpu.vector_load %arg9[%swap3A_582] {strides = array<i32>} : memref<512xi32, #tpu.memory_space<vmem>>, vector<16xi32>,
          tpu.vector_store %arg9[%swap3A_582], %add3A_575 {strides = array<i32>} : memref<512xi32, #tpu.memory_space<vmem>>, vector<16xi32>,
          %gt3A_584 = arith.cmpi sgt, %select_n3A_298, %get3A_400 : vector<16xi32>
          %convert_element_type3A_585 = arith.extui %gt3A_584 : vector<16xi1> to vector<16xi32>
          %eq3A_586 = arith.cmpi eq, %select_n3A_298, %get3A_400 : vector<16xi32>
          %lt3A_587 = arith.cmpi slt, %select_n3A_302, %get3A_432 : vector<16xi32>
          %and3A_588 = arith.andi %eq3A_586, %lt3A_587 : vector<16xi1>
          %convert_element_type3A_589 = arith.extui %and3A_588 : vector<16xi1> to vector<16xi32>
          %add3A_590 = arith.addi %convert_element_type3A_585, %convert_element_type3A_589 : vector<16xi32>
          %gt3A_591 = arith.cmpi sgt, %select_n3A_315, %get3A_400 : vector<16xi32>
          %convert_element_type3A_592 = arith.extui %gt3A_591 : vector<16xi1> to vector<16xi32>
          %eq3A_593 = arith.cmpi eq, %select_n3A_315, %get3A_400 : vector<16xi32>
          %lt3A_594 = arith.cmpi slt, %select_n3A_319, %get3A_432 : vector<16xi32>
          %and3A_595 = arith.andi %eq3A_593, %lt3A_594 : vector<16xi1>
          %convert_element_type3A_596 = arith.extui %and3A_595 : vector<16xi1> to vector<16xi32>
          %add3A_597 = arith.addi %convert_element_type3A_592, %convert_element_type3A_596 : vector<16xi32>
          %gt3A_598 = arith.cmpi sgt, %select_n3A_332, %get3A_400 : vector<16xi32>
          %convert_element_type3A_599 = arith.extui %gt3A_598 : vector<16xi1> to vector<16xi32>
          %eq3A_600 = arith.cmpi eq, %select_n3A_332, %get3A_400 : vector<16xi32>
          %lt3A_601 = arith.cmpi slt, %select_n3A_336, %get3A_432 : vector<16xi32>
          %and3A_602 = arith.andi %eq3A_600, %lt3A_601 : vector<16xi1>
          %convert_element_type3A_603 = arith.extui %and3A_602 : vector<16xi1> to vector<16xi32>
          %add3A_604 = arith.addi %convert_element_type3A_599, %convert_element_type3A_603 : vector<16xi32>
          %gt3A_605 = arith.cmpi sgt, %select_n3A_349, %get3A_400 : vector<16xi32>
          %convert_element_type3A_606 = arith.extui %gt3A_605 : vector<16xi1> to vector<16xi32>
          %eq3A_607 = arith.cmpi eq, %select_n3A_349, %get3A_400 : vector<16xi32>
          %lt3A_608 = arith.cmpi slt, %select_n3A_353, %get3A_432 : vector<16xi32>
          %and3A_609 = arith.andi %eq3A_607, %lt3A_608 : vector<16xi1>
          %convert_element_type3A_610 = arith.extui %and3A_609 : vector<16xi1> to vector<16xi32>
          %add3A_611 = arith.addi %convert_element_type3A_606, %convert_element_type3A_610 : vector<16xi32>
          %add3A_612 = arith.addi %add3A_590, %add3A_597 : vector<16xi32>
          %add3A_613 = arith.addi %add3A_604, %add3A_611 : vector<16xi32>
          %add3A_614 = arith.addi %add3A_612, %add3A_613 : vector<16xi32>
          %add3A_615 = arith.addi %get3A_464, %add3A_614 : vector<16xi32>
          %mul3A_616 = arith.constant 4 : i32
          %mul3A_617 = arith.muli %while3A_367, %mul3A_616 : i32
          %add3A_618 = arith.constant 3 : i32
          %add3A_619 = arith.addi %mul3A_617, %add3A_618 : i32
          %mul3A_620 = arith.constant 16 : i32
          %mul3A_621 = arith.muli %add3A_619, %mul3A_620 : i32
          %swap3A_622 = arith.index_cast %mul3A_621 : i32 to index
          %swap3A_623 = tpu.vector_load %arg9[%swap3A_622] {strides = array<i32>} : memref<512xi32, #tpu.memory_space<vmem>>, vector<16xi32>,
          tpu.vector_store %arg9[%swap3A_622], %add3A_615 {strides = array<i32>} : memref<512xi32, #tpu.memory_space<vmem>>, vector<16xi32>,
          %while3A_624 = arith.constant 0 : i32
          scf.yield %while3A_624 : i32
        }
        %while3A_366 = arith.constant 0 : i32
        scf.yield %while3A_366 : i32
      }
      %while3A_132 = arith.constant 1 : i32
      %while3A_133 = scf.for %while3A_285 = %while3A_129 to %while3A_125 step %while3A_132 iter_args(%while3A_286 = %while3A_131) -> (i32)  : i32 {
        %mul3A_287 = arith.constant 4 : i32
        %mul3A_288 = arith.muli %while3A_285, %mul3A_287 : i32
        %add3A_289 = arith.constant 0 : i32
        %add3A_290 = arith.addi %mul3A_288, %add3A_289 : i32
        %min3A_291 = arith.constant 511 : i32
        %min3A_292 = arith.minsi %add3A_290, %min3A_291 : i32
        %add3A_293 = vector.broadcast %min3A_292 : i32 to vector<16xi32>
        %add3A_294 = arith.addi %broadcast_in_dim3A_2, %add3A_293 : vector<16xi32>
        %lt3A_295 = arith.cmpi slt, %add3A_290, %min3A_97 : i32
        %gather3A = tpu.vector_load_idx %arg7[%add3A_294] : memref<512xi32, #tpu.memory_space<vmem>>[vector<16xi32>], vector<16xi32>,
        %jit3A_296 = arith.constant -2147483648 : i32
        %broadcast_in_dim3A_297 = vector.broadcast %jit3A_296 : i32 to vector<16xi32>
        %select_n3A_298 = arith.select %lt3A_295, %gather3A, %broadcast_in_dim3A_297 : vector<16xi32>
        %gather3A_299 = tpu.vector_load_idx %arg8[%add3A_294] : memref<512xi32, #tpu.memory_space<vmem>>[vector<16xi32>], vector<16xi32>,
        %jit3A_300 = arith.constant 1073741824 : i32
        %broadcast_in_dim3A_301 = vector.broadcast %jit3A_300 : i32 to vector<16xi32>
        %select_n3A_302 = arith.select %lt3A_295, %gather3A_299, %broadcast_in_dim3A_301 : vector<16xi32>
        %mul3A_303 = arith.constant 4 : i32
        %mul3A_304 = arith.muli %while3A_285, %mul3A_303 : i32
        %add3A_305 = arith.constant 1 : i32
        %add3A_306 = arith.addi %mul3A_304, %add3A_305 : i32
        %min3A_307 = arith.constant 511 : i32
        %min3A_308 = arith.minsi %add3A_306, %min3A_307 : i32
        %add3A_309 = vector.broadcast %min3A_308 : i32 to vector<16xi32>
        %add3A_310 = arith.addi %broadcast_in_dim3A_2, %add3A_309 : vector<16xi32>
        %lt3A_311 = arith.cmpi slt, %add3A_306, %min3A_97 : i32
        %gather3A_312 = tpu.vector_load_idx %arg7[%add3A_310] : memref<512xi32, #tpu.memory_space<vmem>>[vector<16xi32>], vector<16xi32>,
        %jit3A_313 = arith.constant -2147483648 : i32
        %broadcast_in_dim3A_314 = vector.broadcast %jit3A_313 : i32 to vector<16xi32>
        %select_n3A_315 = arith.select %lt3A_311, %gather3A_312, %broadcast_in_dim3A_314 : vector<16xi32>
        %gather3A_316 = tpu.vector_load_idx %arg8[%add3A_310] : memref<512xi32, #tpu.memory_space<vmem>>[vector<16xi32>], vector<16xi32>,
        %jit3A_317 = arith.constant 1073741824 : i32
        %broadcast_in_dim3A_318 = vector.broadcast %jit3A_317 : i32 to vector<16xi32>
        %select_n3A_319 = arith.select %lt3A_311, %gather3A_316, %broadcast_in_dim3A_318 : vector<16xi32>
        %mul3A_320 = arith.constant 4 : i32
        %mul3A_321 = arith.muli %while3A_285, %mul3A_320 : i32
        %add3A_322 = arith.constant 2 : i32
        %add3A_323 = arith.addi %mul3A_321, %add3A_322 : i32
        %min3A_324 = arith.constant 511 : i32
        %min3A_325 = arith.minsi %add3A_323, %min3A_324 : i32
        %add3A_326 = vector.broadcast %min3A_325 : i32 to vector<16xi32>
        %add3A_327 = arith.addi %broadcast_in_dim3A_2, %add3A_326 : vector<16xi32>
        %lt3A_328 = arith.cmpi slt, %add3A_323, %min3A_97 : i32
        %gather3A_329 = tpu.vector_load_idx %arg7[%add3A_327] : memref<512xi32, #tpu.memory_space<vmem>>[vector<16xi32>], vector<16xi32>,
        %jit3A_330 = arith.constant -2147483648 : i32
        %broadcast_in_dim3A_331 = vector.broadcast %jit3A_330 : i32 to vector<16xi32>
        %select_n3A_332 = arith.select %lt3A_328, %gather3A_329, %broadcast_in_dim3A_331 : vector<16xi32>
        %gather3A_333 = tpu.vector_load_idx %arg8[%add3A_327] : memref<512xi32, #tpu.memory_space<vmem>>[vector<16xi32>], vector<16xi32>,
        %jit3A_334 = arith.constant 1073741824 : i32
        %broadcast_in_dim3A_335 = vector.broadcast %jit3A_334 : i32 to vector<16xi32>
        %select_n3A_336 = arith.select %lt3A_328, %gather3A_333, %broadcast_in_dim3A_335 : vector<16xi32>
        %mul3A_337 = arith.constant 4 : i32
        %mul3A_338 = arith.muli %while3A_285, %mul3A_337 : i32
        %add3A_339 = arith.constant 3 : i32
        %add3A_340 = arith.addi %mul3A_338, %add3A_339 : i32
        %min3A_341 = arith.constant 511 : i32
        %min3A_342 = arith.minsi %add3A_340, %min3A_341 : i32
        %add3A_343 = vector.broadcast %min3A_342 : i32 to vector<16xi32>
        %add3A_344 = arith.addi %broadcast_in_dim3A_2, %add3A_343 : vector<16xi32>
        %lt3A_345 = arith.cmpi slt, %add3A_340, %min3A_97 : i32
        %gather3A_346 = tpu.vector_load_idx %arg7[%add3A_344] : memref<512xi32, #tpu.memory_space<vmem>>[vector<16xi32>], vector<16xi32>,
        %jit3A_347 = arith.constant -2147483648 : i32
        %broadcast_in_dim3A_348 = vector.broadcast %jit3A_347 : i32 to vector<16xi32>
        %select_n3A_349 = arith.select %lt3A_345, %gather3A_346, %broadcast_in_dim3A_348 : vector<16xi32>
        %gather3A_350 = tpu.vector_load_idx %arg8[%add3A_344] : memref<512xi32, #tpu.memory_space<vmem>>[vector<16xi32>], vector<16xi32>,
        %jit3A_351 = arith.constant 1073741824 : i32
        %broadcast_in_dim3A_352 = vector.broadcast %jit3A_351 : i32 to vector<16xi32>
        %select_n3A_353 = arith.select %lt3A_345, %gather3A_350, %broadcast_in_dim3A_352 : vector<16xi32>
        %while3A_354 = arith.constant 0 : i32
        %while3A_355 = arith.constant 0 : i32
        %while3A_356 = arith.subi %shift_right_arithmetic3A_115, %while3A_354 : i32
        %while3A_357 = arith.addi %while3A_354, %while3A_356 : i32
        %while3A_358 = arith.constant 1 : i32
        %while3A_359 = arith.divsi %while3A_356, %while3A_358 : i32
        %while3A_360 = arith.muli %while3A_359, %while3A_358 : i32
        %while3A_361 = arith.addi %while3A_354, %while3A_360 : i32
        %while3A_362 = arith.constant 1 : i32
        %while3A_363 = scf.for %while3A_367 = %while3A_354 to %while3A_361 step %while3A_362 iter_args(%while3A_368 = %while3A_355) -> (i32)  : i32 {
          %mul3A_369 = arith.constant 4 : i32
          %mul3A_370 = arith.muli %while3A_367, %mul3A_369 : i32
          %add3A_371 = arith.constant 0 : i32
          %add3A_372 = arith.addi %mul3A_370, %add3A_371 : i32
          %mul3A_373 = arith.constant 16 : i32
          %mul3A_374 = arith.muli %add3A_372, %mul3A_373 : i32
          %get3A_375 = arith.index_cast %mul3A_374 : i32 to index
          %get3A_376 = tpu.vector_load %arg7[%get3A_375] {strides = array<i32>} : memref<512xi32, #tpu.memory_space<vmem>>, vector<16xi32>,
          %mul3A_377 = arith.constant 4 : i32
          %mul3A_378 = arith.muli %while3A_367, %mul3A_377 : i32
          %add3A_379 = arith.constant 1 : i32
          %add3A_380 = arith.addi %mul3A_378, %add3A_379 : i32
          %mul3A_381 = arith.constant 16 : i32
          %mul3A_382 = arith.muli %add3A_380, %mul3A_381 : i32
          %get3A_383 = arith.index_cast %mul3A_382 : i32 to index
          %get3A_384 = tpu.vector_load %arg7[%get3A_383] {strides = array<i32>} : memref<512xi32, #tpu.memory_space<vmem>>, vector<16xi32>,
          %mul3A_385 = arith.constant 4 : i32
          %mul3A_386 = arith.muli %while3A_367, %mul3A_385 : i32
          %add3A_387 = arith.constant 2 : i32
          %add3A_388 = arith.addi %mul3A_386, %add3A_387 : i32
          %mul3A_389 = arith.constant 16 : i32
          %mul3A_390 = arith.muli %add3A_388, %mul3A_389 : i32
          %get3A_391 = arith.index_cast %mul3A_390 : i32 to index
          %get3A_392 = tpu.vector_load %arg7[%get3A_391] {strides = array<i32>} : memref<512xi32, #tpu.memory_space<vmem>>, vector<16xi32>,
          %mul3A_393 = arith.constant 4 : i32
          %mul3A_394 = arith.muli %while3A_367, %mul3A_393 : i32
          %add3A_395 = arith.constant 3 : i32
          %add3A_396 = arith.addi %mul3A_394, %add3A_395 : i32
          %mul3A_397 = arith.constant 16 : i32
          %mul3A_398 = arith.muli %add3A_396, %mul3A_397 : i32
          %get3A_399 = arith.index_cast %mul3A_398 : i32 to index
          %get3A_400 = tpu.vector_load %arg7[%get3A_399] {strides = array<i32>} : memref<512xi32, #tpu.memory_space<vmem>>, vector<16xi32>,
          %mul3A_401 = arith.constant 4 : i32
          %mul3A_402 = arith.muli %while3A_367, %mul3A_401 : i32
          %add3A_403 = arith.constant 0 : i32
          %add3A_404 = arith.addi %mul3A_402, %add3A_403 : i32
          %mul3A_405 = arith.constant 16 : i32
          %mul3A_406 = arith.muli %add3A_404, %mul3A_405 : i32
          %get3A_407 = arith.index_cast %mul3A_406 : i32 to index
          %get3A_408 = tpu.vector_load %arg8[%get3A_407] {strides = array<i32>} : memref<512xi32, #tpu.memory_space<vmem>>, vector<16xi32>,
          %mul3A_409 = arith.constant 4 : i32
          %mul3A_410 = arith.muli %while3A_367, %mul3A_409 : i32
          %add3A_411 = arith.constant 1 : i32
          %add3A_412 = arith.addi %mul3A_410, %add3A_411 : i32
          %mul3A_413 = arith.constant 16 : i32
          %mul3A_414 = arith.muli %add3A_412, %mul3A_413 : i32
          %get3A_415 = arith.index_cast %mul3A_414 : i32 to index
          %get3A_416 = tpu.vector_load %arg8[%get3A_415] {strides = array<i32>} : memref<512xi32, #tpu.memory_space<vmem>>, vector<16xi32>,
          %mul3A_417 = arith.constant 4 : i32
          %mul3A_418 = arith.muli %while3A_367, %mul3A_417 : i32
          %add3A_419 = arith.constant 2 : i32
          %add3A_420 = arith.addi %mul3A_418, %add3A_419 : i32
          %mul3A_421 = arith.constant 16 : i32
          %mul3A_422 = arith.muli %add3A_420, %mul3A_421 : i32
          %get3A_423 = arith.index_cast %mul3A_422 : i32 to index
          %get3A_424 = tpu.vector_load %arg8[%get3A_423] {strides = array<i32>} : memref<512xi32, #tpu.memory_space<vmem>>, vector<16xi32>,
          %mul3A_425 = arith.constant 4 : i32
          %mul3A_426 = arith.muli %while3A_367, %mul3A_425 : i32
          %add3A_427 = arith.constant 3 : i32
          %add3A_428 = arith.addi %mul3A_426, %add3A_427 : i32
          %mul3A_429 = arith.constant 16 : i32
          %mul3A_430 = arith.muli %add3A_428, %mul3A_429 : i32
          %get3A_431 = arith.index_cast %mul3A_430 : i32 to index
          %get3A_432 = tpu.vector_load %arg8[%get3A_431] {strides = array<i32>} : memref<512xi32, #tpu.memory_space<vmem>>, vector<16xi32>,
          %mul3A_433 = arith.constant 4 : i32
          %mul3A_434 = arith.muli %while3A_367, %mul3A_433 : i32
          %add3A_435 = arith.constant 0 : i32
          %add3A_436 = arith.addi %mul3A_434, %add3A_435 : i32
          %mul3A_437 = arith.constant 16 : i32
          %mul3A_438 = arith.muli %add3A_436, %mul3A_437 : i32
          %get3A_439 = arith.index_cast %mul3A_438 : i32 to index
          %get3A_440 = tpu.vector_load %arg9[%get3A_439] {strides = array<i32>} : memref<512xi32, #tpu.memory_space<vmem>>, vector<16xi32>,
          %mul3A_441 = arith.constant 4 : i32
          %mul3A_442 = arith.muli %while3A_367, %mul3A_441 : i32
          %add3A_443 = arith.constant 1 : i32
          %add3A_444 = arith.addi %mul3A_442, %add3A_443 : i32
          %mul3A_445 = arith.constant 16 : i32
          %mul3A_446 = arith.muli %add3A_444, %mul3A_445 : i32
          %get3A_447 = arith.index_cast %mul3A_446 : i32 to index
          %get3A_448 = tpu.vector_load %arg9[%get3A_447] {strides = array<i32>} : memref<512xi32, #tpu.memory_space<vmem>>, vector<16xi32>,
          %mul3A_449 = arith.constant 4 : i32
          %mul3A_450 = arith.muli %while3A_367, %mul3A_449 : i32
          %add3A_451 = arith.constant 2 : i32
          %add3A_452 = arith.addi %mul3A_450, %add3A_451 : i32
          %mul3A_453 = arith.constant 16 : i32
          %mul3A_454 = arith.muli %add3A_452, %mul3A_453 : i32
          %get3A_455 = arith.index_cast %mul3A_454 : i32 to index
          %get3A_456 = tpu.vector_load %arg9[%get3A_455] {strides = array<i32>} : memref<512xi32, #tpu.memory_space<vmem>>, vector<16xi32>,
          %mul3A_457 = arith.constant 4 : i32
          %mul3A_458 = arith.muli %while3A_367, %mul3A_457 : i32
          %add3A_459 = arith.constant 3 : i32
          %add3A_460 = arith.addi %mul3A_458, %add3A_459 : i32
          %mul3A_461 = arith.constant 16 : i32
          %mul3A_462 = arith.muli %add3A_460, %mul3A_461 : i32
          %get3A_463 = arith.index_cast %mul3A_462 : i32 to index
          %get3A_464 = tpu.vector_load %arg9[%get3A_463] {strides = array<i32>} : memref<512xi32, #tpu.memory_space<vmem>>, vector<16xi32>,
          %gt3A_465 = arith.cmpi sgt, %select_n3A_298, %get3A_376 : vector<16xi32>
          %convert_element_type3A_466 = arith.extui %gt3A_465 : vector<16xi1> to vector<16xi32>
          %eq3A_467 = arith.cmpi eq, %select_n3A_298, %get3A_376 : vector<16xi32>
          %lt3A_468 = arith.cmpi slt, %select_n3A_302, %get3A_408 : vector<16xi32>
          %and3A_469 = arith.andi %eq3A_467, %lt3A_468 : vector<16xi1>
          %convert_element_type3A_470 = arith.extui %and3A_469 : vector<16xi1> to vector<16xi32>
          %add3A_471 = arith.addi %convert_element_type3A_466, %convert_element_type3A_470 : vector<16xi32>
          %gt3A_472 = arith.cmpi sgt, %select_n3A_315, %get3A_376 : vector<16xi32>
          %convert_element_type3A_473 = arith.extui %gt3A_472 : vector<16xi1> to vector<16xi32>
          %eq3A_474 = arith.cmpi eq, %select_n3A_315, %get3A_376 : vector<16xi32>
          %lt3A_475 = arith.cmpi slt, %select_n3A_319, %get3A_408 : vector<16xi32>
          %and3A_476 = arith.andi %eq3A_474, %lt3A_475 : vector<16xi1>
          %convert_element_type3A_477 = arith.extui %and3A_476 : vector<16xi1> to vector<16xi32>
          %add3A_478 = arith.addi %convert_element_type3A_473, %convert_element_type3A_477 : vector<16xi32>
          %gt3A_479 = arith.cmpi sgt, %select_n3A_332, %get3A_376 : vector<16xi32>
          %convert_element_type3A_480 = arith.extui %gt3A_479 : vector<16xi1> to vector<16xi32>
          %eq3A_481 = arith.cmpi eq, %select_n3A_332, %get3A_376 : vector<16xi32>
          %lt3A_482 = arith.cmpi slt, %select_n3A_336, %get3A_408 : vector<16xi32>
          %and3A_483 = arith.andi %eq3A_481, %lt3A_482 : vector<16xi1>
          %convert_element_type3A_484 = arith.extui %and3A_483 : vector<16xi1> to vector<16xi32>
          %add3A_485 = arith.addi %convert_element_type3A_480, %convert_element_type3A_484 : vector<16xi32>
          %gt3A_486 = arith.cmpi sgt, %select_n3A_349, %get3A_376 : vector<16xi32>
          %convert_element_type3A_487 = arith.extui %gt3A_486 : vector<16xi1> to vector<16xi32>
          %eq3A_488 = arith.cmpi eq, %select_n3A_349, %get3A_376 : vector<16xi32>
          %lt3A_489 = arith.cmpi slt, %select_n3A_353, %get3A_408 : vector<16xi32>
          %and3A_490 = arith.andi %eq3A_488, %lt3A_489 : vector<16xi1>
          %convert_element_type3A_491 = arith.extui %and3A_490 : vector<16xi1> to vector<16xi32>
          %add3A_492 = arith.addi %convert_element_type3A_487, %convert_element_type3A_491 : vector<16xi32>
          %add3A_493 = arith.addi %add3A_471, %add3A_478 : vector<16xi32>
          %add3A_494 = arith.addi %add3A_485, %add3A_492 : vector<16xi32>
          %add3A_495 = arith.addi %add3A_493, %add3A_494 : vector<16xi32>
          %add3A_496 = arith.addi %get3A_440, %add3A_495 : vector<16xi32>
          %mul3A_497 = arith.constant 4 : i32
          %mul3A_498 = arith.muli %while3A_367, %mul3A_497 : i32
          %add3A_499 = arith.constant 0 : i32
          %add3A_500 = arith.addi %mul3A_498, %add3A_499 : i32
          %mul3A_501 = arith.constant 16 : i32
          %mul3A_502 = arith.muli %add3A_500, %mul3A_501 : i32
          %swap3A = arith.index_cast %mul3A_502 : i32 to index
          %swap3A_503 = tpu.vector_load %arg9[%swap3A] {strides = array<i32>} : memref<512xi32, #tpu.memory_space<vmem>>, vector<16xi32>,
          tpu.vector_store %arg9[%swap3A], %add3A_496 {strides = array<i32>} : memref<512xi32, #tpu.memory_space<vmem>>, vector<16xi32>,
          %gt3A_504 = arith.cmpi sgt, %select_n3A_298, %get3A_384 : vector<16xi32>
          %convert_element_type3A_505 = arith.extui %gt3A_504 : vector<16xi1> to vector<16xi32>
          %eq3A_506 = arith.cmpi eq, %select_n3A_298, %get3A_384 : vector<16xi32>
          %lt3A_507 = arith.cmpi slt, %select_n3A_302, %get3A_416 : vector<16xi32>
          %and3A_508 = arith.andi %eq3A_506, %lt3A_507 : vector<16xi1>
          %convert_element_type3A_509 = arith.extui %and3A_508 : vector<16xi1> to vector<16xi32>
          %add3A_510 = arith.addi %convert_element_type3A_505, %convert_element_type3A_509 : vector<16xi32>
          %gt3A_511 = arith.cmpi sgt, %select_n3A_315, %get3A_384 : vector<16xi32>
          %convert_element_type3A_512 = arith.extui %gt3A_511 : vector<16xi1> to vector<16xi32>
          %eq3A_513 = arith.cmpi eq, %select_n3A_315, %get3A_384 : vector<16xi32>
          %lt3A_514 = arith.cmpi slt, %select_n3A_319, %get3A_416 : vector<16xi32>
          %and3A_515 = arith.andi %eq3A_513, %lt3A_514 : vector<16xi1>
          %convert_element_type3A_516 = arith.extui %and3A_515 : vector<16xi1> to vector<16xi32>
          %add3A_517 = arith.addi %convert_element_type3A_512, %convert_element_type3A_516 : vector<16xi32>
          %gt3A_518 = arith.cmpi sgt, %select_n3A_332, %get3A_384 : vector<16xi32>
          %convert_element_type3A_519 = arith.extui %gt3A_518 : vector<16xi1> to vector<16xi32>
          %eq3A_520 = arith.cmpi eq, %select_n3A_332, %get3A_384 : vector<16xi32>
          %lt3A_521 = arith.cmpi slt, %select_n3A_336, %get3A_416 : vector<16xi32>
          %and3A_522 = arith.andi %eq3A_520, %lt3A_521 : vector<16xi1>
          %convert_element_type3A_523 = arith.extui %and3A_522 : vector<16xi1> to vector<16xi32>
          %add3A_524 = arith.addi %convert_element_type3A_519, %convert_element_type3A_523 : vector<16xi32>
          %gt3A_525 = arith.cmpi sgt, %select_n3A_349, %get3A_384 : vector<16xi32>
          %convert_element_type3A_526 = arith.extui %gt3A_525 : vector<16xi1> to vector<16xi32>
          %eq3A_527 = arith.cmpi eq, %select_n3A_349, %get3A_384 : vector<16xi32>
          %lt3A_528 = arith.cmpi slt, %select_n3A_353, %get3A_416 : vector<16xi32>
          %and3A_529 = arith.andi %eq3A_527, %lt3A_528 : vector<16xi1>
          %convert_element_type3A_530 = arith.extui %and3A_529 : vector<16xi1> to vector<16xi32>
          %add3A_531 = arith.addi %convert_element_type3A_526, %convert_element_type3A_530 : vector<16xi32>
          %add3A_532 = arith.addi %add3A_510, %add3A_517 : vector<16xi32>
          %add3A_533 = arith.addi %add3A_524, %add3A_531 : vector<16xi32>
          %add3A_534 = arith.addi %add3A_532, %add3A_533 : vector<16xi32>
          %add3A_535 = arith.addi %get3A_448, %add3A_534 : vector<16xi32>
          %mul3A_536 = arith.constant 4 : i32
          %mul3A_537 = arith.muli %while3A_367, %mul3A_536 : i32
          %add3A_538 = arith.constant 1 : i32
          %add3A_539 = arith.addi %mul3A_537, %add3A_538 : i32
          %mul3A_540 = arith.constant 16 : i32
          %mul3A_541 = arith.muli %add3A_539, %mul3A_540 : i32
          %swap3A_542 = arith.index_cast %mul3A_541 : i32 to index
          %swap3A_543 = tpu.vector_load %arg9[%swap3A_542] {strides = array<i32>} : memref<512xi32, #tpu.memory_space<vmem>>, vector<16xi32>,
          tpu.vector_store %arg9[%swap3A_542], %add3A_535 {strides = array<i32>} : memref<512xi32, #tpu.memory_space<vmem>>, vector<16xi32>,
          %gt3A_544 = arith.cmpi sgt, %select_n3A_298, %get3A_392 : vector<16xi32>
          %convert_element_type3A_545 = arith.extui %gt3A_544 : vector<16xi1> to vector<16xi32>
          %eq3A_546 = arith.cmpi eq, %select_n3A_298, %get3A_392 : vector<16xi32>
          %lt3A_547 = arith.cmpi slt, %select_n3A_302, %get3A_424 : vector<16xi32>
          %and3A_548 = arith.andi %eq3A_546, %lt3A_547 : vector<16xi1>
          %convert_element_type3A_549 = arith.extui %and3A_548 : vector<16xi1> to vector<16xi32>
          %add3A_550 = arith.addi %convert_element_type3A_545, %convert_element_type3A_549 : vector<16xi32>
          %gt3A_551 = arith.cmpi sgt, %select_n3A_315, %get3A_392 : vector<16xi32>
          %convert_element_type3A_552 = arith.extui %gt3A_551 : vector<16xi1> to vector<16xi32>
          %eq3A_553 = arith.cmpi eq, %select_n3A_315, %get3A_392 : vector<16xi32>
          %lt3A_554 = arith.cmpi slt, %select_n3A_319, %get3A_424 : vector<16xi32>
          %and3A_555 = arith.andi %eq3A_553, %lt3A_554 : vector<16xi1>
          %convert_element_type3A_556 = arith.extui %and3A_555 : vector<16xi1> to vector<16xi32>
          %add3A_557 = arith.addi %convert_element_type3A_552, %convert_element_type3A_556 : vector<16xi32>
          %gt3A_558 = arith.cmpi sgt, %select_n3A_332, %get3A_392 : vector<16xi32>
          %convert_element_type3A_559 = arith.extui %gt3A_558 : vector<16xi1> to vector<16xi32>
          %eq3A_560 = arith.cmpi eq, %select_n3A_332, %get3A_392 : vector<16xi32>
          %lt3A_561 = arith.cmpi slt, %select_n3A_336, %get3A_424 : vector<16xi32>
          %and3A_562 = arith.andi %eq3A_560, %lt3A_561 : vector<16xi1>
          %convert_element_type3A_563 = arith.extui %and3A_562 : vector<16xi1> to vector<16xi32>
          %add3A_564 = arith.addi %convert_element_type3A_559, %convert_element_type3A_563 : vector<16xi32>
          %gt3A_565 = arith.cmpi sgt, %select_n3A_349, %get3A_392 : vector<16xi32>
          %convert_element_type3A_566 = arith.extui %gt3A_565 : vector<16xi1> to vector<16xi32>
          %eq3A_567 = arith.cmpi eq, %select_n3A_349, %get3A_392 : vector<16xi32>
          %lt3A_568 = arith.cmpi slt, %select_n3A_353, %get3A_424 : vector<16xi32>
          %and3A_569 = arith.andi %eq3A_567, %lt3A_568 : vector<16xi1>
          %convert_element_type3A_570 = arith.extui %and3A_569 : vector<16xi1> to vector<16xi32>
          %add3A_571 = arith.addi %convert_element_type3A_566, %convert_element_type3A_570 : vector<16xi32>
          %add3A_572 = arith.addi %add3A_550, %add3A_557 : vector<16xi32>
          %add3A_573 = arith.addi %add3A_564, %add3A_571 : vector<16xi32>
          %add3A_574 = arith.addi %add3A_572, %add3A_573 : vector<16xi32>
          %add3A_575 = arith.addi %get3A_456, %add3A_574 : vector<16xi32>
          %mul3A_576 = arith.constant 4 : i32
          %mul3A_577 = arith.muli %while3A_367, %mul3A_576 : i32
          %add3A_578 = arith.constant 2 : i32
          %add3A_579 = arith.addi %mul3A_577, %add3A_578 : i32
          %mul3A_580 = arith.constant 16 : i32
          %mul3A_581 = arith.muli %add3A_579, %mul3A_580 : i32
          %swap3A_582 = arith.index_cast %mul3A_581 : i32 to index
          %swap3A_583 = tpu.vector_load %arg9[%swap3A_582] {strides = array<i32>} : memref<512xi32, #tpu.memory_space<vmem>>, vector<16xi32>,
          tpu.vector_store %arg9[%swap3A_582], %add3A_575 {strides = array<i32>} : memref<512xi32, #tpu.memory_space<vmem>>, vector<16xi32>,
          %gt3A_584 = arith.cmpi sgt, %select_n3A_298, %get3A_400 : vector<16xi32>
          %convert_element_type3A_585 = arith.extui %gt3A_584 : vector<16xi1> to vector<16xi32>
          %eq3A_586 = arith.cmpi eq, %select_n3A_298, %get3A_400 : vector<16xi32>
          %lt3A_587 = arith.cmpi slt, %select_n3A_302, %get3A_432 : vector<16xi32>
          %and3A_588 = arith.andi %eq3A_586, %lt3A_587 : vector<16xi1>
          %convert_element_type3A_589 = arith.extui %and3A_588 : vector<16xi1> to vector<16xi32>
          %add3A_590 = arith.addi %convert_element_type3A_585, %convert_element_type3A_589 : vector<16xi32>
          %gt3A_591 = arith.cmpi sgt, %select_n3A_315, %get3A_400 : vector<16xi32>
          %convert_element_type3A_592 = arith.extui %gt3A_591 : vector<16xi1> to vector<16xi32>
          %eq3A_593 = arith.cmpi eq, %select_n3A_315, %get3A_400 : vector<16xi32>
          %lt3A_594 = arith.cmpi slt, %select_n3A_319, %get3A_432 : vector<16xi32>
          %and3A_595 = arith.andi %eq3A_593, %lt3A_594 : vector<16xi1>
          %convert_element_type3A_596 = arith.extui %and3A_595 : vector<16xi1> to vector<16xi32>
          %add3A_597 = arith.addi %convert_element_type3A_592, %convert_element_type3A_596 : vector<16xi32>
          %gt3A_598 = arith.cmpi sgt, %select_n3A_332, %get3A_400 : vector<16xi32>
          %convert_element_type3A_599 = arith.extui %gt3A_598 : vector<16xi1> to vector<16xi32>
          %eq3A_600 = arith.cmpi eq, %select_n3A_332, %get3A_400 : vector<16xi32>
          %lt3A_601 = arith.cmpi slt, %select_n3A_336, %get3A_432 : vector<16xi32>
          %and3A_602 = arith.andi %eq3A_600, %lt3A_601 : vector<16xi1>
          %convert_element_type3A_603 = arith.extui %and3A_602 : vector<16xi1> to vector<16xi32>
          %add3A_604 = arith.addi %convert_element_type3A_599, %convert_element_type3A_603 : vector<16xi32>
          %gt3A_605 = arith.cmpi sgt, %select_n3A_349, %get3A_400 : vector<16xi32>
          %convert_element_type3A_606 = arith.extui %gt3A_605 : vector<16xi1> to vector<16xi32>
          %eq3A_607 = arith.cmpi eq, %select_n3A_349, %get3A_400 : vector<16xi32>
          %lt3A_608 = arith.cmpi slt, %select_n3A_353, %get3A_432 : vector<16xi32>
          %and3A_609 = arith.andi %eq3A_607, %lt3A_608 : vector<16xi1>
          %convert_element_type3A_610 = arith.extui %and3A_609 : vector<16xi1> to vector<16xi32>
          %add3A_611 = arith.addi %convert_element_type3A_606, %convert_element_type3A_610 : vector<16xi32>
          %add3A_612 = arith.addi %add3A_590, %add3A_597 : vector<16xi32>
          %add3A_613 = arith.addi %add3A_604, %add3A_611 : vector<16xi32>
          %add3A_614 = arith.addi %add3A_612, %add3A_613 : vector<16xi32>
          %add3A_615 = arith.addi %get3A_464, %add3A_614 : vector<16xi32>
          %mul3A_616 = arith.constant 4 : i32
          %mul3A_617 = arith.muli %while3A_367, %mul3A_616 : i32
          %add3A_618 = arith.constant 3 : i32
          %add3A_619 = arith.addi %mul3A_617, %add3A_618 : i32
          %mul3A_620 = arith.constant 16 : i32
          %mul3A_621 = arith.muli %add3A_619, %mul3A_620 : i32
          %swap3A_622 = arith.index_cast %mul3A_621 : i32 to index
          %swap3A_623 = tpu.vector_load %arg9[%swap3A_622] {strides = array<i32>} : memref<512xi32, #tpu.memory_space<vmem>>, vector<16xi32>,
          tpu.vector_store %arg9[%swap3A_622], %add3A_615 {strides = array<i32>} : memref<512xi32, #tpu.memory_space<vmem>>, vector<16xi32>,
          %while3A_624 = arith.constant 0 : i32
          scf.yield %while3A_624 : i32
        }
        %while3A_364 = arith.constant 1 : i32
        %while3A_365 = scf.for %while3A_367 = %while3A_361 to %while3A_357 step %while3A_364 iter_args(%while3A_368 = %while3A_363) -> (i32)  : i32 {
          %mul3A_369 = arith.constant 4 : i32
          %mul3A_370 = arith.muli %while3A_367, %mul3A_369 : i32
          %add3A_371 = arith.constant 0 : i32
          %add3A_372 = arith.addi %mul3A_370, %add3A_371 : i32
          %mul3A_373 = arith.constant 16 : i32
          %mul3A_374 = arith.muli %add3A_372, %mul3A_373 : i32
          %get3A_375 = arith.index_cast %mul3A_374 : i32 to index
          %get3A_376 = tpu.vector_load %arg7[%get3A_375] {strides = array<i32>} : memref<512xi32, #tpu.memory_space<vmem>>, vector<16xi32>,
          %mul3A_377 = arith.constant 4 : i32
          %mul3A_378 = arith.muli %while3A_367, %mul3A_377 : i32
          %add3A_379 = arith.constant 1 : i32
          %add3A_380 = arith.addi %mul3A_378, %add3A_379 : i32
          %mul3A_381 = arith.constant 16 : i32
          %mul3A_382 = arith.muli %add3A_380, %mul3A_381 : i32
          %get3A_383 = arith.index_cast %mul3A_382 : i32 to index
          %get3A_384 = tpu.vector_load %arg7[%get3A_383] {strides = array<i32>} : memref<512xi32, #tpu.memory_space<vmem>>, vector<16xi32>,
          %mul3A_385 = arith.constant 4 : i32
          %mul3A_386 = arith.muli %while3A_367, %mul3A_385 : i32
          %add3A_387 = arith.constant 2 : i32
          %add3A_388 = arith.addi %mul3A_386, %add3A_387 : i32
          %mul3A_389 = arith.constant 16 : i32
          %mul3A_390 = arith.muli %add3A_388, %mul3A_389 : i32
          %get3A_391 = arith.index_cast %mul3A_390 : i32 to index
          %get3A_392 = tpu.vector_load %arg7[%get3A_391] {strides = array<i32>} : memref<512xi32, #tpu.memory_space<vmem>>, vector<16xi32>,
          %mul3A_393 = arith.constant 4 : i32
          %mul3A_394 = arith.muli %while3A_367, %mul3A_393 : i32
          %add3A_395 = arith.constant 3 : i32
          %add3A_396 = arith.addi %mul3A_394, %add3A_395 : i32
          %mul3A_397 = arith.constant 16 : i32
          %mul3A_398 = arith.muli %add3A_396, %mul3A_397 : i32
          %get3A_399 = arith.index_cast %mul3A_398 : i32 to index
          %get3A_400 = tpu.vector_load %arg7[%get3A_399] {strides = array<i32>} : memref<512xi32, #tpu.memory_space<vmem>>, vector<16xi32>,
          %mul3A_401 = arith.constant 4 : i32
          %mul3A_402 = arith.muli %while3A_367, %mul3A_401 : i32
          %add3A_403 = arith.constant 0 : i32
          %add3A_404 = arith.addi %mul3A_402, %add3A_403 : i32
          %mul3A_405 = arith.constant 16 : i32
          %mul3A_406 = arith.muli %add3A_404, %mul3A_405 : i32
          %get3A_407 = arith.index_cast %mul3A_406 : i32 to index
          %get3A_408 = tpu.vector_load %arg8[%get3A_407] {strides = array<i32>} : memref<512xi32, #tpu.memory_space<vmem>>, vector<16xi32>,
          %mul3A_409 = arith.constant 4 : i32
          %mul3A_410 = arith.muli %while3A_367, %mul3A_409 : i32
          %add3A_411 = arith.constant 1 : i32
          %add3A_412 = arith.addi %mul3A_410, %add3A_411 : i32
          %mul3A_413 = arith.constant 16 : i32
          %mul3A_414 = arith.muli %add3A_412, %mul3A_413 : i32
          %get3A_415 = arith.index_cast %mul3A_414 : i32 to index
          %get3A_416 = tpu.vector_load %arg8[%get3A_415] {strides = array<i32>} : memref<512xi32, #tpu.memory_space<vmem>>, vector<16xi32>,
          %mul3A_417 = arith.constant 4 : i32
          %mul3A_418 = arith.muli %while3A_367, %mul3A_417 : i32
          %add3A_419 = arith.constant 2 : i32
          %add3A_420 = arith.addi %mul3A_418, %add3A_419 : i32
          %mul3A_421 = arith.constant 16 : i32
          %mul3A_422 = arith.muli %add3A_420, %mul3A_421 : i32
          %get3A_423 = arith.index_cast %mul3A_422 : i32 to index
          %get3A_424 = tpu.vector_load %arg8[%get3A_423] {strides = array<i32>} : memref<512xi32, #tpu.memory_space<vmem>>, vector<16xi32>,
          %mul3A_425 = arith.constant 4 : i32
          %mul3A_426 = arith.muli %while3A_367, %mul3A_425 : i32
          %add3A_427 = arith.constant 3 : i32
          %add3A_428 = arith.addi %mul3A_426, %add3A_427 : i32
          %mul3A_429 = arith.constant 16 : i32
          %mul3A_430 = arith.muli %add3A_428, %mul3A_429 : i32
          %get3A_431 = arith.index_cast %mul3A_430 : i32 to index
          %get3A_432 = tpu.vector_load %arg8[%get3A_431] {strides = array<i32>} : memref<512xi32, #tpu.memory_space<vmem>>, vector<16xi32>,
          %mul3A_433 = arith.constant 4 : i32
          %mul3A_434 = arith.muli %while3A_367, %mul3A_433 : i32
          %add3A_435 = arith.constant 0 : i32
          %add3A_436 = arith.addi %mul3A_434, %add3A_435 : i32
          %mul3A_437 = arith.constant 16 : i32
          %mul3A_438 = arith.muli %add3A_436, %mul3A_437 : i32
          %get3A_439 = arith.index_cast %mul3A_438 : i32 to index
          %get3A_440 = tpu.vector_load %arg9[%get3A_439] {strides = array<i32>} : memref<512xi32, #tpu.memory_space<vmem>>, vector<16xi32>,
          %mul3A_441 = arith.constant 4 : i32
          %mul3A_442 = arith.muli %while3A_367, %mul3A_441 : i32
          %add3A_443 = arith.constant 1 : i32
          %add3A_444 = arith.addi %mul3A_442, %add3A_443 : i32
          %mul3A_445 = arith.constant 16 : i32
          %mul3A_446 = arith.muli %add3A_444, %mul3A_445 : i32
          %get3A_447 = arith.index_cast %mul3A_446 : i32 to index
          %get3A_448 = tpu.vector_load %arg9[%get3A_447] {strides = array<i32>} : memref<512xi32, #tpu.memory_space<vmem>>, vector<16xi32>,
          %mul3A_449 = arith.constant 4 : i32
          %mul3A_450 = arith.muli %while3A_367, %mul3A_449 : i32
          %add3A_451 = arith.constant 2 : i32
          %add3A_452 = arith.addi %mul3A_450, %add3A_451 : i32
          %mul3A_453 = arith.constant 16 : i32
          %mul3A_454 = arith.muli %add3A_452, %mul3A_453 : i32
          %get3A_455 = arith.index_cast %mul3A_454 : i32 to index
          %get3A_456 = tpu.vector_load %arg9[%get3A_455] {strides = array<i32>} : memref<512xi32, #tpu.memory_space<vmem>>, vector<16xi32>,
          %mul3A_457 = arith.constant 4 : i32
          %mul3A_458 = arith.muli %while3A_367, %mul3A_457 : i32
          %add3A_459 = arith.constant 3 : i32
          %add3A_460 = arith.addi %mul3A_458, %add3A_459 : i32
          %mul3A_461 = arith.constant 16 : i32
          %mul3A_462 = arith.muli %add3A_460, %mul3A_461 : i32
          %get3A_463 = arith.index_cast %mul3A_462 : i32 to index
          %get3A_464 = tpu.vector_load %arg9[%get3A_463] {strides = array<i32>} : memref<512xi32, #tpu.memory_space<vmem>>, vector<16xi32>,
          %gt3A_465 = arith.cmpi sgt, %select_n3A_298, %get3A_376 : vector<16xi32>
          %convert_element_type3A_466 = arith.extui %gt3A_465 : vector<16xi1> to vector<16xi32>
          %eq3A_467 = arith.cmpi eq, %select_n3A_298, %get3A_376 : vector<16xi32>
          %lt3A_468 = arith.cmpi slt, %select_n3A_302, %get3A_408 : vector<16xi32>
          %and3A_469 = arith.andi %eq3A_467, %lt3A_468 : vector<16xi1>
          %convert_element_type3A_470 = arith.extui %and3A_469 : vector<16xi1> to vector<16xi32>
          %add3A_471 = arith.addi %convert_element_type3A_466, %convert_element_type3A_470 : vector<16xi32>
          %gt3A_472 = arith.cmpi sgt, %select_n3A_315, %get3A_376 : vector<16xi32>
          %convert_element_type3A_473 = arith.extui %gt3A_472 : vector<16xi1> to vector<16xi32>
          %eq3A_474 = arith.cmpi eq, %select_n3A_315, %get3A_376 : vector<16xi32>
          %lt3A_475 = arith.cmpi slt, %select_n3A_319, %get3A_408 : vector<16xi32>
          %and3A_476 = arith.andi %eq3A_474, %lt3A_475 : vector<16xi1>
          %convert_element_type3A_477 = arith.extui %and3A_476 : vector<16xi1> to vector<16xi32>
          %add3A_478 = arith.addi %convert_element_type3A_473, %convert_element_type3A_477 : vector<16xi32>
          %gt3A_479 = arith.cmpi sgt, %select_n3A_332, %get3A_376 : vector<16xi32>
          %convert_element_type3A_480 = arith.extui %gt3A_479 : vector<16xi1> to vector<16xi32>
          %eq3A_481 = arith.cmpi eq, %select_n3A_332, %get3A_376 : vector<16xi32>
          %lt3A_482 = arith.cmpi slt, %select_n3A_336, %get3A_408 : vector<16xi32>
          %and3A_483 = arith.andi %eq3A_481, %lt3A_482 : vector<16xi1>
          %convert_element_type3A_484 = arith.extui %and3A_483 : vector<16xi1> to vector<16xi32>
          %add3A_485 = arith.addi %convert_element_type3A_480, %convert_element_type3A_484 : vector<16xi32>
          %gt3A_486 = arith.cmpi sgt, %select_n3A_349, %get3A_376 : vector<16xi32>
          %convert_element_type3A_487 = arith.extui %gt3A_486 : vector<16xi1> to vector<16xi32>
          %eq3A_488 = arith.cmpi eq, %select_n3A_349, %get3A_376 : vector<16xi32>
          %lt3A_489 = arith.cmpi slt, %select_n3A_353, %get3A_408 : vector<16xi32>
          %and3A_490 = arith.andi %eq3A_488, %lt3A_489 : vector<16xi1>
          %convert_element_type3A_491 = arith.extui %and3A_490 : vector<16xi1> to vector<16xi32>
          %add3A_492 = arith.addi %convert_element_type3A_487, %convert_element_type3A_491 : vector<16xi32>
          %add3A_493 = arith.addi %add3A_471, %add3A_478 : vector<16xi32>
          %add3A_494 = arith.addi %add3A_485, %add3A_492 : vector<16xi32>
          %add3A_495 = arith.addi %add3A_493, %add3A_494 : vector<16xi32>
          %add3A_496 = arith.addi %get3A_440, %add3A_495 : vector<16xi32>
          %mul3A_497 = arith.constant 4 : i32
          %mul3A_498 = arith.muli %while3A_367, %mul3A_497 : i32
          %add3A_499 = arith.constant 0 : i32
          %add3A_500 = arith.addi %mul3A_498, %add3A_499 : i32
          %mul3A_501 = arith.constant 16 : i32
          %mul3A_502 = arith.muli %add3A_500, %mul3A_501 : i32
          %swap3A = arith.index_cast %mul3A_502 : i32 to index
          %swap3A_503 = tpu.vector_load %arg9[%swap3A] {strides = array<i32>} : memref<512xi32, #tpu.memory_space<vmem>>, vector<16xi32>,
          tpu.vector_store %arg9[%swap3A], %add3A_496 {strides = array<i32>} : memref<512xi32, #tpu.memory_space<vmem>>, vector<16xi32>,
          %gt3A_504 = arith.cmpi sgt, %select_n3A_298, %get3A_384 : vector<16xi32>
          %convert_element_type3A_505 = arith.extui %gt3A_504 : vector<16xi1> to vector<16xi32>
          %eq3A_506 = arith.cmpi eq, %select_n3A_298, %get3A_384 : vector<16xi32>
          %lt3A_507 = arith.cmpi slt, %select_n3A_302, %get3A_416 : vector<16xi32>
          %and3A_508 = arith.andi %eq3A_506, %lt3A_507 : vector<16xi1>
          %convert_element_type3A_509 = arith.extui %and3A_508 : vector<16xi1> to vector<16xi32>
          %add3A_510 = arith.addi %convert_element_type3A_505, %convert_element_type3A_509 : vector<16xi32>
          %gt3A_511 = arith.cmpi sgt, %select_n3A_315, %get3A_384 : vector<16xi32>
          %convert_element_type3A_512 = arith.extui %gt3A_511 : vector<16xi1> to vector<16xi32>
          %eq3A_513 = arith.cmpi eq, %select_n3A_315, %get3A_384 : vector<16xi32>
          %lt3A_514 = arith.cmpi slt, %select_n3A_319, %get3A_416 : vector<16xi32>
          %and3A_515 = arith.andi %eq3A_513, %lt3A_514 : vector<16xi1>
          %convert_element_type3A_516 = arith.extui %and3A_515 : vector<16xi1> to vector<16xi32>
          %add3A_517 = arith.addi %convert_element_type3A_512, %convert_element_type3A_516 : vector<16xi32>
          %gt3A_518 = arith.cmpi sgt, %select_n3A_332, %get3A_384 : vector<16xi32>
          %convert_element_type3A_519 = arith.extui %gt3A_518 : vector<16xi1> to vector<16xi32>
          %eq3A_520 = arith.cmpi eq, %select_n3A_332, %get3A_384 : vector<16xi32>
          %lt3A_521 = arith.cmpi slt, %select_n3A_336, %get3A_416 : vector<16xi32>
          %and3A_522 = arith.andi %eq3A_520, %lt3A_521 : vector<16xi1>
          %convert_element_type3A_523 = arith.extui %and3A_522 : vector<16xi1> to vector<16xi32>
          %add3A_524 = arith.addi %convert_element_type3A_519, %convert_element_type3A_523 : vector<16xi32>
          %gt3A_525 = arith.cmpi sgt, %select_n3A_349, %get3A_384 : vector<16xi32>
          %convert_element_type3A_526 = arith.extui %gt3A_525 : vector<16xi1> to vector<16xi32>
          %eq3A_527 = arith.cmpi eq, %select_n3A_349, %get3A_384 : vector<16xi32>
          %lt3A_528 = arith.cmpi slt, %select_n3A_353, %get3A_416 : vector<16xi32>
          %and3A_529 = arith.andi %eq3A_527, %lt3A_528 : vector<16xi1>
          %convert_element_type3A_530 = arith.extui %and3A_529 : vector<16xi1> to vector<16xi32>
          %add3A_531 = arith.addi %convert_element_type3A_526, %convert_element_type3A_530 : vector<16xi32>
          %add3A_532 = arith.addi %add3A_510, %add3A_517 : vector<16xi32>
          %add3A_533 = arith.addi %add3A_524, %add3A_531 : vector<16xi32>
          %add3A_534 = arith.addi %add3A_532, %add3A_533 : vector<16xi32>
          %add3A_535 = arith.addi %get3A_448, %add3A_534 : vector<16xi32>
          %mul3A_536 = arith.constant 4 : i32
          %mul3A_537 = arith.muli %while3A_367, %mul3A_536 : i32
          %add3A_538 = arith.constant 1 : i32
          %add3A_539 = arith.addi %mul3A_537, %add3A_538 : i32
          %mul3A_540 = arith.constant 16 : i32
          %mul3A_541 = arith.muli %add3A_539, %mul3A_540 : i32
          %swap3A_542 = arith.index_cast %mul3A_541 : i32 to index
          %swap3A_543 = tpu.vector_load %arg9[%swap3A_542] {strides = array<i32>} : memref<512xi32, #tpu.memory_space<vmem>>, vector<16xi32>,
          tpu.vector_store %arg9[%swap3A_542], %add3A_535 {strides = array<i32>} : memref<512xi32, #tpu.memory_space<vmem>>, vector<16xi32>,
          %gt3A_544 = arith.cmpi sgt, %select_n3A_298, %get3A_392 : vector<16xi32>
          %convert_element_type3A_545 = arith.extui %gt3A_544 : vector<16xi1> to vector<16xi32>
          %eq3A_546 = arith.cmpi eq, %select_n3A_298, %get3A_392 : vector<16xi32>
          %lt3A_547 = arith.cmpi slt, %select_n3A_302, %get3A_424 : vector<16xi32>
          %and3A_548 = arith.andi %eq3A_546, %lt3A_547 : vector<16xi1>
          %convert_element_type3A_549 = arith.extui %and3A_548 : vector<16xi1> to vector<16xi32>
          %add3A_550 = arith.addi %convert_element_type3A_545, %convert_element_type3A_549 : vector<16xi32>
          %gt3A_551 = arith.cmpi sgt, %select_n3A_315, %get3A_392 : vector<16xi32>
          %convert_element_type3A_552 = arith.extui %gt3A_551 : vector<16xi1> to vector<16xi32>
          %eq3A_553 = arith.cmpi eq, %select_n3A_315, %get3A_392 : vector<16xi32>
          %lt3A_554 = arith.cmpi slt, %select_n3A_319, %get3A_424 : vector<16xi32>
          %and3A_555 = arith.andi %eq3A_553, %lt3A_554 : vector<16xi1>
          %convert_element_type3A_556 = arith.extui %and3A_555 : vector<16xi1> to vector<16xi32>
          %add3A_557 = arith.addi %convert_element_type3A_552, %convert_element_type3A_556 : vector<16xi32>
          %gt3A_558 = arith.cmpi sgt, %select_n3A_332, %get3A_392 : vector<16xi32>
          %convert_element_type3A_559 = arith.extui %gt3A_558 : vector<16xi1> to vector<16xi32>
          %eq3A_560 = arith.cmpi eq, %select_n3A_332, %get3A_392 : vector<16xi32>
          %lt3A_561 = arith.cmpi slt, %select_n3A_336, %get3A_424 : vector<16xi32>
          %and3A_562 = arith.andi %eq3A_560, %lt3A_561 : vector<16xi1>
          %convert_element_type3A_563 = arith.extui %and3A_562 : vector<16xi1> to vector<16xi32>
          %add3A_564 = arith.addi %convert_element_type3A_559, %convert_element_type3A_563 : vector<16xi32>
          %gt3A_565 = arith.cmpi sgt, %select_n3A_349, %get3A_392 : vector<16xi32>
          %convert_element_type3A_566 = arith.extui %gt3A_565 : vector<16xi1> to vector<16xi32>
          %eq3A_567 = arith.cmpi eq, %select_n3A_349, %get3A_392 : vector<16xi32>
          %lt3A_568 = arith.cmpi slt, %select_n3A_353, %get3A_424 : vector<16xi32>
          %and3A_569 = arith.andi %eq3A_567, %lt3A_568 : vector<16xi1>
          %convert_element_type3A_570 = arith.extui %and3A_569 : vector<16xi1> to vector<16xi32>
          %add3A_571 = arith.addi %convert_element_type3A_566, %convert_element_type3A_570 : vector<16xi32>
          %add3A_572 = arith.addi %add3A_550, %add3A_557 : vector<16xi32>
          %add3A_573 = arith.addi %add3A_564, %add3A_571 : vector<16xi32>
          %add3A_574 = arith.addi %add3A_572, %add3A_573 : vector<16xi32>
          %add3A_575 = arith.addi %get3A_456, %add3A_574 : vector<16xi32>
          %mul3A_576 = arith.constant 4 : i32
          %mul3A_577 = arith.muli %while3A_367, %mul3A_576 : i32
          %add3A_578 = arith.constant 2 : i32
          %add3A_579 = arith.addi %mul3A_577, %add3A_578 : i32
          %mul3A_580 = arith.constant 16 : i32
          %mul3A_581 = arith.muli %add3A_579, %mul3A_580 : i32
          %swap3A_582 = arith.index_cast %mul3A_581 : i32 to index
          %swap3A_583 = tpu.vector_load %arg9[%swap3A_582] {strides = array<i32>} : memref<512xi32, #tpu.memory_space<vmem>>, vector<16xi32>,
          tpu.vector_store %arg9[%swap3A_582], %add3A_575 {strides = array<i32>} : memref<512xi32, #tpu.memory_space<vmem>>, vector<16xi32>,
          %gt3A_584 = arith.cmpi sgt, %select_n3A_298, %get3A_400 : vector<16xi32>
          %convert_element_type3A_585 = arith.extui %gt3A_584 : vector<16xi1> to vector<16xi32>
          %eq3A_586 = arith.cmpi eq, %select_n3A_298, %get3A_400 : vector<16xi32>
          %lt3A_587 = arith.cmpi slt, %select_n3A_302, %get3A_432 : vector<16xi32>
          %and3A_588 = arith.andi %eq3A_586, %lt3A_587 : vector<16xi1>
          %convert_element_type3A_589 = arith.extui %and3A_588 : vector<16xi1> to vector<16xi32>
          %add3A_590 = arith.addi %convert_element_type3A_585, %convert_element_type3A_589 : vector<16xi32>
          %gt3A_591 = arith.cmpi sgt, %select_n3A_315, %get3A_400 : vector<16xi32>
          %convert_element_type3A_592 = arith.extui %gt3A_591 : vector<16xi1> to vector<16xi32>
          %eq3A_593 = arith.cmpi eq, %select_n3A_315, %get3A_400 : vector<16xi32>
          %lt3A_594 = arith.cmpi slt, %select_n3A_319, %get3A_432 : vector<16xi32>
          %and3A_595 = arith.andi %eq3A_593, %lt3A_594 : vector<16xi1>
          %convert_element_type3A_596 = arith.extui %and3A_595 : vector<16xi1> to vector<16xi32>
          %add3A_597 = arith.addi %convert_element_type3A_592, %convert_element_type3A_596 : vector<16xi32>
          %gt3A_598 = arith.cmpi sgt, %select_n3A_332, %get3A_400 : vector<16xi32>
          %convert_element_type3A_599 = arith.extui %gt3A_598 : vector<16xi1> to vector<16xi32>
          %eq3A_600 = arith.cmpi eq, %select_n3A_332, %get3A_400 : vector<16xi32>
          %lt3A_601 = arith.cmpi slt, %select_n3A_336, %get3A_432 : vector<16xi32>
          %and3A_602 = arith.andi %eq3A_600, %lt3A_601 : vector<16xi1>
          %convert_element_type3A_603 = arith.extui %and3A_602 : vector<16xi1> to vector<16xi32>
          %add3A_604 = arith.addi %convert_element_type3A_599, %convert_element_type3A_603 : vector<16xi32>
          %gt3A_605 = arith.cmpi sgt, %select_n3A_349, %get3A_400 : vector<16xi32>
          %convert_element_type3A_606 = arith.extui %gt3A_605 : vector<16xi1> to vector<16xi32>
          %eq3A_607 = arith.cmpi eq, %select_n3A_349, %get3A_400 : vector<16xi32>
          %lt3A_608 = arith.cmpi slt, %select_n3A_353, %get3A_432 : vector<16xi32>
          %and3A_609 = arith.andi %eq3A_607, %lt3A_608 : vector<16xi1>
          %convert_element_type3A_610 = arith.extui %and3A_609 : vector<16xi1> to vector<16xi32>
          %add3A_611 = arith.addi %convert_element_type3A_606, %convert_element_type3A_610 : vector<16xi32>
          %add3A_612 = arith.addi %add3A_590, %add3A_597 : vector<16xi32>
          %add3A_613 = arith.addi %add3A_604, %add3A_611 : vector<16xi32>
          %add3A_614 = arith.addi %add3A_612, %add3A_613 : vector<16xi32>
          %add3A_615 = arith.addi %get3A_464, %add3A_614 : vector<16xi32>
          %mul3A_616 = arith.constant 4 : i32
          %mul3A_617 = arith.muli %while3A_367, %mul3A_616 : i32
          %add3A_618 = arith.constant 3 : i32
          %add3A_619 = arith.addi %mul3A_617, %add3A_618 : i32
          %mul3A_620 = arith.constant 16 : i32
          %mul3A_621 = arith.muli %add3A_619, %mul3A_620 : i32
          %swap3A_622 = arith.index_cast %mul3A_621 : i32 to index
          %swap3A_623 = tpu.vector_load %arg9[%swap3A_622] {strides = array<i32>} : memref<512xi32, #tpu.memory_space<vmem>>, vector<16xi32>,
          tpu.vector_store %arg9[%swap3A_622], %add3A_615 {strides = array<i32>} : memref<512xi32, #tpu.memory_space<vmem>>, vector<16xi32>,
          %while3A_624 = arith.constant 0 : i32
          scf.yield %while3A_624 : i32
        }
        %while3A_366 = arith.constant 0 : i32
        scf.yield %while3A_366 : i32
      }
      %while3A_134 = arith.constant 0 : i32
      %while3A_135 = arith.constant 0 : i32
      %while3A_136 = arith.subi %shift_right_arithmetic3A_100, %while3A_134 : i32
      %while3A_137 = arith.addi %while3A_134, %while3A_136 : i32
      %while3A_138 = arith.constant 1 : i32
      %while3A_139 = arith.divsi %while3A_136, %while3A_138 : i32
      %while3A_140 = arith.muli %while3A_139, %while3A_138 : i32
      %while3A_141 = arith.addi %while3A_134, %while3A_140 : i32
      %while3A_142 = arith.constant 1 : i32
      %while3A_143 = scf.for %while3A_285 = %while3A_134 to %while3A_141 step %while3A_142 iter_args(%while3A_286 = %while3A_135) -> (i32)  : i32 {
        %mul3A_287 = arith.constant 16 : i32
        %mul3A_288 = arith.muli %while3A_285, %mul3A_287 : i32
        %get3A_289 = arith.index_cast %mul3A_288 : i32 to index
        %get3A_290 = tpu.vector_load %arg9[%get3A_289] {strides = array<i32>} : memref<512xi32, #tpu.memory_space<vmem>>, vector<16xi32>,
        %lt3A_291 = arith.constant 50 : i32
        %lt3A_292 = vector.broadcast %lt3A_291 : i32 to vector<16xi32>
        %lt3A_293 = arith.cmpi slt, %get3A_290, %lt3A_292 : vector<16xi32>
        %mul3A_294 = arith.constant 16 : i32
        %mul3A_295 = arith.muli %while3A_285, %mul3A_294 : i32
        %get3A_296 = arith.index_cast %mul3A_295 : i32 to index
        %get3A_297 = tpu.vector_load %arg7[%get3A_296] {strides = array<i32>} : memref<512xi32, #tpu.memory_space<vmem>>, vector<16xi32>,
        tpu.vector_store_idx %arg10[%get3A_290], %get3A_297 masked %lt3A_293 : memref<64xi32, #tpu.memory_space<vmem>>[vector<16xi32>], vector<16xi32>, vector<16xi1>
        %mul3A_298 = arith.constant 16 : i32
        %mul3A_299 = arith.muli %while3A_285, %mul3A_298 : i32
        %get3A_300 = arith.index_cast %mul3A_299 : i32 to index
        %get3A_301 = tpu.vector_load %arg8[%get3A_300] {strides = array<i32>} : memref<512xi32, #tpu.memory_space<vmem>>, vector<16xi32>,
        tpu.vector_store_idx %arg11[%get3A_290], %get3A_301 masked %lt3A_293 : memref<64xi32, #tpu.memory_space<vmem>>[vector<16xi32>], vector<16xi32>, vector<16xi1>
        %while3A_302 = arith.constant 0 : i32
        scf.yield %while3A_302 : i32
      }
      %while3A_144 = arith.constant 1 : i32
      %while3A_145 = scf.for %while3A_285 = %while3A_141 to %while3A_137 step %while3A_144 iter_args(%while3A_286 = %while3A_143) -> (i32)  : i32 {
        %mul3A_287 = arith.constant 16 : i32
        %mul3A_288 = arith.muli %while3A_285, %mul3A_287 : i32
        %get3A_289 = arith.index_cast %mul3A_288 : i32 to index
        %get3A_290 = tpu.vector_load %arg9[%get3A_289] {strides = array<i32>} : memref<512xi32, #tpu.memory_space<vmem>>, vector<16xi32>,
        %lt3A_291 = arith.constant 50 : i32
        %lt3A_292 = vector.broadcast %lt3A_291 : i32 to vector<16xi32>
        %lt3A_293 = arith.cmpi slt, %get3A_290, %lt3A_292 : vector<16xi32>
        %mul3A_294 = arith.constant 16 : i32
        %mul3A_295 = arith.muli %while3A_285, %mul3A_294 : i32
        %get3A_296 = arith.index_cast %mul3A_295 : i32 to index
        %get3A_297 = tpu.vector_load %arg7[%get3A_296] {strides = array<i32>} : memref<512xi32, #tpu.memory_space<vmem>>, vector<16xi32>,
        tpu.vector_store_idx %arg10[%get3A_290], %get3A_297 masked %lt3A_293 : memref<64xi32, #tpu.memory_space<vmem>>[vector<16xi32>], vector<16xi32>, vector<16xi1>
        %mul3A_298 = arith.constant 16 : i32
        %mul3A_299 = arith.muli %while3A_285, %mul3A_298 : i32
        %get3A_300 = arith.index_cast %mul3A_299 : i32 to index
        %get3A_301 = tpu.vector_load %arg8[%get3A_300] {strides = array<i32>} : memref<512xi32, #tpu.memory_space<vmem>>, vector<16xi32>,
        tpu.vector_store_idx %arg11[%get3A_290], %get3A_301 masked %lt3A_293 : memref<64xi32, #tpu.memory_space<vmem>>[vector<16xi32>], vector<16xi32>, vector<16xi1>
        %while3A_302 = arith.constant 0 : i32
        scf.yield %while3A_302 : i32
      }
      %get3A = arith.constant 0 : index
      %get3A_146 = tpu.vector_load %arg10[%get3A] {strides = array<i32>} : memref<64xi32, #tpu.memory_space<vmem>>, vector<16xi32>,
      %get3A_147 = arith.constant 0 : index
      %get3A_148 = tpu.vector_load %arg11[%get3A_147] {strides = array<i32>} : memref<64xi32, #tpu.memory_space<vmem>>, vector<16xi32>,
      %convert_element_type3A_149 = arith.sitofp %get3A_148 : vector<16xi32> to vector<16xf32>
      %lt3A_150 = arith.constant 0 : i32
      %lt3A_151 = vector.broadcast %lt3A_150 : i32 to vector<16xi32>
      %lt3A_152 = arith.cmpi slt, %get3A_146, %lt3A_151 : vector<16xi32>
      %xor3A = arith.constant 2147483647 : i32
      %xor3A_153 = vector.broadcast %xor3A : i32 to vector<16xi32>
      %xor3A_154 = arith.xori %get3A_146, %xor3A_153 : vector<16xi32>
      %select_n3A = arith.select %lt3A_152, %xor3A_154, %get3A_146 : vector<16xi1>, vector<16xi32>
      %bitcast3A = vector.bitcast %select_n3A : vector<16xi32> to vector<16xf32>
      %lt3A_155 = arith.constant 10 : i32
      %lt3A_156 = vector.broadcast %lt3A_155 : i32 to vector<16xi32>
      %lt3A_157 = arith.cmpi slt, %iota3A, %lt3A_156 : vector<16xi32>
      %broadcast_in_dim3A_158 = arith.constant 0.000000e+00 : f32
      %broadcast_in_dim3A_159 = vector.broadcast %broadcast_in_dim3A_158 : f32 to vector<16xf32>
      %select_n3A_160 = arith.select %lt3A_157, %convert_element_type3A_149, %broadcast_in_dim3A_159 : vector<16xi1>, vector<16xf32>
      %reduce_sum3A_161 = arith.constant true
      %reduce_sum3A_162 = vector.broadcast %reduce_sum3A_161 : i1 to vector<16xi1>
      %reduce_sum3A_163 = tpu.scan <sum>, %select_n3A_160 masked %reduce_sum3A_162 : vector<16xf32>, vector<16xi1> -> vector<16xf32>
      %reduce_sum3A_164 = vector.extract %reduce_sum3A_163[15] : f32 from vector<16xf32>
      %mul3A_165 = arith.constant 1.000000e-01 : f32
      %mul3A_166 = arith.mulf %reduce_sum3A_164, %mul3A_165 : f32
      %mul3A_167 = arith.mulf %bitcast3A, %bitcast3A : vector<16xf32>
      %select_n3A_168 = arith.select %lt3A_157, %mul3A_167, %broadcast_in_dim3A_159 : vector<16xi1>, vector<16xf32>
      %reduce_sum3A_169 = arith.constant true
      %reduce_sum3A_170 = vector.broadcast %reduce_sum3A_169 : i1 to vector<16xi1>
      %reduce_sum3A_171 = tpu.scan <sum>, %select_n3A_168 masked %reduce_sum3A_170 : vector<16xf32>, vector<16xi1> -> vector<16xf32>
      %reduce_sum3A_172 = vector.extract %reduce_sum3A_171[15] : f32 from vector<16xf32>
      %mul3A_173 = arith.constant 1.000000e-01 : f32
      %mul3A_174 = arith.mulf %reduce_sum3A_172, %mul3A_173 : f32
      %broadcast_in_dim3A_175 = vector.broadcast %mul3A_174 : f32 to vector<16xf32>
      %bitcast3A_176 = vector.bitcast %broadcast_in_dim3A_175 : vector<16xf32> to vector<16xi32>
      %shift_right_arithmetic3A_177 = arith.constant 1 : i32
      %shift_right_arithmetic3A_178 = vector.broadcast %shift_right_arithmetic3A_177 : i32 to vector<16xi32>
      %shift_right_arithmetic3A_179 = arith.shrsi %bitcast3A_176, %shift_right_arithmetic3A_178 : vector<16xi32>
      %sub3A_180 = arith.constant 1597463007 : i32
      %sub3A_181 = vector.broadcast %sub3A_180 : i32 to vector<16xi32>
      %sub3A_182 = arith.subi %sub3A_181, %shift_right_arithmetic3A_179 : vector<16xi32>
      %bitcast3A_183 = vector.bitcast %sub3A_182 : vector<16xi32> to vector<16xf32>
      %mul3A_184 = arith.constant 5.000000e-01 : f32
      %mul3A_185 = arith.mulf %mul3A_184, %mul3A_174 : f32
      %mul3A_186 = vector.broadcast %mul3A_185 : f32 to vector<16xf32>
      %mul3A_187 = arith.mulf %mul3A_186, %bitcast3A_183 : vector<16xf32>
      %mul3A_188 = arith.mulf %mul3A_187, %bitcast3A_183 : vector<16xf32>
      %sub3A_189 = arith.constant 1.500000e+00 : f32
      %sub3A_190 = vector.broadcast %sub3A_189 : f32 to vector<16xf32>
      %sub3A_191 = arith.subf %sub3A_190, %mul3A_188 : vector<16xf32>
      %mul3A_192 = arith.mulf %bitcast3A_183, %sub3A_191 : vector<16xf32>
      %mul3A_193 = vector.broadcast %mul3A_185 : f32 to vector<16xf32>
      %mul3A_194 = arith.mulf %mul3A_193, %mul3A_192 : vector<16xf32>
      %mul3A_195 = arith.mulf %mul3A_194, %mul3A_192 : vector<16xf32>
      %sub3A_196 = arith.constant 1.500000e+00 : f32
      %sub3A_197 = vector.broadcast %sub3A_196 : f32 to vector<16xf32>
      %sub3A_198 = arith.subf %sub3A_197, %mul3A_195 : vector<16xf32>
      %mul3A_199 = arith.mulf %mul3A_192, %sub3A_198 : vector<16xf32>
      %mul3A_200 = vector.broadcast %mul3A_185 : f32 to vector<16xf32>
      %mul3A_201 = arith.mulf %mul3A_200, %mul3A_199 : vector<16xf32>
      %mul3A_202 = arith.mulf %mul3A_201, %mul3A_199 : vector<16xf32>
      %sub3A_203 = arith.constant 1.500000e+00 : f32
      %sub3A_204 = vector.broadcast %sub3A_203 : f32 to vector<16xf32>
      %sub3A_205 = arith.subf %sub3A_204, %mul3A_202 : vector<16xf32>
      %mul3A_206 = arith.mulf %mul3A_199, %sub3A_205 : vector<16xf32>
      %gt3A = arith.constant 0.000000e+00 : f32
      %gt3A_207 = arith.cmpf ogt, %mul3A_174, %gt3A : f32
      %eq3A = arith.constant 0 : i32
      %eq3A_208 = vector.broadcast %eq3A : i32 to vector<16xi32>
      %eq3A_209 = arith.cmpi eq, %iota3A, %eq3A_208 : vector<16xi32>
      %select_n3A_210 = arith.select %eq3A_209, %mul3A_206, %broadcast_in_dim3A_159 : vector<16xi1>, vector<16xf32>
      %reduce_sum3A_211 = arith.constant true
      %reduce_sum3A_212 = vector.broadcast %reduce_sum3A_211 : i1 to vector<16xi1>
      %reduce_sum3A_213 = tpu.scan <sum>, %select_n3A_210 masked %reduce_sum3A_212 : vector<16xf32>, vector<16xi1> -> vector<16xf32>
      %reduce_sum3A_214 = vector.extract %reduce_sum3A_213[15] : f32 from vector<16xf32>
      %mul3A_215 = arith.mulf %mul3A_174, %reduce_sum3A_214 : f32
      %jit3A = arith.constant 0.000000e+00 : f32
      %select_n3A_216 = arith.select %gt3A_207, %mul3A_215, %jit3A : f32
      %eq3A_217 = arith.constant 0 : i32
      %eq3A_218 = vector.broadcast %eq3A_217 : i32 to vector<16xi32>
      %eq3A_219 = arith.cmpi eq, %iota3A, %eq3A_218 : vector<16xi32>
      %select_n3A_220 = arith.select %eq3A_219, %convert_element_type3A_149, %broadcast_in_dim3A_159 : vector<16xi1>, vector<16xf32>
      %reduce_sum3A_221 = arith.constant true
      %reduce_sum3A_222 = vector.broadcast %reduce_sum3A_221 : i1 to vector<16xi1>
      %reduce_sum3A_223 = tpu.scan <sum>, %select_n3A_220 masked %reduce_sum3A_222 : vector<16xf32>, vector<16xi1> -> vector<16xf32>
      %reduce_sum3A_224 = vector.extract %reduce_sum3A_223[15] : f32 from vector<16xf32>
      %eq3A_225 = arith.constant 0 : i32
      %eq3A_226 = vector.broadcast %eq3A_225 : i32 to vector<16xi32>
      %eq3A_227 = arith.cmpi eq, %iota3A, %eq3A_226 : vector<16xi32>
      %abs3A = math.absf %bitcast3A : vector<16xf32>
      %select_n3A_228 = arith.select %eq3A_227, %abs3A, %broadcast_in_dim3A_159 : vector<16xi1>, vector<16xf32>
      %reduce_sum3A_229 = arith.constant true
      %reduce_sum3A_230 = vector.broadcast %reduce_sum3A_229 : i1 to vector<16xi1>
      %reduce_sum3A_231 = tpu.scan <sum>, %select_n3A_228 masked %reduce_sum3A_230 : vector<16xf32>, vector<16xi1> -> vector<16xf32>
      %reduce_sum3A_232 = vector.extract %reduce_sum3A_231[15] : f32 from vector<16xf32>
      %eq3A_233 = arith.constant 0 : i32
      %eq3A_234 = vector.broadcast %eq3A_233 : i32 to vector<16xi32>
      %eq3A_235 = arith.cmpi eq, %iota3A, %eq3A_234 : vector<16xi32>
      %eq3A_236 = arith.constant 1 : i32
      %eq3A_237 = vector.broadcast %eq3A_236 : i32 to vector<16xi32>
      %eq3A_238 = arith.cmpi eq, %iota3A, %eq3A_237 : vector<16xi32>
      %eq3A_239 = arith.constant 2 : i32
      %eq3A_240 = vector.broadcast %eq3A_239 : i32 to vector<16xi32>
      %eq3A_241 = arith.cmpi eq, %iota3A, %eq3A_240 : vector<16xi32>
      %eq3A_242 = arith.constant 3 : i32
      %eq3A_243 = vector.broadcast %eq3A_242 : i32 to vector<16xi32>
      %eq3A_244 = arith.cmpi eq, %iota3A, %eq3A_243 : vector<16xi32>
      %broadcast_in_dim3A_245 = vector.broadcast %reduce_sum3A_232 : f32 to vector<16xf32>
      %select_n3A_246 = arith.select %eq3A_244, %broadcast_in_dim3A_245, %broadcast_in_dim3A_159 : vector<16xi1>, vector<16xf32>
      %broadcast_in_dim3A_247 = vector.broadcast %reduce_sum3A_224 : f32 to vector<16xf32>
      %select_n3A_248 = arith.select %eq3A_241, %broadcast_in_dim3A_247, %select_n3A_246 : vector<16xi1>, vector<16xf32>
      %broadcast_in_dim3A_249 = vector.broadcast %select_n3A_216 : f32 to vector<16xf32>
      %select_n3A_250 = arith.select %eq3A_238, %broadcast_in_dim3A_249, %select_n3A_248 : vector<16xi1>, vector<16xf32>
      %broadcast_in_dim3A_251 = vector.broadcast %mul3A_166 : f32 to vector<16xf32>
      %select_n3A_252 = arith.select %eq3A_235, %broadcast_in_dim3A_251, %select_n3A_250 : vector<16xi1>, vector<16xf32>
      %add3A_253 = vector.broadcast %scan3A_23 : i32 to vector<16xi32>
      %add3A_254 = arith.addi %broadcast_in_dim3A_2, %add3A_253 : vector<16xi32>
      %lt3A_255 = arith.constant 4 : i32
      %lt3A_256 = vector.broadcast %lt3A_255 : i32 to vector<16xi32>
      %lt3A_257 = arith.cmpi slt, %iota3A, %lt3A_256 : vector<16xi32>
      tpu.vector_store_idx %arg12[%add3A_254, %iota3A], %select_n3A_252 masked %lt3A_257 : memref<4x128xf32, #tpu.memory_space<vmem>>[vector<16xi32>, vector<16xi32>], vector<16xf32>, vector<16xi1>
      %get3A_258 = arith.constant 0 : index
      %get3A_259 = tpu.vector_load %arg11[%get3A_258] {strides = array<i32>} : memref<64xi32, #tpu.memory_space<vmem>>, vector<16xi32>,
      %convert_element_type3A_260 = arith.sitofp %get3A_259 : vector<16xi32> to vector<16xf32>
      %add3A_261 = arith.constant 4 : i32
      %add3A_262 = vector.broadcast %add3A_261 : i32 to vector<16xi32>
      %add3A_263 = arith.addi %iota3A, %add3A_262 : vector<16xi32>
      tpu.vector_store_idx %arg12[%add3A_254, %add3A_263], %convert_element_type3A_260 : memref<4x128xf32, #tpu.memory_space<vmem>>[vector<16xi32>, vector<16xi32>], vector<16xf32>,
      %get3A_264 = arith.constant 16 : index
      %get3A_265 = tpu.vector_load %arg11[%get3A_264] {strides = array<i32>} : memref<64xi32, #tpu.memory_space<vmem>>, vector<16xi32>,
      %convert_element_type3A_266 = arith.sitofp %get3A_265 : vector<16xi32> to vector<16xf32>
      %add3A_267 = arith.constant 20 : i32
      %add3A_268 = vector.broadcast %add3A_267 : i32 to vector<16xi32>
      %add3A_269 = arith.addi %iota3A, %add3A_268 : vector<16xi32>
      tpu.vector_store_idx %arg12[%add3A_254, %add3A_269], %convert_element_type3A_266 : memref<4x128xf32, #tpu.memory_space<vmem>>[vector<16xi32>, vector<16xi32>], vector<16xf32>,
      %get3A_270 = arith.constant 32 : index
      %get3A_271 = tpu.vector_load %arg11[%get3A_270] {strides = array<i32>} : memref<64xi32, #tpu.memory_space<vmem>>, vector<16xi32>,
      %convert_element_type3A_272 = arith.sitofp %get3A_271 : vector<16xi32> to vector<16xf32>
      %add3A_273 = arith.constant 36 : i32
      %add3A_274 = vector.broadcast %add3A_273 : i32 to vector<16xi32>
      %add3A_275 = arith.addi %iota3A, %add3A_274 : vector<16xi32>
      tpu.vector_store_idx %arg12[%add3A_254, %add3A_275], %convert_element_type3A_272 : memref<4x128xf32, #tpu.memory_space<vmem>>[vector<16xi32>, vector<16xi32>], vector<16xf32>,
      %get3A_276 = arith.constant 48 : index
      %get3A_277 = tpu.vector_load %arg11[%get3A_276] {strides = array<i32>} : memref<64xi32, #tpu.memory_space<vmem>>, vector<16xi32>,
      %convert_element_type3A_278 = arith.sitofp %get3A_277 : vector<16xi32> to vector<16xf32>
      %add3A_279 = arith.constant 52 : i32
      %add3A_280 = vector.broadcast %add3A_279 : i32 to vector<16xi32>
      %add3A_281 = arith.addi %iota3A, %add3A_280 : vector<16xi32>
      tpu.vector_store_idx %arg12[%add3A_254, %add3A_281], %convert_element_type3A_278 : memref<4x128xf32, #tpu.memory_space<vmem>>[vector<16xi32>, vector<16xi32>], vector<16xf32>,
      %sub3A_282 = arith.constant 131072 : i32
      %sub3A_283 = arith.subi %cond3A_69#0, %sub3A_282 : i32
      %select_n3A_284 = arith.select %and3A_64, %cond3A_69#0, %sub3A_283 : i32
      scf.yield %select_n3A_284 : i32
    }
    %scan3A_20 = arith.constant 4 : i32
    %mul3A_21 = arith.constant 4 : i32
    %mul3A_22 = arith.muli %add3A, %mul3A_21 : i32
    "tpu.region"() ({
      %run_scoped3A = tpu.sem_alloc : memref<!tpu.dma_semaphore, #tpu.memory_space<semaphore_mem>>
      %dma_start3A_23 = arith.constant 0 : i32
      %dma_start3A_24 = tpu.memref_slice %arg3[%mul3A_22, %dma_start3A_23] : memref<128x128xf32, #tpu.memory_space<hbm>> -> memref<4x128xf32, #tpu.memory_space<hbm>>
      %dma_start3A_25 = arith.constant 0 : i32
      %dma_start3A_26 = tpu.memref_slice %arg3[%mul3A_22, %dma_start3A_25] : memref<128x128xf32, #tpu.memory_space<hbm>> -> memref<4x128xf32, #tpu.memory_space<hbm>>
      tpu.enqueue_dma source(%arg12 : memref<4x128xf32, #tpu.memory_space<vmem>>) target(%dma_start3A_26 : memref<4x128xf32, #tpu.memory_space<hbm>>) target_semaphore(%run_scoped3A : memref<!tpu.dma_semaphore, #tpu.memory_space<semaphore_mem>>)
      %dma_wait3A = arith.constant 0 : i32
      %dma_wait3A_27 = tpu.memref_slice %arg3[%mul3A_22, %dma_wait3A] : memref<128x128xf32, #tpu.memory_space<hbm>> -> memref<4x128xf32, #tpu.memory_space<hbm>>
      %dma_wait3A_28 = arith.constant 0 : i32
      %dma_wait3A_29 = tpu.memref_slice %arg3[%mul3A_22, %dma_wait3A_28] : memref<128x128xf32, #tpu.memory_space<hbm>> -> memref<4x128xf32, #tpu.memory_space<hbm>>
      tpu.wait_dma2 semaphore(%run_scoped3A : memref<!tpu.dma_semaphore, #tpu.memory_space<semaphore_mem>>) src(%arg12 : memref<4x128xf32, #tpu.memory_space<vmem>>) dst(%dma_wait3A_29 : memref<4x128xf32, #tpu.memory_space<hbm>>)
      tpu.yield
    }) : () -> ()
    return
  }
}

</mosaic_0001>

<sc_bundles>
// kernel: kernel.3.cloned.1.call-start
scs
__scs_entry_jumppad:
0x0: {  	(pc) =	sbr.rel $0x88, $3  }
0x1: {  	(tag) =	ssettag $0x0;
	lr =	simm.s32 $0x1  }
0x2: {  	[smem:$0x3FA0] =	sst lr;
	_ =	strace $0xD0000000  }
0x3: {  	_ = 	snop  }
0x4: {  	_ = 	snop  }
0x5: {  	_ = 	snop  }
0x6: {  	_ = 	snop  }
0x7: {  	_ = 	snop  }
__scs_overlays_trampoline_lowered:
0x8: {  	[smem:$0x3FAF] =	sst s0  }
0x9: {  	[smem:$0x3FB0] =	sst s1  }
0xa: {  	[smem:$0x3FB1] =	sst s2  }
0xb: {  	[smem:$0x3FB2] =	sst s3  }
0xc: {  	[smem:$0x3FB3] =	sst s4  }
0xd: {  	[smem:$0x3FB4] =	sst s5  }
0xe: {  	[smem:$0x3FB5] =	sst s6  }
0xf: {  	[smem:$0x3FB6] =	sst s7  }
0x10: {  	[smem:$0x3FB7] =	sst s8  }
0x11: {  	[smem:$0x3FB8] =	sst s9;
	s0 =	simm.s32 @!p0 $0x0  }
0x12: {  	s1 =	sld [smem:$0x3F9E];
	s0 =	simm.s32 @p0 $0x1  }
0x13: {  	[smem:$0x3FB9] =	sst s0;
	s0 =	simm.s32 @!p1 $0x0  }
0x14: {  	s2 =	sld [smem:$0x3F9D];
	s0 =	simm.s32 @p1 $0x1  }
0x15: {  	[smem:$0x3FBA] =	sst s0;
	s0 =	simm.s32 @!p2 $0x0  }
0x16: {  	s3 =	sld [smem:$0x3FDB];
	s0 =	simm.s32 @p2 $0x1  }
0x17: {  	s4 =	simm.s32 $0x1BF5;
	[smem:$0x3FBC] =	sst s0  }
0x18: {  	s0 =	sld [smem:$0x3F9F];
	_ =	swait.ge [sflag:s4], $0x0  }
0x19: {  	s7 =	sld [smem:$0x3FA0]  }
0x1a: {  	s8 =	sadd.s32 $0xFFFFE003, lr  }
0x1b: {  	s9 =	sadd.s32 $0xFFFFFEF7, lr;
	s5 =	simm.s32 $0xFFFFFFFF;
	p2 =	slt.u32 s8, $0xFFFFF086  }
0x1c: {  	p1 =	slt.u32 s9, $0xF7A;
	s5 =	simm.s32 @!p2 $0x0  }
0x1d: {  	s5 =	simm.s32 @p1 $0x1;
	p0 =	seq.s32 s7, s2  }
0x1e: {  	s7 =	smul.u32 @!p0 $0xF7A, s2;
	p2 =	seq.s32 @!p0 s5, $0x0  }
0x1f: {  	s9 =	smul.u32 $0xF7A, s1;
	s8 =	simm.s32 @!p0 $0x1BF5;
	p2 =	por !p2, p0  }
0x20: {  	[sflag:s8] =	ssyncset.s32 @!p0 $0xFFFFF086;
	s6 =	sadd.s32 @!p0 s3, s7;
	s7 =	simm.s32 @!p0 $0x108  }
0x21: {  	s3 =	sadd.s32 s3, s9;
	s6 =	sadd.s32 @!p0 $0x88, s6;
	s7 =	simm.s32 @p2 $0x1082  }
0x22: {  	[simem:s7], [sflag:s8] =	dma.local @!p0 [hbm:s6], $0xF7A  }
0x23: {  	s9 =	sor.u32 $0xD0000000, s2;
	s6 =	simm.s32 $0x108;
	_ =	swait.ge @!p0 [sflag:s8], $0x0  }
0x24: {  	s3 =	sadd.s32 $0x88, s3;
	s6 =	simm.s32 @!p1 $0x1082;
	[sflag:s4] =	ssyncset.s32 $0xFFFFF086  }
0x25: {  	[simem:s6], [sflag:s4] =	dma.local [hbm:s3], $0xF7A  }
0x26: {  	[smem:$0x3FA0] =	sst s1;
	(tag) =	ssettag s2;
	_ =	strace s9  }
0x27: {  	s1 =	sld [smem:$0x3FB0]  }
0x28: {  	s2 =	sld [smem:$0x3FB1]  }
0x29: {  	s4 =	sld [smem:$0x3FB3]  }
0x2a: {  	p0 =	seq.s32 s5, $0x0;
	s5 =	sld [smem:$0x3FB4]  }
0x2b: {  	s6 =	sld [smem:$0x3FB5]  }
0x2c: {  	s7 =	sld [smem:$0x3FB6]  }
0x2d: {  	s3 =	simm.s32 $0x108;
	s8 =	sld [smem:$0x3FB7]  }
0x2e: {  	s3 =	simm.s32 @!p0 $0x1082;
	s9 =	sld [smem:$0x3FB8]  }
0x2f: {  	lr =	sadd.s32 s0, s3;
	s0 =	sld [smem:$0x3FAF]  }
0x30: {  	s3 =	sld [smem:$0x3FB2]  }
0x31: {  	[smem:$0x3FBB] =	sst s10  }
0x32: {  	s10 =	sld [smem:$0x3FB9];
	_ =	sdelay $0x3  }
0x33: {  	p0 =	seq.s32 s10, $0x1;
	s10 =	sld [smem:$0x3FBB];
	_ =	sdelay $0x3  }
0x34: {  	[smem:$0x3FBB] =	sst s10  }
0x35: {  	s10 =	sld [smem:$0x3FBA];
	_ =	sdelay $0x3  }
0x36: {  	p1 =	seq.s32 s10, $0x1;
	s10 =	sld [smem:$0x3FBB];
	_ =	sdelay $0x3  }
0x37: {  	[smem:$0x3FBB] =	sst s10  }
0x38: {  	s10 =	sld [smem:$0x3FBC]  }
0x39: {  	_ = 	snop;
	(pc) =	sbr.ind lr, $3  }
0x3a: {  	_ = 	snop  }
0x3b: {  	_ = 	snop  }
0x3c: {  	p2 =	seq.s32 s10, $0x1;
	s10 =	sld [smem:$0x3FBB]  }
0x3d: {  	_ =	shalt  }
0x3e: {  	_ =	shalt  }
0x3f: {  	_ =	shalt  }
0x40: {  	_ =	shalt  }
0x41: {  	_ =	shalt  }
0x42: {  	_ =	shalt  }
0x43: {  	_ =	shalt  }
0x44: {  	_ =	shalt  }
0x45: {  	_ =	shalt  }
0x46: {  	_ =	shalt  }
0x47: {  	_ =	shalt  }
0x48: {  	_ =	shalt  }
0x49: {  	_ =	shalt  }
0x4a: {  	_ =	shalt  }
0x4b: {  	_ =	shalt  }
0x4c: {  	_ =	shalt  }
0x4d: {  	_ =	shalt  }
0x4e: {  	_ =	shalt  }
0x4f: {  	_ =	shalt  }
0x50: {  	_ =	shalt  }
0x51: {  	_ =	shalt  }
0x52: {  	_ =	shalt  }
0x53: {  	_ =	shalt  }
0x54: {  	_ =	shalt  }
0x55: {  	_ =	shalt  }
0x56: {  	_ =	shalt  }
0x57: {  	_ =	shalt  }
0x58: {  	_ =	shalt  }
0x59: {  	_ =	shalt  }
0x5a: {  	_ =	shalt  }
0x5b: {  	_ =	shalt  }
0x5c: {  	_ =	shalt  }
0x5d: {  	_ =	shalt  }
0x5e: {  	_ =	shalt  }
0x5f: {  	_ =	shalt  }
0x60: {  	_ =	shalt  }
0x61: {  	_ =	shalt  }
0x62: {  	_ =	shalt  }
0x63: {  	_ =	shalt  }
0x64: {  	_ =	shalt  }
0x65: {  	_ =	shalt  }
0x66: {  	_ =	shalt  }
0x67: {  	_ =	shalt  }
0x68: {  	_ =	shalt  }
0x69: {  	_ =	shalt  }
0x6a: {  	_ =	shalt  }
0x6b: {  	_ =	shalt  }
0x6c: {  	_ =	shalt  }
0x6d: {  	_ =	shalt  }
0x6e: {  	_ =	shalt  }
0x6f: {  	_ =	shalt  }
0x70: {  	_ =	shalt  }
0x71: {  	_ =	shalt  }
0x72: {  	_ =	shalt  }
0x73: {  	_ =	shalt  }
0x74: {  	_ =	shalt  }
0x75: {  	_ =	shalt  }
0x76: {  	_ =	shalt  }
0x77: {  	_ =	shalt  }
0x78: {  	_ =	shalt  }
0x79: {  	_ =	shalt  }
0x7a: {  	_ =	shalt  }
0x7b: {  	_ =	shalt  }
0x7c: {  	_ =	shalt  }
0x7d: {  	_ =	shalt  }
0x7e: {  	_ =	shalt  }
0x7f: {  	_ =	shalt  }
0x80: {  	_ =	shalt  }
0x81: {  	_ =	shalt  }
0x82: {  	_ =	shalt  }
0x83: {  	_ =	shalt  }
0x84: {  	_ =	shalt  }
0x85: {  	_ =	shalt  }
0x86: {  	_ =	shalt  }
0x87: {  	_ =	shalt  }
.Lfunc_end0:
.L_simem_size_0:
called_computation_lowered:
.L_overlay_start_0:
0x88: {  	s2 =	sld [smem:$0x3FD9]  }
0x89: {  	s3 =	sld [smem:$0x3FFE];
	_ =	sdelay $0x1  }
0x8a: {  	s1 =	srdreg.scid  }
0x8b: {  	s0 =	sand.u32 $0x1, s1  }
0x8c: {  	s17 =	sshll.u32 s0, $0xA;
	s2 =	sadd.s32 s3, s2  }
0x8d: {  	s2 =	sadd.s32 s2, s17  }
0x8e: {  	[smem:$0x3FC7] =	sst s2  }
0x8f: {  	_ = 	snop  }
0x90: {  	s2 =	sld [smem:$0x3FC9];
	(tm) =	ssettm $0x1  }
0x91: {  	s18 =	sld [smem:$0x3FFB];
	_ =	sdelay $0x3  }
0x92: {  	_ =	strace s18  }
0x93: {  	s3 =	sld [smem:$0x3FFC];
	_ =	sdelay $0x3  }
0x94: {  	_ =	strace s3  }
0x95: {  	s3 =	sld [smem:$0x3FFD];
	_ =	sdelay $0x3  }
0x96: {  	_ =	strace s3  }
0x97: {  	_ =	strace $0x8FFFFFFF  }
0x98: {  	s19 =	sld [smem:$0x3FDB];
	_ =	sdelay $0x1  }
0x99: {  	s4 =	simm.s32 $_scs_section_size  }
0x9a: {  	s5 =	simm.s32 $_size__tile_overlayer_lowered;
	s6 =	simm.s32 $_tile_overlayer_lowered  }
0x9b: {  	s22 =	simm.s32 $0x1BFF;
	s21 =	sshll.u32 s6, $0x1;
	s3 =	sadd.s32 s4, s19  }
0x9c: {  	s7 =	simm.s32 $0x0;
	s20 =	sshll.u32 s5, $0x1;
	s5 =	sadd.s32 s21, s3  }
0x9d: {  	[timem:s7], [sflag:s22] =	dma.local [hbm:s5], s20  }
0x9e: {  	_ =	swait.ge [sflag:s22], s20  }
0x9f: {  	s4 =	ssub.s32 $0x0, s20;
	[sflag:s22] =	ssyncset.done $0x0  }
0xa0: {  	[sflag:s22] =	ssyncadd.s32 s4;
	_ =	sdelay $0x1  }
0xa1: {  	s23 =	simm.s32 $0x1B8B  }
0xa2: {  	_ =	swait.ge [sflag:s23], $0x1  }
0xa3: {  	[sflag:s23] =	ssyncset.done $0x0  }
0xa4: {  	s25 =	simm.s32 $0x1B8E;
	s24 =	sld [smem:$0x3FFE];
	[sflag:s23] =	ssyncadd.s32 $0xFFFFFFFF  }
0xa5: {  	s26 =	simm.s32 $execute0_lowered;
	[smem:$0x3FD2] =	sst s25  }
0xa6: {  	s5 =	sshll.u32 s26, $0x1;
	_ =	strace $0x80000046;
	[dreg:$0x1] =	wrdreg $0xFFFFFFFF  }
0xa7: {  	s28 =	simm.s32 $_size_execute0_lowered;
	s3 =	sadd.s32 s3, s5;
	[dreg:$0x0] =	wrdreg $0x0  }
0xa8: {  	s5 =	sshll.u32 s28, $0x1;
	[dreg:$0x2] =	wrdreg s3  }
0xa9: {  	[dreg:$0x3] =	wrdreg s5  }
0xaa: {  	[dreg:$0x4] =	wrdreg $0xC0  }
0xab: {  	_ =	task [dreg:s7], $0x5FFFF  }
0xac: {  	[dreg:$0x1] =	wrdreg $0xFFFFFFFF  }
0xad: {  	[dreg:$0x0] =	wrdreg $0x60  }
0xae: {  	[dreg:$0x2] =	wrdreg s2  }
0xaf: {  	[dreg:$0x3] =	wrdreg s24  }
0xb0: {  	[dreg:$0x4] =	wrdreg $0x9  }
0xb1: {  	_ =	task.clear_ibuf [dreg:s7], $0x5FFFF;
	_ =	strace $0x90000046  }
0xb2: {  	s29 =	simm.s32 $0x9;
	_ =	strace $0x80000048  }
0xb3: {  	_ =	swait.ge [sflag:s29], $0x1  }
0xb4: {  	[sflag:s29] =	ssyncadd.s32 $0xFFFFFFFF  }
0xb5: {  	_ =	strace $0x90000048  }
0xb6: {  	_ =	sfence  }
0xb7: {  	s30 =	sld [smem:$0x0];
	_ =	sdelay $0x2  }
0xb8: {  	s31 =	sshll.u32 s1, $0xD;
	s1 =	sshrl.u32 s1, $0x2  }
0xb9: {  	s3 =	sand.u32 $0x4000, s31;
	s1 =	sadd.s32 s1, s30  }
0xba: {  	s0 =	sor.u32 s3, s0;
	s1 =	sshll.u32 s1, $0x11  }
0xbb: {  	s0 =	sor.u32 s1, s0  }
0xbc: {  	s0 =	sadd.s32 $0x8F2B, s0  }
0xbd: {  	[sflag:s0] =	ssyncadd.remote.s32 $0x1  }
0xbe: {  	_ =	sfence.sel $0xFFFF  }
0xbf: {  	[dreg:$0x0] =	wrdreg $0xFFFFFFFF;
	(pc) =	sbr.abs _section_cstart, $3  }
0xc0: {  	[dreg:$0x1] =	wrdreg $0xFFFFFFFF  }
0xc1: {  	_ =	task.clear_ibuf [dreg:s7], $0x2FFFF;
	_ =	strace $0x9FFFFFFF  }
0xc2: {  	(tm) =	ssettm $0x7FFFFFFF  }
0xc3: {  	_ =	shalt  }
tec
execute0_lowered:
.L_overlay_start_1:
0x0: {  	(tag) =	ssettag $0x1  }
0x1: {  	s0 =	srdreg.scid;
	s2 =	rddreg [dreg:$0x0]  }
0x2: {  	s6 =	stileid.u32;
	s1 =	rddreg [dreg:$0x1]  }
0x3: {  	s3 =	simm.s32 $0x0;
	s10 =	simm.s32 $0x1;
	s11 =	simm.s32 $0x11100  }
0x4: {  	s12 =	simm.s32 $0x11500;
	s13 =	simm.s32 $0x11300;
	s14 =	simm.s32 $0x11900  }
0x5: {  	s15 =	simm.s32 $0x11980;
	s0 =	sand.u32 $0x1, s0;
	s5 =	sshll.u32 s6, $0x2  }
0x6: {  	[smem:$0x7FF] =	sst s3;
	s6 =	sshll.u32 s6, $0x9;
	s4 =	sshll.u32 s0, $0x6  }
0x7: {  	_ =	strace $0x80000047;
	s0 =	ssub.s32 $0x2, s0;
	s4 =	sor.u32 s5, s4  }
0x8: {  	s6 =	sand.u32 $0x200, s6;
	s8 =	sshrl.u32 s0, $0x1;
	s5 =	sshrl.u32 s4, $0x3  }
0x9: {  	v0 =	vimm.s32 $0x0;
	s0 =	ssub.s32 s0, s8;
	s7 =	sshll.u32 s5, $0xA;
	s5 =	sshll.u32 s5, $0x12  }
.Ltmp0:
0xa: {  	v1 =	vlaneseq.u32;
	vm0 =	vmmov $0x3ff;
	v5 =	vimm.s32 $0x0;
	s7 =	sor.u32 s6, s7;
	s5 =	sor.u32 s6, s5;
	(pc) =	sbr.rel .LBB2_1-.Ltmp0, $4  }
0xb: {  	v3 =	vimm.s32 $0x80000000;
	v4 =	vimm.s32 $0x40000000;
	v5 =	vsel vm0, $0xFFFFFFFF, v5;
	s0 =	smax.u32 s0, $0x1;
	s7 =	sshrl.u32 s7, $0x3;
	s5 =	sshrl.u32 s5, $0x3  }
0xc: {  	vm15 =	vmmov $0x1;
	v9 =	vimm.s32 $0x1;
	[tilespmem:$0x1FFE0] =	vst v5;
	v5 =	vimm.s32 $0x0;
	[dreg:$0x5] =	wrdreg s0;
	s1 =	sadd.s32 s7, s1;
	s5 =	sadd.s32 s2, s5  }
0xd: {  	s16 =	simm.s32 $0x11A00;
	v2 =	vmul.u32 $0x20, v1;
	v6 =	vadd.s32 $0x14, v1;
	v5 =	vsel vm15, $0xFFFFFFFF, v5;
	[dreg:$0x3] =	wrdreg s5;
	s1 =	sadd.s32 $0x400, s1  }
0xe: {  	s18 =	simm.s32 $0x10000;
	v7 =	vadd.s32 $0x24, v1;
	v8 =	vadd.s32 $0x34, v1;
	[tilespmem:$0x1FFF0] =	vst v5;
	v5 =	vadd.s32 $0x4, v1;
	s5 =	simm.s32 $0x0;
	[dreg:$0x4] =	wrdreg s1  }
.LBB2_40:
0xf: {  	s0 =	rddreg [dreg:$0x4];
	s1 =	simm.s32 $0x2  }
0x10: {  	[hbm4b:s0+s3] =	stream.linear.scatter [tilespmem:s16], [sflag:$0x2], $0x200, $0x38;
	[tilespmem:$0x11C00] =	vst v63  }
0x11: {  	_ =	swait.ge [sflag:s1], $0x200  }
0x12: {  	s5 =	rddreg [dreg:$0x6]  }
0x13: {  	s31 =	rddreg [dreg:$0x5];
	s5 =	sadd.s32 $0x1, s5  }
0x14: {  	p0 =	sne.s32 s5, s31  }
.Ltmp1:
0x15: {  	_ = 	snop;
	(pc) =	sbr.rel @!p0 .LBB2_41-.Ltmp1, $3  }
0x16: {  	_ =	sdelay $0x1  }
0x17: {  	[sflag:s1] =	ssyncset.done $0x0  }
0x18: {  	[sflag:s1] =	ssyncadd.s32 $0xFFFFFE00  }
.LBB2_1:
.Ltmp2:
0x19: {  	(pc) =	sbr.rel .LBB2_2-.Ltmp2, $4  }
0x1a: {  	[dreg:$0x6] =	wrdreg s5  }
0x1b: {  	s0 =	rddreg [dreg:$0x3];
	s1 =	simm.s32 $0x80;
	s31 =	simm.s32 $0x400  }
0x1c: {  	s21 =	simm.s32 $0x7FFFFFFF;
	p0 =	por $0x0, $0x0;
	s20 =	simm.s32 $0x0  }
0x1d: {  	[tilespmem:s3], [sflag:$0x1] =	stream.strided.gather [hbm4b:s0+s1], $0x8000, s31, s1, $0x38;
	[tilespmem:$0x11C00] =	vst v63  }
.LBB2_34:
0x1e: {  	s5 =	simm.s32 $0x11500  }
.LBB2_38:
0x1f: {  	vm0 =	vlt.s32 v10, $0x32  }
0x20: {  	v11 =	vld [tilespmem:s1+$0x0];
	_ =	sdelay $0x3  }
0x21: {  	s1 =	sadd.s32 @p3 $0x10, s5  }
0x22: {  	s0 =	smov.u32 @p3 s1;
	[tilespmem:v10+s14+$0x0] =	vst.idx.msk vm0, v11  }
0x23: {  	v11 =	vld [tilespmem:s0+$0x0];
	_ =	sdelay $0x4  }
0x24: {  	[tilespmem:v10+s15+$0x0] =	vst.idx.msk vm0, v11  }
.LBB2_39:
0x25: {  	v10 =	vld [tilespmem:$0x11900]  }
0x26: {  	v11 =	vld [tilespmem:$0x11980]  }
0x27: {  	v13 =	vld [tilespmem:$0x1FFE0];
	_ =	sdelay $0x2  }
0x28: {  	vm0 =	vlt.s32 v10, $0x0;
	v12 =	vxor.u32 $0x7FFFFFFF, v10  }
0x29: {  	v11 =	vcvt.s32.f32 v11;
	v10 =	vsel vm0, v12, v10  }
0x2a: {  	vm10 =	vnez.u8 v13;
	v12 =	vmul.f32 v10, v10  }
0x2b: {  	v13 =	vnsel vm10, $0x0, v11  }
0x2c: {  	(xrf2) =	vadd.scan.msk.f32 $0xffff, v13;
	v12 =	vnsel vm10, $0x0, v12  }
0x2d: {  	(xrf2) =	vadd.scan.msk.f32 $0xffff, v12;
	_ =	sdelay $0x8  }
0x2e: {  	v58, _, _ =	vpop (xrf2)  }
0x2f: {  	(v2sf) =	vpush v58, $0xF;
	v59, _, _ =	vpop (xrf2)  }
0x30: {  	(v2sf) =	vpush v59, $0xF;
	_ =	sdelay $0xd  }
0x31: {  	s0 =	spop (v2sf)  }
0x32: {  	s1 =	spop (v2sf)  }
0x33: {  	s1 =	smul.f32 $1.000000010e-01, s1;
	_ =	sdelay $0x1  }
0x34: {  	v60 =	vmov s1  }
0x35: {  	v12 =	vshra.s32 v60, $0x1  }
0x36: {  	v12 =	vsub.s32 $0x5F3759DF, v12  }
0x37: {  	s5 =	smul.f32 $5.000000000e-01, s1;
	v12 =	vbroadcast v12, $0x0;
	_ =	sdelay $0x1  }
0x38: {  	v61 =	vmul.f32 s5, v12;
	_ =	sdelay $0x1  }
0x39: {  	v13 =	vmul.f32 v61, v12;
	_ =	sdelay $0x1  }
0x3a: {  	v13 =	vsub.f32 $1.500000000e+00, v13;
	_ =	sdelay $0x1  }
0x3b: {  	v12 =	vmul.f32 v13, v12;
	_ =	sdelay $0x1  }
0x3c: {  	v13 =	vmul.f32 s5, v12;
	_ =	sdelay $0x1  }
0x3d: {  	v13 =	vmul.f32 v13, v12;
	_ =	sdelay $0x1  }
0x3e: {  	v13 =	vsub.f32 $1.500000000e+00, v13;
	_ =	sdelay $0x1  }
0x3f: {  	v12 =	vmul.f32 v13, v12;
	_ =	sdelay $0x1  }
0x40: {  	v13 =	vmul.f32 s5, v12;
	_ =	sdelay $0x1  }
0x41: {  	v62 =	vld [tilespmem:$0x1FFF0];
	v13 =	vmul.f32 v13, v12;
	_ =	sdelay $0x1  }
0x42: {  	v13 =	vsub.f32 $1.500000000e+00, v13;
	_ =	sdelay $0x1  }
0x43: {  	v12 =	vmul.f32 v13, v12  }
0x44: {  	vm11 =	vnez.u8 v62  }
0x45: {  	v12 =	vnsel vm11, $0x0, v12  }
0x46: {  	(xrf2) =	vadd.scan.msk.f32 $0xffff, v12;
	_ =	sdelay $0x9  }
0x47: {  	v12, _, _ =	vpop (xrf2)  }
0x48: {  	(v2sf) =	vpush v12, $0xF  }
0x49: {  	v11 =	vnsel vm11, $0x0, v11;
	v10 =	vand.u32 $0x7FFFFFFF, v10  }
0x4a: {  	v10 =	vnsel vm11, $0x0, v10;
	(xrf2) =	vadd.scan.msk.f32 $0xffff, v11  }
0x4b: {  	(xrf2) =	vadd.scan.msk.f32 $0xffff, v10;
	_ =	sdelay $0x8  }
0x4c: {  	v10, _, _ =	vpop (xrf2)  }
0x4d: {  	v11, _, _ =	vpop (xrf2)  }
0x4e: {  	s6 =	sshll.u32 s20, $0x7;
	v11 =	vbroadcast v11, $0xF  }
0x4f: {  	vm12 =	vcmask $0xF0C;
	v63 =	vor.u32 s6, v1;
	s0 =	smul.f32 $1.000000010e-01, s0;
	v10 =	vbroadcast v10, $0xF;
	s31 =	spop (v2sf)  }
0x50: {  	vm13 =	vcmask $0x3F0C;
	p1 =	sgt.f32 s1, $0.0e+00;
	v11 =	vnsel vm12, $0x0, v11;
	s5 =	smul.f32 s31, s1  }
0x51: {  	vm14 =	veq.s32 v1, $0x0;
	v10 =	vsel vm13, v11, v10  }
0x52: {  	vm15 =	veq.s32 v1, $0x1;
	v10 =	vsel vm14, s0, v10;
	s5 =	simm.s32 @!p1 $0x0  }
0x53: {  	v10 =	vsel vm15, s5, v10  }
0x54: {  	[tilespmem:v63+s16+$0x0] =	vst.idx.msk $0xf, v10  }
0x55: {  	v10 =	vld [tilespmem:$0x11980];
	_ =	sdelay $0x1  }
0x56: {  	v11 =	vor.u32 s6, v5;
	_ =	sdelay $0x2  }
0x57: {  	v10 =	vcvt.s32.f32 v10;
	_ =	sdelay $0x1  }
0x58: {  	[tilespmem:v11+s16+$0x0] =	vst.idx.msk $0xffff, v10  }
0x59: {  	v10 =	vld [tilespmem:$0x11990];
	_ =	sdelay $0x1  }
0x5a: {  	v11 =	vor.u32 s6, v6;
	_ =	sdelay $0x2  }
0x5b: {  	v10 =	vcvt.s32.f32 v10;
	_ =	sdelay $0x1  }
0x5c: {  	[tilespmem:v11+s16+$0x0] =	vst.idx.msk $0xffff, v10  }
0x5d: {  	v10 =	vld [tilespmem:$0x119A0];
	_ =	sdelay $0x1  }
0x5e: {  	v11 =	vor.u32 s6, v7;
	_ =	sdelay $0x2  }
0x5f: {  	v10 =	vcvt.s32.f32 v10;
	_ =	sdelay $0x1  }
0x60: {  	[tilespmem:v11+s16+$0x0] =	vst.idx.msk $0xffff, v10  }
0x61: {  	v10 =	vld [tilespmem:$0x119B0]  }
0x62: {  	s20 =	sadd.s32 $0x1, s20  }
0x63: {  	p1 =	sne.s32 s20, $0x4;
	v11 =	vor.u32 s6, v8  }
.Ltmp3:
0x64: {  	_ = 	snop;
	(pc) =	sbr.rel @!p1 .LBB2_40-.Ltmp3, $4  }
0x65: {  	_ = 	snop  }
0x66: {  	s0 =	sadd.s32 $0xFFFE0000, s21;
	v10 =	vcvt.s32.f32 v10  }
0x67: {  	s0 =	smov.u32 @p6 s21  }
0x68: {  	p0 =	por !p0, !p0;
	s21 =	smov.u32 s0;
	[tilespmem:v11+s16+$0x0] =	vst.idx.msk $0xffff, v10  }
.LBB2_2:
0x69: {  	s0 =	simm.s32 $0x1  }
0x6a: {  	s0 =	simm.s32 @!p0 $0x0  }
0x6b: {  	p1 =	seq.s32 s20, $0x3;
	s0 =	sshll.u32 s0, $0xF  }
0x6c: {  	s23 =	sor.u32 $0x40, s0;
	s0 =	sor.u32 @!p1 s4, s20  }
0x6d: {  	s1 =	sshll.u32 s20, $0xF;
	_ =	swait.ge [sflag:s10], $0x8000;
	s0 =	sadd.s32 @!p1 $0x1, s0  }
0x6e: {  	s22 =	sand.u32 $0x8000, s1;
	[sflag:s10] =	ssyncset.done $0x0;
	s1 =	sshll.u32 @!p1 s0, $0x4  }
0x6f: {  	s6 =	simm.s32 @!p1 $0x400;
	s0 =	sshll.u32 @!p1 s0, $0xC;
	s1 =	sand.u32 @!p1 $0x70, s1  }
0x70: {  	[sflag:s10] =	ssyncadd.s32 $0xFFFF8000;
	s0 =	sand.u32 @!p1 $0xFFF8000, s0;
	s1 =	sadd.s32 @!p1 s2, s1  }
0x71: {  	s5 =	sxor.u32 @!p1 $0x8000, s22;
	s0 =	sadd.s32 @!p1 s0, s1;
	s1 =	simm.s32 @!p1 $0x80  }
0x72: {  	[tilespmem:s5], [sflag:$0x1] =	stream.strided.gather @!p1 [hbm4b:s0+s1], $0x8000, s6, s1, $0x38;
	[tilespmem:$0x11C00] =	vst v63  }
0x73: {  	v13 =	vld [tilespmem:s23+$0xFFFFFFD0]  }
0x74: {  	v14 =	vld [tilespmem:s23+$0xFFFFFFC0]  }
0x75: {  	v15 =	vld [tilespmem:s23+$0x0]  }
0x76: {  	v17 =	vld [tilespmem:s23+$0x10];
	_ =	sdelay $0x1  }
0x77: {  	v11 =	vimm.s32 $0x0;
	v16 =	vld [tilespmem:s23+$0xFFFFFFE0]  }
0x78: {  	v10 =	vmov s21;
	vm7 =	vlt.s32 v11, $0x20;
	v12 =	vadd.s32 v2, v11  }
0x79: {  	vm4 =	vlt.s32 v14, $0x0;
	vm5 =	vlt.s32 v13, $0x0;
	v18 =	vxor.u32 $0x7FFFFFFF, v13  }
0x7a: {  	v19 =	vxor.u32 $0x7FFFFFFF, v14;
	v20 =	vxor.u32 $0x7FFFFFFF, v15;
	vm8 =	vlt.s32 v17, $0x0  }
0x7b: {  	v13 =	vsel vm5, v18, v13;
	v14 =	vsel vm4, v19, v14;
	vm5 =	vlt.s32 v15, $0x0  }
0x7c: {  	vm4 =	vlt.s32 v16, $0x0;
	v19 =	vxor.u32 $0x7FFFFFFF, v16;
	v15 =	vsel vm5, v20, v15  }
0x7d: {  	v18 =	vld [tilespmem:s23+$0xFFFFFFF0];
	vm9 =	vge.s32 v14, v10;
	v14 =	vsel vm4, v19, v16;
	v19 =	vxor.u32 $0x7FFFFFFF, v17  }
0x7e: {  	vm6 =	vge.s32 v13, v10;
	v16 =	vld [tilespmem:s23+$0x20];
	vm5 =	vge.s32 v14, v10;
	vm4 =	vge.s32 v15, v10  }
0x7f: {  	s29 =	simm.s32 $0x0;
	s30 =	simm.s32 $0x10;
	v13 =	vsel vm8, v19, v17;
	vm8 =	vmand vm7, vm9;
	v21 =	vsel vm9, $0x1, v0  }
0x80: {  	v22 =	vld [tilespmem:s23+$0x30];
	v20 =	vsel vm6, $0x1, v0;
	v19 =	vor.u32 s29, v1;
	v14 =	vor.u32 s30, v1  }
0x81: {  	s31 =	simm.s32 $0x20;
	v15 =	vsel vm4, $0x1, v0;
	v17 =	vsel vm5, $0x1, v0;
	v20 =	vadd.s32 v21, v20  }
0x82: {  	vm7 =	vge.s32 v13, v10;
	v13 =	vor.u32 s31, v1;
	v23 =	vadd.s32 v17, v20  }
0x83: {  	s24 =	simm.s32 $0x70;
	s25 =	smov.u32 s23;
	s1 =	simm.s32 $0xF0;
	vm10 =	vlt.s32 v18, $0x0;
	v24 =	vxor.u32 $0x7FFFFFFF, v18;
	vm9 =	vlt.s32 v16, $0x0  }
.LBB2_3:
0x84: {  	p1 =	sne.s32 s1, $0x7FF0  }
0x85: {  	v25 =	vxor.u32 $0x7FFFFFFF, v22;
	v26 =	vsel vm7, $0x1, v0;
	v21 =	vadd.s32 v21, v11;
	s25 =	sadd.s32 $0x80, s25;
	s0 =	smov.u32 s1;
	s1 =	sadd.s32 $0x80, s1  }
0x86: {  	v18 =	vsel vm10, v24, v18;
	v24 =	vxor.u32 $0x7FFFFFFF, v16;
	vm10 =	vlt.s32 v22, $0x0;
	[tilespmem:v12+s11+$0x0] =	vst.idx.msk vm8, v19  }
0x87: {  	v12 =	vsel vm10, v25, v22;
	vm10 =	vge.s32 v18, v10;
	v18 =	vadd.s32 v15, v26  }
0x88: {  	v19 =	vadd.s32 v2, v21;
	vm8 =	vge.s32 v12, v10;
	v12 =	vsel vm10, $0x1, v0  }
0x89: {  	v20 =	vadd.s32 v11, v20;
	v16 =	vsel vm9, v24, v16;
	v22 =	vsel vm8, $0x1, v0  }
0x8a: {  	vm11 =	vlt.s32 v21, $0x20;
	vm9 =	vge.s32 v16, v10;
	v12 =	vadd.s32 v12, v23  }
0x8b: {  	vm6 =	vmand vm6, vm11;
	v16 =	vsel vm9, $0x1, v0;
	v11 =	vadd.s32 v11, v12  }
0x8c: {  	vm11 =	vlt.s32 v20, $0x20;
	v12 =	vadd.s32 v17, v20;
	v15 =	vadd.s32 v15, v11  }
0x8d: {  	vm12 =	vlt.s32 v12, $0x20;
	vm13 =	vlt.s32 v11, $0x20;
	vm14 =	vlt.s32 v15, $0x20  }
0x8e: {  	vm11 =	vmand vm5, vm11;
	vm5 =	vmand vm4, vm13;
	vm4 =	vmand vm7, vm14  }
0x8f: {  	v17 =	vadd.s32 v2, v20;
	v12 =	vadd.s32 v2, v12;
	vm7 =	vmand vm10, vm12  }
0x90: {  	v18 =	vadd.s32 v18, v11  }
0x91: {  	v16 =	vadd.s32 v16, v18;
	[tilespmem:v19+s11+$0x0] =	vst.idx.msk vm6, v14;
	v14 =	vadd.s32 v2, v11;
	vm6 =	vlt.s32 v18, $0x20  }
0x92: {  	v15 =	vadd.s32 v2, v15;
	vm6 =	vmand vm9, vm6;
	vm9 =	vlt.s32 v16, $0x20  }
0x93: {  	s5 =	sadd.s32 $0xFFFFFFC0, s24;
	v18 =	vadd.s32 v2, v18;
	v11 =	vadd.s32 v22, v16;
	vm8 =	vmand vm8, vm9  }
0x94: {  	s6 =	sadd.s32 $0xFFFFFFD0, s24;
	v16 =	vadd.s32 v2, v16;
	[tilespmem:v17+s11+$0x0] =	vst.idx.msk vm11, v13;
	v13 =	vor.u32 s5, v1  }
0x95: {  	s5 =	sadd.s32 $0xFFFFFFE0, s24;
	[tilespmem:v12+s11+$0x0] =	vst.idx.msk vm7, v13;
	v12 =	vor.u32 s6, v1  }
0x96: {  	s6 =	sadd.s32 $0xFFFFFFF0, s24;
	[tilespmem:v14+s11+$0x0] =	vst.idx.msk vm5, v12;
	v12 =	vor.u32 s5, v1  }
0x97: {  	[tilespmem:v15+s11+$0x0] =	vst.idx.msk vm4, v12;
	v12 =	vor.u32 s6, v1  }
0x98: {  	vm7 =	vlt.s32 v11, $0x20;
	[tilespmem:v18+s11+$0x0] =	vst.idx.msk vm6, v12;
	v12 =	vor.u32 s24, v1;
	s24 =	smov.u32 s0  }
0x99: {  	[tilespmem:v16+s11+$0x0] =	vst.idx.msk vm8, v12  }
0x9a: {  	v13 =	vld [tilespmem:s25+$0xFFFFFFD0]  }
0x9b: {  	v14 =	vld [tilespmem:s25+$0xFFFFFFC0]  }
0x9c: {  	v15 =	vld [tilespmem:s25+$0x0]  }
0x9d: {  	v17 =	vld [tilespmem:s25+$0xFFFFFFE0]  }
0x9e: {  	v19 =	vld [tilespmem:s25+$0x10]  }
0x9f: {  	v12 =	vadd.s32 v2, v11  }
0xa0: {  	vm5 =	vlt.s32 v13, $0x0;
	v16 =	vxor.u32 $0x7FFFFFFF, v13;
	vm4 =	vlt.s32 v14, $0x0  }
0xa1: {  	v20 =	vxor.u32 $0x7FFFFFFF, v14;
	v13 =	vsel vm5, v16, v13;
	v18 =	vld [tilespmem:s25+$0xFFFFFFF0];
	v21 =	vxor.u32 $0x7FFFFFFF, v15  }
0xa2: {  	v14 =	vsel vm4, v20, v14;
	vm5 =	vlt.s32 v15, $0x0;
	v16 =	vld [tilespmem:s25+$0x20];
	vm4 =	vlt.s32 v17, $0x0  }
0xa3: {  	v20 =	vxor.u32 $0x7FFFFFFF, v17;
	v15 =	vsel vm5, v21, v15;
	vm9 =	vge.s32 v14, v10  }
0xa4: {  	vm6 =	vge.s32 v13, v10;
	v14 =	vsel vm4, v20, v17;
	v17 =	vxor.u32 $0x7FFFFFFF, v19  }
0xa5: {  	vm8 =	vlt.s32 v19, $0x0;
	vm4 =	vge.s32 v15, v10;
	vm5 =	vge.s32 v14, v10;
	v22 =	vld [tilespmem:s25+$0x30]  }
.Ltmp4:
0xa6: {  	s0 =	sadd.s32 $0xFFFFFF90, s24;
	v13 =	vsel vm8, v17, v19;
	v15 =	vsel vm4, $0x1, v0;
	vm8 =	vmand vm7, vm9;
	(pc) =	sbr.rel @p1 .LBB2_3-.Ltmp4, $4  }
0xa7: {  	s5 =	sadd.s32 $0xFFFFFFA0, s24;
	v21 =	vsel vm9, $0x1, v0;
	v20 =	vsel vm6, $0x1, v0;
	v19 =	vor.u32 s0, v1  }
0xa8: {  	s0 =	sadd.s32 $0xFFFFFFB0, s24;
	v14 =	vor.u32 s5, v1;
	v17 =	vsel vm5, $0x1, v0;
	vm10 =	vlt.s32 v18, $0x0  }
0xa9: {  	v20 =	vadd.s32 v21, v20;
	vm7 =	vge.s32 v13, v10;
	v24 =	vxor.u32 $0x7FFFFFFF, v18  }
0xaa: {  	v13 =	vor.u32 s0, v1;
	v23 =	vadd.s32 v17, v20;
	vm9 =	vlt.s32 v16, $0x0  }
0xab: {  	v18 =	vsel vm10, v24, v18  }
0xac: {  	v50 =	vxor.u32 $0x7FFFFFFF, v22;
	vm2 =	vlt.s32 v22, $0x0;
	vm11 =	vge.s32 v18, v10  }
0xad: {  	v51 =	vxor.u32 $0x7FFFFFFF, v16;
	v25 =	vsel vm7, $0x1, v0;
	v52 =	vsel vm11, $0x1, v0  }
0xae: {  	v22 =	vsel vm2, v50, v22;
	v16 =	vsel vm9, v51, v16;
	v53 =	vadd.s32 v52, v23  }
0xaf: {  	v54 =	vadd.s32 v15, v25;
	vm10 =	vge.s32 v16, v10;
	v55 =	vadd.s32 v11, v53  }
0xb0: {  	vm9 =	vge.s32 v22, v10;
	v10 =	vsel vm10, $0x1, v0;
	v18 =	vadd.s32 v54, v55  }
0xb1: {  	v22 =	vsel vm9, $0x1, v0;
	v23 =	vadd.s32 v10, v18  }
0xb2: {  	v10 =	vadd.s32 v22, v23  }
0xb3: {  	(xrf0) =	vadd.scan.msk.s32 $0xffff, v10;
	v22 =	vxor.u32 $0x80000000, v10  }
0xb4: {  	(xrf0) =	vmax.scan.msk.u32 $0xffff, v22;
	_ =	sdelay $0x4  }
0xb5: {  	v56, _, _ =	vpop (xrf0)  }
0xb6: {  	(v2sf) =	vpush v56, $0xF;
	v57, _, _ =	vpop (xrf0)  }
0xb7: {  	(v2sf) =	vpush v57, $0xF;
	_ =	sdelay $0x8  }
0xb8: {  	v21 =	vadd.s32 v21, v11  }
0xb9: {  	v58 =	vadd.s32 v2, v21;
	vm12 =	vlt.s32 v21, $0x20;
	v11 =	vadd.s32 v11, v20  }
0xba: {  	vm6 =	vmand vm6, vm12;
	v17 =	vadd.s32 v17, v11;
	vm3 =	vlt.s32 v11, $0x20  }
0xbb: {  	v59 =	vadd.s32 v15, v55;
	vm13 =	vlt.s32 v17, $0x20;
	vm5 =	vmand vm5, vm3  }
0xbc: {  	vm0 =	vlt.s32 v55, $0x20;
	v11 =	vadd.s32 v2, v11;
	vm11 =	vmand vm11, vm13  }
0xbd: {  	vm1 =	vlt.s32 v59, $0x20;
	vm4 =	vmand vm4, vm0;
	v17 =	vadd.s32 v2, v17;
	s1 =	spop (v2sf)  }
0xbe: {  	v16 =	vadd.s32 v2, v55;
	vm3 =	vlt.s32 v18, $0x20;
	vm2 =	vmand vm7, vm1;
	s1 =	sadd.s32 $0xFFFFFFCE, s1;
	s30 =	spop (v2sf)  }
0xbf: {  	[tilespmem:v12+s11+$0x0] =	vst.idx.msk vm8, v19;
	v60 =	vadd.s32 v2, v59;
	vm13 =	vmand vm10, vm3;
	vm14 =	vlt.s32 v23, $0x20;
	p1 =	slt.u32 s1, $0x1CF;
	p2 =	slt.u32 s30, $0x80000021  }
0xc0: {  	s0 =	sadd.s32 $0xFFFFFFC0, s24;
	v61 =	vadd.s32 v2, v18;
	[tilespmem:v58+s11+$0x0] =	vst.idx.msk vm6, v14;
	vm15 =	vmand vm9, vm14;
	p1 =	por !p1, !p2  }
0xc1: {  	s5 =	sadd.s32 $0xFFFFFFD0, s24;
	v62 =	vadd.s32 v2, v23;
	[tilespmem:v11+s11+$0x0] =	vst.idx.msk vm5, v13;
	v11 =	vor.u32 s0, v1;
	p6 =	por !p1, !p1  }
.Ltmp5:
0xc2: {  	s29 =	sadd.s32 $0xFFFFFFE0, s24;
	[tilespmem:v17+s11+$0x0] =	vst.idx.msk vm11, v11;
	v11 =	vor.u32 s5, v1;
	(pc) =	sbr.rel @p6 .LBB2_16-.Ltmp5, $4  }
0xc3: {  	s31 =	sadd.s32 $0xFFFFFFF0, s24;
	v63 =	vor.u32 s29, v1;
	[tilespmem:v16+s11+$0x0] =	vst.idx.msk vm4, v11  }
0xc4: {  	v11 =	vor.u32 s31, v1;
	[tilespmem:v60+s11+$0x0] =	vst.idx.msk vm2, v63  }
0xc5: {  	[tilespmem:v61+s11+$0x0] =	vst.idx.msk vm13, v11;
	v11 =	vor.u32 s24, v1  }
0xc6: {  	s24 =	simm.s32 $0x0;
	[tilespmem:v62+s11+$0x0] =	vst.idx.msk vm15, v11  }
0xc7: {  	s1 =	simm.s32 $0x100;
	s0 =	simm.s32 $0x0  }
.LBB2_6:
0xc8: {  	p2 =	sne.s32 s1, $0x4300;
	[tilespmem:s0+$0x10030] =	vst v0;
	s5 =	smov.u32 s1;
	s1 =	sadd.s32 $0x100, s1  }
.Ltmp6:
0xc9: {  	[tilespmem:s0+$0x10020] =	vst v0;
	(pc) =	sbr.rel @p2 .LBB2_6-.Ltmp6, $3  }
0xca: {  	[tilespmem:s0+$0x10000] =	vst v0  }
0xcb: {  	[tilespmem:s0+$0x10010] =	vst v0;
	_ =	sdelay $0x1  }
0xcc: {  	s0 =	sshra.s32 s5, $0x2  }
0xcd: {  	[tilespmem:s0+$0x10030] =	vst v0  }
0xce: {  	[tilespmem:s0+$0x10020] =	vst v0  }
0xcf: {  	[tilespmem:s0+$0x10000] =	vst v0  }
0xd0: {  	[tilespmem:s0+$0x10010] =	vst v0;
	s31 =	sadd.s32 $0x0, s23  }
0xd1: {  	v10 =	vld [tilespmem:s31+$0xFFFFFFC0]  }
0xd2: {  	v11 =	vld [tilespmem:s31+$0xFFFFFFD0]  }
0xd3: {  	v12 =	vld [tilespmem:s31+$0xFFFFFFE0];
	_ =	sdelay $0x2  }
0xd4: {  	v13 =	vld [tilespmem:s31+$0xFFFFFFF0]  }
0xd5: {  	v16 =	vld [tilespmem:s31+$0x0];
	vm4 =	vlt.s32 v10, $0x0;
	v10 =	vshra.s32 v10, $0x14  }
0xd6: {  	vm5 =	vlt.s32 v11, $0x0;
	vm6 =	vlt.s32 v12, $0x0;
	v12 =	vshra.s32 v12, $0x14  }
0xd7: {  	v11 =	vshra.s32 v11, $0x14;
	v14 =	vxor.u32 $0x7FF, v10;
	v17 =	vxor.u32 $0x7FF, v12  }
0xd8: {  	v10 =	vsel vm4, v14, v10;
	v14 =	vxor.u32 $0x7FF, v11;
	v12 =	vsel vm6, v17, v12  }
0xd9: {  	vm4 =	vlt.s32 v13, $0x0;
	v15 =	vshll.u32 v10, $0x8;
	v10 =	vshra.s32 v10, $0x4  }
0xda: {  	v11 =	vsel vm5, v14, v11;
	vm5 =	vlt.s32 v16, $0x0;
	v15 =	vand.u32 $0xF00, v15  }
0xdb: {  	v17 =	vld [tilespmem:s31+$0x30];
	v10 =	vadd.s32 $0x80, v10;
	v14 =	vshra.s32 v11, $0x4;
	v11 =	vshll.u32 v11, $0x8  }
0xdc: {  	v18 =	vor.u32 v10, v15;
	v14 =	vadd.s32 $0x80, v14;
	v15 =	vshra.s32 v13, $0x14  }
0xdd: {  	v10 =	vld [tilespmem:s31+$0x10];
	v13 =	vshll.u32 v12, $0x8;
	v11 =	vand.u32 $0xF00, v11;
	v12 =	vshra.s32 v12, $0x4  }
0xde: {  	v13 =	vand.u32 $0xF00, v13;
	v19 =	vxor.u32 $0x7FF, v15;
	v20 =	vor.u32 v14, v11  }
0xdf: {  	v12 =	vadd.s32 $0x80, v12;
	v11 =	vld [tilespmem:s31+$0x20];
	v14 =	vsel vm4, v19, v15;
	v15 =	vshra.s32 v16, $0x14  }
0xe0: {  	vm4 =	vlt.s32 v17, $0x0;
	v12 =	vor.u32 v12, v13;
	v16 =	vshll.u32 v14, $0x8  }
0xe1: {  	v13 =	vshra.s32 v17, $0x14;
	v14 =	vshra.s32 v14, $0x4;
	v16 =	vand.u32 $0xF00, v16  }
0xe2: {  	v14 =	vadd.s32 $0x80, v14;
	vm6 =	vlt.s32 v10, $0x0;
	v19 =	vshra.s32 v10, $0x14  }
0xe3: {  	s25 =	simm.s32 $0x10000;
	v10 =	vor.u32 v14, v16;
	v14 =	vxor.u32 $0x7FF, v15;
	v16 =	vxor.u32 $0x7FF, v19  }
0xe4: {  	[tilespmem:v18+s25+$0x0] =	vst.idx.add.s32.msk $0xffff, v9;
	v15 =	vsel vm5, v14, v15;
	vm5 =	vlt.s32 v11, $0x0;
	v16 =	vsel vm6, v16, v19  }
0xe5: {  	s1 =	simm.s32 $0x200;
	[tilespmem:v20+s25+$0x0] =	vst.idx.add.s32.msk $0xffff, v9;
	v14 =	vshll.u32 v15, $0x8;
	v17 =	vshll.u32 v16, $0x8;
	v16 =	vshra.s32 v16, $0x4  }
.LBB2_8:
0xe6: {  	p2 =	sne.s32 s1, $0x1FE00;
	v15 =	vshra.s32 v15, $0x4;
	v17 =	vand.u32 $0xF00, v17;
	v16 =	vadd.s32 $0x80, v16;
	s0 =	smov.u32 s1;
	s1 =	sadd.s32 $0x200, s1  }
0xe7: {  	v14 =	vand.u32 $0xF00, v14;
	v11 =	vshra.s32 v11, $0x14;
	v16 =	vor.u32 v16, v17  }
0xe8: {  	v18 =	vxor.u32 $0x7FF, v13;
	v15 =	vadd.s32 $0x80, v15;
	v17 =	vxor.u32 $0x7FF, v11;
	[tilespmem:v12+s25+$0x0] =	vst.idx.add.s32.msk $0xffff, v9  }
0xe9: {  	v11 =	vsel vm5, v17, v11;
	[tilespmem:v10+s25+$0x0] =	vst.idx.add.s32.msk $0xffff, v9;
	v10 =	vor.u32 v15, v14  }
0xea: {  	v13 =	vsel vm4, v18, v13;
	v12 =	vshll.u32 v11, $0x8;
	v11 =	vshra.s32 v11, $0x4  }
0xeb: {  	v14 =	vshll.u32 v13, $0x8;
	v13 =	vshra.s32 v13, $0x4;
	v12 =	vand.u32 $0xF00, v12  }
0xec: {  	v11 =	vadd.s32 $0x80, v11;
	v14 =	vand.u32 $0xF00, v14;
	v13 =	vadd.s32 $0x80, v13  }
0xed: {  	v11 =	vor.u32 v11, v12;
	v12 =	vor.u32 v13, v14  }
0xee: {  	[tilespmem:v10+s25+$0x0] =	vst.idx.add.s32.msk $0xffff, v9  }
0xef: {  	[tilespmem:v16+s25+$0x0] =	vst.idx.add.s32.msk $0xffff, v9;
	_ =	sdelay $0x2  }
0xf0: {  	s0 =	sshra.s32 s0, $0x2;
	[tilespmem:v11+s25+$0x0] =	vst.idx.add.s32.msk $0xffff, v9  }
0xf1: {  	s0 =	sadd.s32 s0, s23;
	[tilespmem:v12+s25+$0x0] =	vst.idx.add.s32.msk $0xffff, v9  }
0xf2: {  	v10 =	vld [tilespmem:s0+$0xFFFFFFC0]  }
0xf3: {  	v11 =	vld [tilespmem:s0+$0xFFFFFFD0]  }
0xf4: {  	v12 =	vld [tilespmem:s0+$0xFFFFFFE0];
	_ =	sdelay $0x2  }
0xf5: {  	vm4 =	vlt.s32 v10, $0x0;
	v10 =	vshra.s32 v10, $0x14  }
0xf6: {  	v13 =	vld [tilespmem:s0+$0xFFFFFFF0];
	vm5 =	vlt.s32 v11, $0x0;
	v14 =	vxor.u32 $0x7FF, v10;
	v11 =	vshra.s32 v11, $0x14  }
0xf7: {  	vm6 =	vlt.s32 v12, $0x0;
	v10 =	vsel vm4, v14, v10;
	v14 =	vxor.u32 $0x7FF, v11  }
0xf8: {  	v12 =	vshra.s32 v12, $0x14;
	v15 =	vshll.u32 v10, $0x8;
	v10 =	vshra.s32 v10, $0x4  }
0xf9: {  	v11 =	vsel vm5, v14, v11;
	v16 =	vld [tilespmem:s0+$0x0];
	v15 =	vand.u32 $0xF00, v15;
	v10 =	vadd.s32 $0x80, v10  }
0xfa: {  	v17 =	vxor.u32 $0x7FF, v12;
	v14 =	vshra.s32 v11, $0x4;
	v10 =	vor.u32 v10, v15  }
0xfb: {  	v12 =	vsel vm6, v17, v12;
	v14 =	vadd.s32 $0x80, v14;
	v15 =	vld [tilespmem:s0+$0x10];
	v17 =	vshra.s32 v13, $0x14  }
0xfc: {  	v11 =	vshll.u32 v11, $0x8;
	vm4 =	vlt.s32 v13, $0x0;
	v13 =	vshll.u32 v12, $0x8  }
0xfd: {  	v19 =	vand.u32 $0xF00, v11;
	v12 =	vshra.s32 v12, $0x4;
	v13 =	vand.u32 $0xF00, v13;
	v18 =	vld [tilespmem:s0+$0x30]  }
0xfe: {  	v14 =	vor.u32 v14, v19;
	v20 =	vxor.u32 $0x7FF, v17;
	v11 =	vld [tilespmem:s0+$0x20];
	vm5 =	vlt.s32 v16, $0x0  }
0xff: {  	v12 =	vadd.s32 $0x80, v12;
	v17 =	vsel vm4, v20, v17;
	v16 =	vshra.s32 v16, $0x14;
	[tilespmem:v10+s25+$0x0] =	vst.idx.add.s32.msk $0xffff, v9  }
0x100: {  	v10 =	vshll.u32 v17, $0x8;
	v17 =	vshra.s32 v17, $0x4;
	vm6 =	vlt.s32 v15, $0x0  }
.Ltmp7:
0x101: {  	v10 =	vand.u32 $0xF00, v10;
	v17 =	vadd.s32 $0x80, v17;
	v19 =	vshra.s32 v15, $0x14;
	(pc) =	sbr.rel @p2 .LBB2_8-.Ltmp7, $4  }
0x102: {  	v15 =	vxor.u32 $0x7FF, v16;
	v10 =	vor.u32 v17, v10;
	vm4 =	vlt.s32 v18, $0x0  }
0x103: {  	v12 =	vor.u32 v12, v13;
	v15 =	vsel vm5, v15, v16;
	v16 =	vxor.u32 $0x7FF, v19;
	[tilespmem:v14+s25+$0x0] =	vst.idx.add.s32.msk $0xffff, v9  }
0x104: {  	v16 =	vsel vm6, v16, v19;
	v13 =	vshra.s32 v18, $0x14;
	v14 =	vshll.u32 v15, $0x8  }
0x105: {  	vm5 =	vlt.s32 v11, $0x0;
	v17 =	vshll.u32 v16, $0x8;
	v16 =	vshra.s32 v16, $0x4  }
0x106: {  	v15 =	vshra.s32 v15, $0x4;
	v17 =	vand.u32 $0xF00, v17;
	v11 =	vshra.s32 v11, $0x14  }
0x107: {  	v16 =	vadd.s32 $0x80, v16;
	v14 =	vand.u32 $0xF00, v14;
	v61 =	vxor.u32 $0x7FF, v13  }
0x108: {  	v18 =	vxor.u32 $0x7FF, v11;
	v16 =	vor.u32 v16, v17;
	v15 =	vadd.s32 $0x80, v15  }
0x109: {  	v13 =	vsel vm4, v61, v13;
	v11 =	vsel vm5, v18, v11;
	v14 =	vor.u32 v15, v14  }
0x10a: {  	v17 =	vshll.u32 v13, $0x8;
	v62 =	vshll.u32 v11, $0x8;
	v11 =	vshra.s32 v11, $0x4  }
0x10b: {  	v13 =	vshra.s32 v13, $0x4;
	v15 =	vand.u32 $0xF00, v62;
	v11 =	vadd.s32 $0x80, v11  }
0x10c: {  	v17 =	vand.u32 $0xF00, v17;
	v13 =	vadd.s32 $0x80, v13;
	v11 =	vor.u32 v11, v15  }
0x10d: {  	[tilespmem:v12+s25+$0x0] =	vst.idx.add.s32.msk $0xffff, v9;
	v63 =	vor.u32 v13, v17  }
0x10e: {  	[tilespmem:v10+s25+$0x0] =	vst.idx.add.s32.msk $0xffff, v9  }
0x10f: {  	[tilespmem:v14+s25+$0x0] =	vst.idx.add.s32.msk $0xffff, v9  }
0x110: {  	[tilespmem:v16+s25+$0x0] =	vst.idx.add.s32.msk $0xffff, v9  }
0x111: {  	s21 =	simm.s32 $0x0;
	[tilespmem:v11+s25+$0x0] =	vst.idx.add.s32.msk $0xffff, v9  }
0x112: {  	s0 =	sand.u32 $0xF0, s21;
	[tilespmem:v63+s25+$0x0] =	vst.idx.add.s32.msk $0xffff, v9  }
0x113: {  	s1 =	simm.s32 $0x10;
	v10 =	vld [tilespmem:s0+$0x10100]  }
.LBB2_10:
0x114: {  	p2 =	sne.s32 s1, $0xF0;
	v11 =	vld [tilespmem:s25+$0x0]  }
0x115: {  	v12 =	vld [tilespmem:s0+$0x10200]  }
0x116: {  	v13 =	vld [tilespmem:s0+$0x10300]  }
0x117: {  	v14 =	vld [tilespmem:s0+$0x10400]  }
0x118: {  	v15 =	vld [tilespmem:s0+$0x10500]  }
0x119: {  	v10 =	vadd.s32 v11, v10;
	v11 =	vld [tilespmem:s0+$0x10600]  }
0x11a: {  	v10 =	vadd.s32 v12, v10;
	v12 =	vld [tilespmem:s0+$0x10700]  }
0x11b: {  	v10 =	vadd.s32 v13, v10;
	v13 =	vld [tilespmem:s0+$0x10800]  }
0x11c: {  	v10 =	vadd.s32 v14, v10;
	v14 =	vld [tilespmem:s0+$0x10900]  }
0x11d: {  	v10 =	vadd.s32 v15, v10;
	v15 =	vld [tilespmem:s0+$0x10A00]  }
0x11e: {  	v10 =	vadd.s32 v11, v10;
	v11 =	vld [tilespmem:s0+$0x10B00]  }
0x11f: {  	v10 =	vadd.s32 v12, v10;
	v12 =	vld [tilespmem:s0+$0x10C00]  }
0x120: {  	v10 =	vadd.s32 v13, v10;
	v13 =	vld [tilespmem:s0+$0x10D00]  }
0x121: {  	v10 =	vadd.s32 v14, v10;
	v14 =	vld [tilespmem:s0+$0x10E00]  }
0x122: {  	v10 =	vadd.s32 v15, v10;
	v15 =	vld [tilespmem:s0+$0x10F00]  }
0x123: {  	v10 =	vadd.s32 v11, v10  }
.Ltmp8:
0x124: {  	v10 =	vadd.s32 v12, v10;
	(pc) =	sbr.rel @p2 .LBB2_10-.Ltmp8, $4  }
0x125: {  	v10 =	vadd.s32 v13, v10  }
0x126: {  	v10 =	vadd.s32 v14, v10  }
0x127: {  	s5 =	sand.u32 $0xF0, s1;
	v11 =	vadd.s32 v15, v10  }
0x128: {  	s1 =	sadd.s32 $0x10, s1;
	s25 =	sadd.s32 $0x10, s25;
	v10 =	vld [tilespmem:s5+$0x10100];
	[tilespmem:s0+$0x11000] =	vst v11;
	s0 =	smov.u32 s5  }
0x129: {  	v11 =	vld [tilespmem:s25+$0x0]  }
0x12a: {  	v12 =	vld [tilespmem:s0+$0x10200]  }
0x12b: {  	v13 =	vld [tilespmem:s0+$0x10300]  }
0x12c: {  	v14 =	vld [tilespmem:s0+$0x10400]  }
0x12d: {  	v15 =	vld [tilespmem:s0+$0x10500]  }
0x12e: {  	v10 =	vadd.s32 v11, v10;
	v11 =	vld [tilespmem:s0+$0x10600]  }
0x12f: {  	v10 =	vadd.s32 v12, v10;
	v12 =	vld [tilespmem:s0+$0x10700]  }
0x130: {  	v10 =	vadd.s32 v13, v10;
	v13 =	vld [tilespmem:s0+$0x10800]  }
0x131: {  	v10 =	vadd.s32 v14, v10;
	v14 =	vld [tilespmem:s0+$0x10900]  }
0x132: {  	v10 =	vadd.s32 v15, v10;
	v15 =	vld [tilespmem:s0+$0x10A00]  }
0x133: {  	v10 =	vadd.s32 v11, v10;
	v11 =	vld [tilespmem:s0+$0x10B00]  }
0x134: {  	v10 =	vadd.s32 v12, v10;
	v12 =	vld [tilespmem:s0+$0x10C00]  }
0x135: {  	v10 =	vadd.s32 v13, v10;
	v13 =	vld [tilespmem:s0+$0x10D00]  }
0x136: {  	v10 =	vadd.s32 v14, v10;
	v14 =	vld [tilespmem:s0+$0x10E00]  }
0x137: {  	v10 =	vadd.s32 v15, v10;
	v15 =	vld [tilespmem:s0+$0x10F00]  }
0x138: {  	v10 =	vadd.s32 v11, v10  }
0x139: {  	v10 =	vadd.s32 v12, v10  }
0x13a: {  	v10 =	vadd.s32 v13, v10  }
0x13b: {  	v10 =	vadd.s32 v14, v10  }
0x13c: {  	v10 =	vadd.s32 v15, v10  }
0x13d: {  	s17 =	simm.s32 $0x110F0;
	[tilespmem:s0+$0x11000] =	vst v10  }
0x13e: {  	v10 =	vld [tilespmem:s17+$0x0];
	_ =	sdelay $0x4  }
0x13f: {  	(xrf0) =	vadd.scan.msk.s32 $0xffff, v10;
	_ =	sdelay $0x5  }
0x140: {  	v12, _, _ =	vpop (xrf0)  }
0x141: {  	(v2sf) =	vpush v12, $0xF;
	_ =	sdelay $0x3  }
0x142: {  	s19 =	simm.s32 $0x110E0  }
0x143: {  	v11 =	vld [tilespmem:s19+$0x0];
	_ =	sdelay $0x4  }
0x144: {  	(xrf0) =	vadd.scan.msk.s32 $0xffff, v11;
	_ =	sdelay $0x4  }
0x145: {  	s25 =	spop (v2sf)  }
0x146: {  	v10 =	vsub.s32 v10, v12;
	v13, _, _ =	vpop (xrf0);
	s5 =	sadd.s32 $0x0, s25  }
0x147: {  	(v2sf) =	vpush v13, $0xF;
	v10 =	vadd.s32 s5, v10  }
0x148: {  	vm4 =	vgt.s32 v10, $0x31  }
0x149: {  	v10 =	vsel vm4, $0x1, v0  }
0x14a: {  	(xrf0) =	vadd.scan.msk.s32 $0xffff, v10;
	_ =	sdelay $0x4  }
0x14b: {  	s26 =	simm.s32 $0x110D0  }
0x14c: {  	v14 =	vld [tilespmem:s26+$0x0];
	v10, _, _ =	vpop (xrf0)  }
0x14d: {  	(v2sf) =	vpush v10, $0xF;
	_ =	sdelay $0x2  }
0x14e: {  	s1 =	simm.s32 @!p6 $0x0  }
0x14f: {  	p2 =	por $0x1, $0x1;
	s28 =	simm.s32 $0x0;
	s1 =	simm.s32 @p6 $0x1;
	(xrf0) =	vadd.scan.msk.s32 $0xffff, v14  }
0x150: {  	[smem:$0x7FD] =	sst s1;
	s1 =	spop (v2sf);
	s28 =	smov.u32 @p2 s5  }
0x151: {  	s25 =	sadd.s32 s28, s1;
	v10 =	vsub.s32 v11, v13  }
0x152: {  	v10 =	vadd.s32 s25, v10  }
0x153: {  	vm11 =	vgt.s32 v10, $0x31  }
0x154: {  	v10 =	vsel vm11, $0x1, v0  }
0x155: {  	v11, _, _ =	vpop (xrf0);
	(xrf0) =	vadd.scan.msk.s32 $0xffff, v10  }
0x156: {  	(v2sf) =	vpush v11, $0xF;
	_ =	sdelay $0x1  }
0x157: {  	s6 =	simm.s32 $0x110C0  }
0x158: {  	v15 =	vld [tilespmem:s6+$0x0]  }
0x159: {  	s7 =	spop (v2sf)  }
0x15a: {  	v10, _, _ =	vpop (xrf0);
	s9 =	sadd.s32 $0xFFFFFFFF, s7  }
0x15b: {  	(v2sf) =	vpush v10, $0xF;
	v10 =	vmov s9  }
0x15c: {  	vm12 =	veq.s32 v10, v1  }
0x15d: {  	(xrf0) =	vadd.scan.msk.s32 $0xffff, v15;
	v10 =	vnsel vm12, $0x0, v12  }
0x15e: {  	(xrf0) =	vadd.scan.msk.s32 $0xffff, v10  }
0x15f: {  	p3 =	sgt.s32 s7, $0x0  }
0x160: {  	p2 =	por !p2, !p3  }
0x161: {  	s29 =	simm.s32 $0x0;
	p3 =	por !p2, !p2  }
0x162: {  	s29 =	simm.s32 @p3 $0x1  }
0x163: {  	p2 =	seq.s32 s29, $0x0;
	v10, _, _ =	vpop (xrf0)  }
0x164: {  	s17 =	spop (v2sf);
	s28 =	smov.u32 @p2 s25;
	(v2sf) =	vpush v10, $0xF;
	v12, _, _ =	vpop (xrf0)  }
0x165: {  	s26 =	sadd.s32 s28, s17;
	(v2sf) =	vpush v12, $0xF;
	v12 =	vsub.s32 v14, v11  }
0x166: {  	v12 =	vadd.s32 s26, v12  }
0x167: {  	vm13 =	vgt.s32 v12, $0x31  }
0x168: {  	v12 =	vsel vm13, $0x1, v0  }
0x169: {  	(xrf0) =	vadd.scan.msk.s32 $0xffff, v12  }
0x16a: {  	s9 =	simm.s32 $0x110B0  }
0x16b: {  	v14 =	vld [tilespmem:s9+$0x0];
	s6 =	spop (v2sf)  }
0x16c: {  	s19 =	sadd.s32 $0xFFFFFFFF, s6  }
0x16d: {  	v16 =	vmov s19  }
0x16e: {  	vm14 =	veq.s32 v16, v1  }
0x16f: {  	p4 =	sgt.s32 s6, $0x0;
	v12 =	vnsel vm14, $0x0, v13;
	v13, _, _ =	vpop (xrf0)  }
0x170: {  	p2 =	por !p2, !p4;
	(xrf0) =	vadd.scan.msk.s32 $0xffff, v14;
	(v2sf) =	vpush v13, $0xF  }
0x171: {  	p2 =	por !p2, !p2  }
0x172: {  	s29 =	simm.s32 @p2 $0x1;
	(xrf0) =	vadd.scan.msk.s32 $0xffff, v12  }
0x173: {  	p4 =	seq.s32 s29, $0x0;
	v12 =	vsub.s32 v15, v10  }
0x174: {  	s30 =	simm.s32 $0xCF;
	s28 =	smov.u32 @p4 s26;
	s8 =	spop (v2sf)  }
0x175: {  	s1 =	simm.s32 $0x0;
	s31 =	sadd.s32 $0xEF, s7;
	s0 =	sadd.s32 s28, s8  }
0x176: {  	s1 =	smov.u32 @p3 s31;
	s31 =	simm.s32 $0xAF;
	s6 =	sadd.s32 $0xDF, s6;
	v15 =	vadd.s32 s0, v12;
	v12, _, _ =	vpop (xrf0)  }
0x177: {  	p3 =	por p3, p3;
	s1 =	smov.u32 @p2 s6;
	vm15 =	vgt.s32 v15, $0x31;
	(v2sf) =	vpush v12, $0xF;
	s7 =	spop (v2sf)  }
0x178: {  	s6 =	simm.s32 $0x9F;
	s8 =	simm.s32 $0xBF;
	v13 =	vsub.s32 v14, v12;
	v14, _, _ =	vpop (xrf0);
	v15 =	vsel vm15, $0x1, v0;
	s5 =	ssub.s32 s5, s7  }
.LBB2_12:
0x179: {  	p5 =	sne.s32 s6, $0xFFFFFFFF;
	s21 =	smov.u32 @p3 s5;
	s5 =	smov.u32 s6  }
0x17a: {  	(xrf0) =	vadd.scan.msk.s32 $0xffff, v15;
	(v2sf) =	vpush v14, $0xF;
	s6 =	sadd.s32 $0xFFFFFFF0, s6;
	s7 =	smov.u32 s0;
	p3 =	por p2, p2  }
0x17b: {  	s9 =	sadd.s32 $0xFFFFFFF0, s9  }
0x17c: {  	v14 =	vld [tilespmem:s9+$0x0];
	_ =	sdelay $0x2  }
0x17d: {  	s0 =	spop (v2sf)  }
0x17e: {  	v15, _, _ =	vpop (xrf0);
	p2 =	sgt.s32 s0, $0x0;
	s17 =	sadd.s32 $0xFFFFFFFF, s0  }
0x17f: {  	(xrf0) =	vadd.scan.msk.s32 $0xffff, v14;
	(v2sf) =	vpush v15, $0xF;
	p2 =	por !p4, !p2;
	v15 =	vmov s17  }
0x180: {  	s0 =	sadd.s32 s30, s0;
	s30 =	smov.u32 s8;
	p2 =	por !p2, !p2;
	vm4 =	veq.s32 v15, v1  }
0x181: {  	s8 =	smov.u32 s31;
	v15 =	vnsel vm4, $0x0, v11;
	s1 =	smov.u32 @p2 s0;
	s29 =	simm.s32 @p2 $0x1;
	v11 =	vmov v10;
	v10 =	vmov v12  }
0x182: {  	s31 =	smov.u32 s5;
	p4 =	seq.s32 s29, $0x0;
	(xrf0) =	vadd.scan.msk.s32 $0xffff, v15  }
0x183: {  	s28 =	smov.u32 @p4 s7  }
.Ltmp9:
0x184: {  	s0 =	spop (v2sf);
	(pc) =	sbr.rel @p5 .LBB2_12-.Ltmp9, $4  }
0x185: {  	v12, _, _ =	vpop (xrf0);
	s0 =	sadd.s32 s28, s0  }
0x186: {  	(v2sf) =	vpush v12, $0xF;
	v15 =	vadd.s32 s0, v13;
	v13 =	vsub.s32 v14, v12  }
0x187: {  	vm4 =	vgt.s32 v15, $0x31;
	s5 =	spop (v2sf)  }
0x188: {  	v15 =	vsel vm4, $0x1, v0;
	v14, _, _ =	vpop (xrf0);
	s5 =	ssub.s32 s25, s5;
	s25 =	smov.u32 s26;
	s26 =	smov.u32 s7  }
0x189: {  	_ =	sdelay $0x5  }
0x18a: {  	s7 =	spop (v2sf)  }
0x18b: {  	p5 =	sgt.s32 s7, $0x0  }
0x18c: {  	p4 =	por !p4, !p5  }
0x18d: {  	p4 =	por !p4, !p4  }
0x18e: {  	s29 =	simm.s32 @p4 $0x1  }
0x18f: {  	p5 =	seq.s32 s29, $0x0  }
0x190: {  	s6 =	sadd.s32 $0xFFFFFFFF, s7;
	s28 =	smov.u32 @p5 s0;
	s9 =	spop (v2sf)  }
0x191: {  	(xrf0) =	vadd.scan.msk.s32 $0xffff, v15;
	v15 =	vmov s6;
	s6 =	sadd.s32 s28, s9  }
0x192: {  	vm4 =	veq.s32 v15, v1;
	v13 =	vadd.s32 s6, v13  }
0x193: {  	v11 =	vnsel vm4, $0x0, v11;
	vm4 =	vgt.s32 v13, $0x31  }
0x194: {  	(xrf0) =	vadd.scan.msk.s32 $0xffff, v11;
	v11 =	vsel vm4, $0x1, v0  }
0x195: {  	(xrf0) =	vadd.scan.msk.s32 $0xffff, v11;
	_ =	sdelay $0x1  }
0x196: {  	(v2sf) =	vpush v14, $0xF;
	v11, _, _ =	vpop (xrf0)  }
0x197: {  	(v2sf) =	vpush v11, $0xF;
	_ =	sdelay $0x1  }
0x198: {  	v11, _, _ =	vpop (xrf0)  }
0x199: {  	(v2sf) =	vpush v11, $0xF;
	v11, _, _ =	vpop (xrf0)  }
0x19a: {  	(v2sf) =	vpush v11, $0xF;
	_ =	sdelay $0x9  }
0x19b: {  	s9 =	spop (v2sf)  }
0x19c: {  	s17 =	spop (v2sf)  }
0x19d: {  	p6 =	sgt.s32 s17, $0x0  }
0x19e: {  	p5 =	por !p5, !p6  }
0x19f: {  	s28 =	spop (v2sf);
	p5 =	por !p5, !p5  }
0x1a0: {  	s29 =	simm.s32 @p5 $0x1;
	s19 =	spop (v2sf)  }
0x1a1: {  	s7 =	sadd.s32 s30, s7;
	p6 =	seq.s32 s29, $0x0;
	p1 =	sgt.s32 s19, $0x0  }
0x1a2: {  	s1 =	smov.u32 @p4 s7;
	s7 =	sadd.s32 s8, s17;
	p1 =	por !p6, !p1  }
0x1a3: {  	v11 =	vmul.u32 $0x100, v1;
	s1 =	smov.u32 @p5 s7;
	s7 =	sadd.s32 s31, s19;
	p6 =	por !p1, !p1  }
0x1a4: {  	s1 =	smov.u32 @p6 s7  }
0x1a5: {  	v11 =	vadd.s32 s1, v11;
	_ =	sdelay $0x2  }
0x1a6: {  	s8 =	sadd.s32 $0xFFFFFFFF, s17  }
0x1a7: {  	v13 =	vmov s8;
	s17 =	sadd.s32 $0xFFFFFFFF, s19  }
0x1a8: {  	vm4 =	veq.s32 v13, v1;
	v13 =	vmov s17;
	v11 =	vld.idx.msk [tilespmem:v11+s18+$0x0], $0xffff  }
0x1a9: {  	v10 =	vnsel vm4, $0x0, v10;
	vm4 =	veq.s32 v13, v1  }
0x1aa: {  	(xrf0) =	vadd.scan.msk.s32 $0xffff, v10;
	v10 =	vnsel vm4, $0x0, v12  }
0x1ab: {  	(xrf0) =	vadd.scan.msk.s32 $0xffff, v10;
	_ =	sdelay $0x1  }
0x1ac: {  	(xrf0) =	vadd.scan.msk.s32 $0xffff, v11;
	_ =	sdelay $0x2  }
0x1ad: {  	v10, _, _ =	vpop (xrf0)  }
0x1ae: {  	(v2sf) =	vpush v10, $0xF;
	v12, _, _ =	vpop (xrf0)  }
0x1af: {  	(v2sf) =	vpush v12, $0xF  }
0x1b0: {  	v10, _, _ =	vpop (xrf0)  }
0x1b1: {  	(v2sf) =	vpush v10, $0xF;
	_ =	sdelay $0x9  }
0x1b2: {  	s21 =	smov.u32 @p3 s5;
	s5 =	ssub.s32 s25, s9;
	p1 =	por p2, p2  }
0x1b3: {  	s21 =	smov.u32 @p1 s5;
	p1 =	por p4, p4;
	s5 =	ssub.s32 s26, s28  }
0x1b4: {  	s21 =	smov.u32 @p1 s5;
	s19 =	spop (v2sf)  }
0x1b5: {  	p1 =	por p5, p5;
	s0 =	ssub.s32 s0, s19;
	s25 =	spop (v2sf)  }
0x1b6: {  	s21 =	smov.u32 @p1 s0;
	p1 =	por p6, p6;
	s0 =	ssub.s32 s6, s25  }
0x1b7: {  	s21 =	smov.u32 @p1 s0;
	s26 =	spop (v2sf)  }
0x1b8: {  	v10 =	vsub.s32 v11, v10;
	s0 =	sadd.s32 s21, s26  }
0x1b9: {  	v10 =	vadd.s32 s0, v10  }
0x1ba: {  	vm4 =	vgt.s32 v10, $0x31  }
0x1bb: {  	v10 =	vsel vm4, $0x1, v0  }
0x1bc: {  	(xrf0) =	vadd.scan.msk.s32 $0xffff, v10;
	_ =	sdelay $0x5  }
0x1bd: {  	v10, _, _ =	vpop (xrf0)  }
0x1be: {  	(v2sf) =	vpush v10, $0xF;
	_ =	sdelay $0x5  }
0x1bf: {  	v13 =	vld [tilespmem:s23+$0xFFFFFFD0]  }
0x1c0: {  	v15 =	vld [tilespmem:s23+$0x0];
	_ =	sdelay $0x2  }
0x1c1: {  	v18 =	vld [tilespmem:s23+$0x10]  }
0x1c2: {  	v14 =	vld [tilespmem:s23+$0xFFFFFFC0];
	vm5 =	vlt.s32 v13, $0x0;
	v17 =	vxor.u32 $0x7FFFFFFF, v13  }
0x1c3: {  	v20 =	vxor.u32 $0x7FFFFFFF, v15;
	v13 =	vsel vm5, v17, v13;
	vm5 =	vlt.s32 v15, $0x0;
	v17 =	vld [tilespmem:s23+$0xFFFFFFF0]  }
0x1c4: {  	v20 =	vsel vm5, v20, v15;
	v15 =	vld [tilespmem:s23+$0x20];
	_ =	sdelay $0x1  }
0x1c5: {  	v16 =	vld [tilespmem:s23+$0xFFFFFFE0];
	s28 =	spop (v2sf)  }
0x1c6: {  	vm8 =	vlt.s32 v18, $0x0;
	s1 =	sshll.u32 s1, $0x18;
	s0 =	sshll.u32 s28, $0x14  }
0x1c7: {  	v19 =	vxor.u32 $0x7FFFFFFF, v14;
	v24 =	vxor.u32 $0x7FFFFFFF, v17;
	v11 =	vimm.s32 $0x0;
	s0 =	sadd.s32 s0, s1  }
0x1c8: {  	vm10 =	vlt.s32 v15, $0x0;
	vm7 =	vlt.s32 v11, $0x20;
	vm4 =	vlt.s32 v14, $0x0;
	s21 =	sadd.s32 $0x7FF00000, s0  }
0x1c9: {  	v12 =	vadd.s32 v2, v11;
	v14 =	vsel vm4, v19, v14;
	v10 =	vmov s21  }
0x1ca: {  	vm4 =	vlt.s32 v16, $0x0;
	v19 =	vxor.u32 $0x7FFFFFFF, v16;
	vm9 =	vge.s32 v14, v10  }
0x1cb: {  	v14 =	vsel vm4, v19, v16;
	v16 =	vxor.u32 $0x7FFFFFFF, v18;
	vm6 =	vge.s32 v13, v10  }
0x1cc: {  	vm4 =	vge.s32 v20, v10;
	v23 =	vsel vm9, $0x1, v0;
	v20 =	vsel vm6, $0x1, v0  }
0x1cd: {  	s29 =	simm.s32 $0x0;
	v13 =	vsel vm8, v16, v18;
	vm8 =	vmand vm7, vm9;
	v21 =	vadd.s32 v23, v20;
	v20 =	vld [tilespmem:s23+$0x30]  }
0x1ce: {  	s30 =	simm.s32 $0x10;
	vm5 =	vge.s32 v14, v10;
	v16 =	vsel vm4, $0x1, v0;
	v18 =	vor.u32 s29, v1  }
0x1cf: {  	s31 =	simm.s32 $0x20;
	vm9 =	vlt.s32 v17, $0x0;
	v14 =	vor.u32 s30, v1;
	v19 =	vsel vm5, $0x1, v0  }
0x1d0: {  	s25 =	simm.s32 $0x70;
	s1 =	simm.s32 $0xF0;
	vm7 =	vge.s32 v13, v10;
	v13 =	vor.u32 s31, v1;
	v22 =	vadd.s32 v19, v21  }
.LBB2_14:
0x1d1: {  	p2 =	sne.s32 s1, $0x7FF0  }
0x1d2: {  	v25 =	vxor.u32 $0x7FFFFFFF, v20;
	v26 =	vsel vm7, $0x1, v0;
	v23 =	vadd.s32 v23, v11;
	s23 =	sadd.s32 $0x80, s23;
	s0 =	smov.u32 s1;
	s1 =	sadd.s32 $0x80, s1  }
0x1d3: {  	v17 =	vsel vm9, v24, v17;
	v24 =	vxor.u32 $0x7FFFFFFF, v15;
	vm9 =	vlt.s32 v20, $0x0;
	[tilespmem:v12+s11+$0x0] =	vst.idx.msk vm8, v18  }
0x1d4: {  	v12 =	vsel vm9, v25, v20;
	vm9 =	vge.s32 v17, v10;
	v17 =	vadd.s32 v16, v26  }
0x1d5: {  	v18 =	vadd.s32 v2, v23;
	vm8 =	vge.s32 v12, v10;
	v12 =	vsel vm9, $0x1, v0  }
0x1d6: {  	v21 =	vadd.s32 v11, v21;
	v15 =	vsel vm10, v24, v15;
	v20 =	vsel vm8, $0x1, v0  }
0x1d7: {  	vm11 =	vlt.s32 v23, $0x20;
	vm10 =	vge.s32 v15, v10;
	v12 =	vadd.s32 v12, v22  }
0x1d8: {  	vm6 =	vmand vm6, vm11;
	v15 =	vsel vm10, $0x1, v0;
	v11 =	vadd.s32 v11, v12  }
0x1d9: {  	vm11 =	vlt.s32 v21, $0x20;
	v12 =	vadd.s32 v19, v21;
	v16 =	vadd.s32 v16, v11  }
0x1da: {  	vm12 =	vlt.s32 v12, $0x20;
	vm13 =	vlt.s32 v11, $0x20;
	vm14 =	vlt.s32 v16, $0x20  }
0x1db: {  	vm11 =	vmand vm5, vm11;
	vm5 =	vmand vm4, vm13;
	vm4 =	vmand vm7, vm14  }
0x1dc: {  	v19 =	vadd.s32 v2, v21;
	v12 =	vadd.s32 v2, v12;
	vm7 =	vmand vm9, vm12  }
0x1dd: {  	v17 =	vadd.s32 v17, v11  }
0x1de: {  	v15 =	vadd.s32 v15, v17;
	[tilespmem:v18+s11+$0x0] =	vst.idx.msk vm6, v14;
	v14 =	vadd.s32 v2, v11;
	vm6 =	vlt.s32 v17, $0x20  }
0x1df: {  	v16 =	vadd.s32 v2, v16;
	vm9 =	vlt.s32 v15, $0x20;
	vm6 =	vmand vm10, vm6  }
0x1e0: {  	s5 =	sadd.s32 $0xFFFFFFC0, s25;
	vm8 =	vmand vm8, vm9;
	v17 =	vadd.s32 v2, v17;
	v11 =	vadd.s32 v20, v15  }
0x1e1: {  	s6 =	sadd.s32 $0xFFFFFFD0, s25;
	v15 =	vadd.s32 v2, v15;
	[tilespmem:v19+s11+$0x0] =	vst.idx.msk vm11, v13;
	v13 =	vor.u32 s5, v1  }
0x1e2: {  	s5 =	sadd.s32 $0xFFFFFFE0, s25;
	[tilespmem:v12+s11+$0x0] =	vst.idx.msk vm7, v13;
	v12 =	vor.u32 s6, v1  }
0x1e3: {  	s6 =	sadd.s32 $0xFFFFFFF0, s25;
	[tilespmem:v14+s11+$0x0] =	vst.idx.msk vm5, v12;
	v12 =	vor.u32 s5, v1  }
0x1e4: {  	[tilespmem:v16+s11+$0x0] =	vst.idx.msk vm4, v12;
	v12 =	vor.u32 s6, v1  }
0x1e5: {  	vm7 =	vlt.s32 v11, $0x20;
	[tilespmem:v17+s11+$0x0] =	vst.idx.msk vm6, v12;
	v12 =	vor.u32 s25, v1;
	s25 =	smov.u32 s0  }
0x1e6: {  	[tilespmem:v15+s11+$0x0] =	vst.idx.msk vm8, v12  }
0x1e7: {  	v13 =	vld [tilespmem:s23+$0xFFFFFFD0]  }
0x1e8: {  	v14 =	vld [tilespmem:s23+$0xFFFFFFC0]  }
0x1e9: {  	v16 =	vld [tilespmem:s23+$0x0]  }
0x1ea: {  	v18 =	vld [tilespmem:s23+$0xFFFFFFE0]  }
0x1eb: {  	v19 =	vld [tilespmem:s23+$0x10]  }
0x1ec: {  	v12 =	vadd.s32 v2, v11  }
0x1ed: {  	vm5 =	vlt.s32 v13, $0x0;
	v15 =	vxor.u32 $0x7FFFFFFF, v13;
	vm4 =	vlt.s32 v14, $0x0  }
0x1ee: {  	v20 =	vxor.u32 $0x7FFFFFFF, v14;
	v13 =	vsel vm5, v15, v13;
	v17 =	vld [tilespmem:s23+$0xFFFFFFF0];
	v21 =	vxor.u32 $0x7FFFFFFF, v16  }
0x1ef: {  	v14 =	vsel vm4, v20, v14;
	vm5 =	vlt.s32 v16, $0x0;
	v15 =	vld [tilespmem:s23+$0x20];
	vm4 =	vlt.s32 v18, $0x0  }
0x1f0: {  	v20 =	vxor.u32 $0x7FFFFFFF, v18;
	v16 =	vsel vm5, v21, v16;
	vm9 =	vge.s32 v14, v10  }
0x1f1: {  	vm6 =	vge.s32 v13, v10;
	v14 =	vsel vm4, v20, v18;
	v18 =	vxor.u32 $0x7FFFFFFF, v19  }
0x1f2: {  	vm8 =	vlt.s32 v19, $0x0;
	vm4 =	vge.s32 v16, v10;
	vm5 =	vge.s32 v14, v10;
	v20 =	vld [tilespmem:s23+$0x30]  }
.Ltmp10:
0x1f3: {  	s0 =	sadd.s32 $0xFFFFFF90, s25;
	v13 =	vsel vm8, v18, v19;
	v16 =	vsel vm4, $0x1, v0;
	vm8 =	vmand vm7, vm9;
	(pc) =	sbr.rel @p2 .LBB2_14-.Ltmp10, $4  }
0x1f4: {  	s5 =	sadd.s32 $0xFFFFFFA0, s25;
	v21 =	vsel vm6, $0x1, v0;
	v23 =	vsel vm9, $0x1, v0;
	v18 =	vor.u32 s0, v1  }
0x1f5: {  	s0 =	sadd.s32 $0xFFFFFFB0, s25;
	v14 =	vor.u32 s5, v1;
	v19 =	vsel vm5, $0x1, v0;
	vm9 =	vlt.s32 v17, $0x0  }
0x1f6: {  	v21 =	vadd.s32 v23, v21;
	vm7 =	vge.s32 v13, v10;
	v24 =	vxor.u32 $0x7FFFFFFF, v17  }
0x1f7: {  	v13 =	vor.u32 s0, v1;
	v22 =	vadd.s32 v19, v21;
	vm10 =	vlt.s32 v15, $0x0  }
0x1f8: {  	v25 =	vxor.u32 $0x7FFFFFFF, v20;
	v26 =	vsel vm7, $0x1, v0;
	v23 =	vadd.s32 v23, v11  }
0x1f9: {  	v17 =	vsel vm9, v24, v17;
	v53 =	vxor.u32 $0x7FFFFFFF, v15;
	vm15 =	vlt.s32 v20, $0x0  }
0x1fa: {  	v21 =	vadd.s32 v11, v21;
	v20 =	vsel vm15, v25, v20;
	vm11 =	vge.s32 v17, v10  }
0x1fb: {  	v54 =	vadd.s32 v16, v26;
	v15 =	vsel vm10, v53, v15;
	v56 =	vadd.s32 v2, v23  }
0x1fc: {  	vm12 =	vlt.s32 v23, $0x20;
	vm0 =	vlt.s32 v21, $0x20;
	v58 =	vadd.s32 v2, v21  }
0x1fd: {  	vm9 =	vge.s32 v20, v10;
	v55 =	vsel vm11, $0x1, v0;
	vm10 =	vge.s32 v15, v10  }
0x1fe: {  	vm6 =	vmand vm6, vm12;
	vm5 =	vmand vm5, vm0;
	v10 =	vadd.s32 v55, v22  }
0x1ff: {  	v15 =	vsel vm10, $0x1, v0;
	v10 =	vadd.s32 v11, v10;
	v11 =	vadd.s32 v19, v21  }
0x200: {  	v57 =	vadd.s32 v16, v10;
	vm13 =	vlt.s32 v11, $0x20;
	vm14 =	vlt.s32 v10, $0x20  }
0x201: {  	v11 =	vadd.s32 v2, v11;
	v17 =	vadd.s32 v54, v10;
	vm11 =	vmand vm11, vm13  }
0x202: {  	v10 =	vadd.s32 v2, v10;
	vm1 =	vlt.s32 v57, $0x20;
	vm4 =	vmand vm4, vm14  }
0x203: {  	v15 =	vadd.s32 v15, v17;
	vm3 =	vlt.s32 v17, $0x20;
	vm2 =	vmand vm7, vm1  }
0x204: {  	[tilespmem:v12+s11+$0x0] =	vst.idx.msk vm8, v18;
	v59 =	vadd.s32 v2, v57;
	vm13 =	vmand vm10, vm3;
	vm14 =	vlt.s32 v15, $0x20  }
0x205: {  	s0 =	sadd.s32 $0xFFFFFFC0, s25;
	v60 =	vadd.s32 v2, v17;
	[tilespmem:v56+s11+$0x0] =	vst.idx.msk vm6, v14;
	vm15 =	vmand vm9, vm14  }
0x206: {  	s1 =	sadd.s32 $0xFFFFFFD0, s25;
	v61 =	vor.u32 s0, v1;
	v62 =	vadd.s32 v2, v15;
	[tilespmem:v58+s11+$0x0] =	vst.idx.msk vm5, v13  }
0x207: {  	s29 =	sadd.s32 $0xFFFFFFE0, s25;
	[tilespmem:v11+s11+$0x0] =	vst.idx.msk vm11, v61;
	v11 =	vor.u32 s1, v1  }
0x208: {  	s30 =	sadd.s32 $0xFFFFFFF0, s25;
	s31 =	sld [smem:$0x7FD];
	[tilespmem:v10+s11+$0x0] =	vst.idx.msk vm4, v11;
	v10 =	vor.u32 s29, v1  }
0x209: {  	[tilespmem:v59+s11+$0x0] =	vst.idx.msk vm2, v10;
	v10 =	vor.u32 s30, v1  }
0x20a: {  	v63 =	vor.u32 s25, v1;
	v11 =	vsel vm9, $0x1, v0;
	[tilespmem:v60+s11+$0x0] =	vst.idx.msk vm13, v10  }
0x20b: {  	p6 =	seq.s32 s31, $0x1;
	v10 =	vadd.s32 v11, v15;
	[tilespmem:v62+s11+$0x0] =	vst.idx.msk vm15, v63  }
.LBB2_16:
0x20c: {  	[tilespmem:$0x11300] =	vst v3  }
0x20d: {  	[tilespmem:$0x11500] =	vst v4  }
0x20e: {  	[tilespmem:$0x11700] =	vst v0  }
0x20f: {  	[tilespmem:$0x11310] =	vst v3  }
0x210: {  	[tilespmem:$0x11510] =	vst v4  }
0x211: {  	[tilespmem:$0x11710] =	vst v0  }
0x212: {  	[tilespmem:$0x11320] =	vst v3  }
0x213: {  	[tilespmem:$0x11520] =	vst v4  }
0x214: {  	[tilespmem:$0x11720] =	vst v0  }
0x215: {  	[tilespmem:$0x11330] =	vst v3  }
0x216: {  	[tilespmem:$0x11530] =	vst v4  }
0x217: {  	[tilespmem:$0x11730] =	vst v0  }
0x218: {  	[tilespmem:$0x11340] =	vst v3  }
0x219: {  	[tilespmem:$0x11540] =	vst v4  }
0x21a: {  	[tilespmem:$0x11740] =	vst v0  }
0x21b: {  	[tilespmem:$0x11350] =	vst v3  }
0x21c: {  	[tilespmem:$0x11550] =	vst v4  }
0x21d: {  	[tilespmem:$0x11750] =	vst v0  }
0x21e: {  	[tilespmem:$0x11360] =	vst v3  }
0x21f: {  	[tilespmem:$0x11560] =	vst v4  }
0x220: {  	[tilespmem:$0x11760] =	vst v0  }
0x221: {  	[tilespmem:$0x11370] =	vst v3  }
0x222: {  	[tilespmem:$0x11570] =	vst v4  }
0x223: {  	[tilespmem:$0x11770] =	vst v0  }
0x224: {  	[tilespmem:$0x11380] =	vst v3  }
0x225: {  	[tilespmem:$0x11580] =	vst v4  }
0x226: {  	[tilespmem:$0x11780] =	vst v0  }
0x227: {  	[tilespmem:$0x11390] =	vst v3  }
0x228: {  	[tilespmem:$0x11590] =	vst v4  }
0x229: {  	[tilespmem:$0x11790] =	vst v0  }
0x22a: {  	[tilespmem:$0x113A0] =	vst v3  }
0x22b: {  	[tilespmem:$0x115A0] =	vst v4  }
0x22c: {  	[tilespmem:$0x117A0] =	vst v0  }
0x22d: {  	[tilespmem:$0x113B0] =	vst v3  }
0x22e: {  	[tilespmem:$0x115B0] =	vst v4  }
0x22f: {  	[tilespmem:$0x117B0] =	vst v0  }
0x230: {  	[tilespmem:$0x113C0] =	vst v3  }
0x231: {  	[tilespmem:$0x115C0] =	vst v4  }
0x232: {  	[tilespmem:$0x117C0] =	vst v0  }
0x233: {  	[tilespmem:$0x113D0] =	vst v3  }
0x234: {  	[tilespmem:$0x115D0] =	vst v4  }
0x235: {  	[tilespmem:$0x117D0] =	vst v0  }
0x236: {  	[tilespmem:$0x113E0] =	vst v3  }
0x237: {  	[tilespmem:$0x115E0] =	vst v4  }
0x238: {  	[tilespmem:$0x117E0] =	vst v0  }
0x239: {  	[tilespmem:$0x113F0] =	vst v3  }
0x23a: {  	[tilespmem:$0x115F0] =	vst v4  }
0x23b: {  	[tilespmem:$0x117F0] =	vst v0  }
0x23c: {  	[tilespmem:$0x11400] =	vst v3  }
0x23d: {  	[tilespmem:$0x11600] =	vst v4  }
0x23e: {  	[tilespmem:$0x11800] =	vst v0  }
0x23f: {  	[tilespmem:$0x11410] =	vst v3  }
0x240: {  	[tilespmem:$0x11610] =	vst v4;
	vm4 =	vlt.s32 v10, $0x20  }
0x241: {  	[tilespmem:$0x11810] =	vst v0;
	v11 =	vnsel vm4, $0x20, v10  }
0x242: {  	[tilespmem:$0x11420] =	vst v3;
	(xrf0) =	vadd.scan.msk.s32 $0xffff, v11  }
0x243: {  	[tilespmem:$0x11620] =	vst v4  }
0x244: {  	[tilespmem:$0x11820] =	vst v0;
	s0 =	simm.s32 $0x0  }
0x245: {  	[tilespmem:$0x11430] =	vst v3;
	v10 =	vmov s0  }
0x246: {  	[tilespmem:$0x11630] =	vst v4;
	vm4 =	veq.s32 v10, v1  }
0x247: {  	[tilespmem:$0x11830] =	vst v0;
	v13 =	vnsel vm4, $0x0, v11  }
0x248: {  	[tilespmem:$0x11440] =	vst v3;
	(xrf0) =	vadd.scan.msk.s32 $0xffff, v13;
	v10, _, _ =	vpop (xrf0)  }
0x249: {  	[tilespmem:$0x11640] =	vst v4;
	v12 =	vsub.s32 v10, v11  }
0x24a: {  	[tilespmem:$0x11840] =	vst v0;
	v13 =	vnsel vm4, $0x0, v12  }
0x24b: {  	[tilespmem:$0x11450] =	vst v3;
	(xrf0) =	vadd.scan.msk.s32 $0xffff, v13  }
0x24c: {  	[tilespmem:$0x11650] =	vst v4  }
0x24d: {  	[tilespmem:$0x11850] =	vst v0  }
0x24e: {  	[tilespmem:$0x11460] =	vst v3;
	v13, _, _ =	vpop (xrf0)  }
0x24f: {  	[tilespmem:$0x11660] =	vst v4;
	(v2sf) =	vpush v13, $0xF  }
0x250: {  	[tilespmem:$0x11860] =	vst v0  }
0x251: {  	[tilespmem:$0x11470] =	vst v3;
	s26 =	simm.s32 $0x0;
	v13, _, _ =	vpop (xrf0)  }
0x252: {  	[tilespmem:$0x11670] =	vst v4;
	(v2sf) =	vpush v13, $0xF;
	v13 =	vmov s26  }
0x253: {  	[tilespmem:$0x11870] =	vst v0;
	s28 =	simm.s32 $0x1;
	vm4 =	veq.s32 v13, v1  }
0x254: {  	[tilespmem:$0x11480] =	vst v3;
	v14 =	vmov s28;
	v13 =	vnsel vm4, $0x0, v11  }
0x255: {  	[tilespmem:$0x11680] =	vst v4;
	s29 =	simm.s32 $0x1;
	(xrf0) =	vadd.scan.msk.s32 $0xffff, v13;
	v13 =	vnsel vm4, $0x0, v12;
	vm4 =	veq.s32 v14, v1  }
0x256: {  	[tilespmem:$0x11880] =	vst v0;
	v14 =	vmov s29;
	(xrf0) =	vadd.scan.msk.s32 $0xffff, v13;
	v13 =	vnsel vm4, $0x0, v11  }
0x257: {  	[tilespmem:$0x11490] =	vst v3;
	(xrf0) =	vadd.scan.msk.s32 $0xffff, v13;
	v13 =	vnsel vm4, $0x0, v12;
	vm4 =	veq.s32 v14, v1  }
0x258: {  	[tilespmem:$0x11690] =	vst v4;
	(xrf0) =	vadd.scan.msk.s32 $0xffff, v13;
	v13 =	vnsel vm4, $0x0, v11  }
0x259: {  	[tilespmem:$0x11890] =	vst v0  }
0x25a: {  	[tilespmem:$0x114A0] =	vst v3  }
0x25b: {  	[tilespmem:$0x116A0] =	vst v4;
	s30 =	simm.s32 $0x2;
	(xrf0) =	vadd.scan.msk.s32 $0xffff, v13;
	v13, _, _ =	vpop (xrf0)  }
0x25c: {  	[tilespmem:$0x118A0] =	vst v0;
	v14, _, _ =	vpop (xrf0);
	(v2sf) =	vpush v13, $0xF;
	v13 =	vmov s30  }
0x25d: {  	[tilespmem:$0x114B0] =	vst v3;
	v15 =	vnsel vm4, $0x0, v12;
	(v2sf) =	vpush v14, $0xF;
	v14, _, _ =	vpop (xrf0);
	vm4 =	veq.s32 v13, v1  }
0x25e: {  	[tilespmem:$0x116B0] =	vst v4;
	s31 =	spop (v2sf);
	(v2sf) =	vpush v14, $0xF;
	v14 =	vnsel vm4, $0x0, v11  }
0x25f: {  	[tilespmem:$0x118B0] =	vst v0  }
0x260: {  	[tilespmem:$0x114C0] =	vst v3;
	(xrf0) =	vadd.scan.msk.s32 $0xffff, v15;
	v13, _, _ =	vpop (xrf0)  }
0x261: {  	[tilespmem:$0x116C0] =	vst v4;
	(xrf0) =	vadd.scan.msk.s32 $0xffff, v14;
	(v2sf) =	vpush v13, $0xF;
	v14, _, _ =	vpop (xrf0)  }
0x262: {  	[tilespmem:$0x118C0] =	vst v0;
	s6 =	spop (v2sf);
	(v2sf) =	vpush v14, $0xF  }
0x263: {  	[tilespmem:$0x114D0] =	vst v3  }
0x264: {  	[tilespmem:$0x116D0] =	vst v4  }
0x265: {  	[tilespmem:$0x118D0] =	vst v0  }
0x266: {  	[tilespmem:$0x114E0] =	vst v3  }
0x267: {  	[tilespmem:$0x116E0] =	vst v4  }
0x268: {  	[tilespmem:$0x118E0] =	vst v0;
	s5 =	sand.u32 $0x10, s24  }
0x269: {  	[tilespmem:$0x114F0] =	vst v3;
	s0 =	ssub.s32 s31, s5  }
0x26a: {  	[tilespmem:$0x116F0] =	vst v4;
	v15 =	vmov s0  }
0x26b: {  	[tilespmem:$0x118F0] =	vst v0;
	s1 =	simm.s32 $0x5;
	s0 =	simm.s32 $0x11100;
	v13 =	vnsel vm4, $0x0, v12;
	vm4 =	vgt.s32 v15, v1;
	s5 =	sadd.s32 s5, s6  }
.LBB2_17:
0x26c: {  	s6 =	sshrl.u32 s1, $0x1;
	p2 =	sne.s32 s1, $0x1F;
	s1 =	sadd.s32 $0x1, s1;
	(xrf0) =	vadd.scan.msk.s32 $0xffff, v13;
	v13, _, _ =	vpop (xrf0);
	v14 =	vld [tilespmem:s0+$0x0];
	v15 =	vadd.s32 s5, v1  }
.Ltmp11:
0x26d: {  	s24 =	sadd.s32 $0x10, s24;
	v16 =	vmov s6;
	(v2sf) =	vpush v13, $0xF;
	(pc) =	sbr.rel @p2 .LBB2_17-.Ltmp11, $4  }
0x26e: {  	s5 =	sand.u32 $0x10, s24;
	vm5 =	veq.s32 v16, v1;
	s6 =	spop (v2sf)  }
0x26f: {  	v13 =	vnsel vm5, $0x0, v11;
	s6 =	ssub.s32 s6, s5  }
0x270: {  	(xrf0) =	vadd.scan.msk.s32 $0xffff, v13;
	v16, _, _ =	vpop (xrf0);
	v17 =	vmov s6;
	s6 =	spop (v2sf)  }
0x271: {  	s0 =	sadd.s32 $0x10, s0;
	v13 =	vnsel vm5, $0x0, v12;
	(v2sf) =	vpush v16, $0xF;
	s5 =	sadd.s32 s5, s6;
	[tilespmem:v15+s12+$0x0] =	vst.idx.msk vm4, v14;
	vm4 =	vgt.s32 v17, v1  }
0x272: {  	(xrf0) =	vadd.scan.msk.s32 $0xffff, v13;
	_ =	sdelay $0x3  }
0x273: {  	v11, _, _ =	vpop (xrf0);
	v12 =	vld [tilespmem:s0+$0x0];
	v60 =	vadd.s32 s5, v1  }
0x274: {  	s1 =	sadd.s32 $0x10, s24;
	s6 =	spop (v2sf);
	(v2sf) =	vpush v11, $0xF;
	v11, _, _ =	vpop (xrf0)  }
0x275: {  	s8 =	sand.u32 $0x10, s1;
	s9 =	spop (v2sf);
	(v2sf) =	vpush v11, $0xF;
	v11, _, _ =	vpop (xrf0)  }
0x276: {  	s6 =	ssub.s32 s6, s8;
	(v2sf) =	vpush v11, $0xF  }
0x277: {  	s23 =	spop (v2sf);
	v14 =	vmov s6;
	(v2sf) =	vpush v10, $0xF  }
0x278: {  	s17 =	sadd.s32 $0x10, s0;
	s5 =	sadd.s32 s8, s9;
	vm5 =	vgt.s32 v14, v1;
	[tilespmem:v60+s12+$0x0] =	vst.idx.msk vm4, v12  }
0x279: {  	v61 =	vadd.s32 s5, v1;
	v12 =	vld [tilespmem:s17+$0x0]  }
0x27a: {  	s1 =	sadd.s32 $0x10, s1  }
0x27b: {  	s19 =	sand.u32 $0x10, s1  }
0x27c: {  	s6 =	ssub.s32 s23, s19  }
0x27d: {  	v10 =	vmov s6;
	s24 =	spop (v2sf)  }
0x27e: {  	s0 =	sadd.s32 $0x10, s17;
	vm13 =	vgt.s32 v10, v1;
	s5 =	sadd.s32 s19, s24;
	[tilespmem:v61+s12+$0x0] =	vst.idx.msk vm5, v12  }
0x27f: {  	v10 =	vld [tilespmem:s0+$0x0];
	v11 =	vadd.s32 s5, v1  }
0x280: {  	s1 =	sadd.s32 $0x10, s1  }
0x281: {  	s25 =	sand.u32 $0x10, s1;
	s26 =	spop (v2sf)  }
0x282: {  	s6 =	ssub.s32 s26, s25  }
0x283: {  	v62 =	vmov s6;
	s28 =	spop (v2sf)  }
0x284: {  	s0 =	sadd.s32 $0x10, s0;
	vm14 =	vgt.s32 v62, v1;
	s5 =	sadd.s32 s25, s28;
	[tilespmem:v11+s12+$0x0] =	vst.idx.msk vm13, v10;
	s29 =	spop (v2sf)  }
0x285: {  	v10 =	vld [tilespmem:s0+$0x0];
	v11 =	vadd.s32 s5, v1;
	s30 =	spop (v2sf)  }
0x286: {  	s1 =	sadd.s32 $0x10, s1;
	s24 =	spop (v2sf)  }
0x287: {  	s1 =	sand.u32 $0x10, s1;
	p1 =	slt.s32 s24, $0x200  }
0x288: {  	s5 =	ssub.s32 s29, s1;
	s24 =	simm.s32 @!p1 $0x200  }
0x289: {  	v63 =	vmov s5;
	s31 =	sadd.s32 $0xF, s24  }
0x28a: {  	s0 =	sadd.s32 $0x10, s0;
	vm15 =	vgt.s32 v63, v1;
	s1 =	sadd.s32 s1, s30;
	[tilespmem:v11+s12+$0x0] =	vst.idx.msk vm14, v10;
	s23 =	sshra.s32 s31, $0x4  }
0x28b: {  	v10 =	vld [tilespmem:s0+$0x0];
	v11 =	vadd.s32 s1, v1;
	p1 =	slt.s32 s23, $0x1  }
.Ltmp12:
0x28c: {  	_ = 	snop;
	(pc) =	sbr.rel @p1 .LBB2_25-.Ltmp12, $2  }
0x28d: {  	_ =	sdelay $0x2  }
0x28e: {  	p2 =	sne.s32 s23, $0x1;
	[tilespmem:v11+s12+$0x0] =	vst.idx.msk vm15, v10  }
.Ltmp13:
0x28f: {  	(pc) =	sbr.rel @!p2 .LBB2_20-.Ltmp13, $3  }
0x290: {  	_ =	sdelay $0x1  }
0x291: {  	s1 =	simm.s32 $0x11500  }
0x292: {  	v10 =	vmov s22;
	s0 =	simm.s32 $0x11300;
	p3 =	por $0x0, $0x0;
	v11 =	vld [tilespmem:s1+$0x0];
	s1 =	sadd.s32 $0xFFFFFFFF, s23  }
0x293: {  	_ =	sdelay $0x3  }
0x294: {  	vm4 =	vlt.s32 v11, $0x8000  }
0x295: {  	v11 =	vnsel vm4, $0x0, v11  }
0x296: {  	v11 =	vadd.s32 v10, v11;
	_ =	sdelay $0x4  }
0x297: {  	v11 =	vld.idx.msk [tilespmem:v11+s3+$0x0], $0xffff;
	_ =	sdelay $0x3  }
0x298: {  	p1 =	sne.s32 s1, $0x1  }
.Ltmp14:
0x299: {  	vm5 =	vlt.s32 v11, $0x0;
	v12 =	vxor.u32 $0x7FFFFFFF, v11;
	(pc) =	sbr.rel @!p1 .LBB2_22-.Ltmp14, $4  }
0x29a: {  	v11 =	vsel vm5, v12, v11  }
0x29b: {  	v11 =	vnsel vm4, $0x80000000, v11  }
0x29c: {  	s5 =	simm.s32 $0x11510;
	[tilespmem:s0+$0x0] =	vst v11  }
0x29d: {  	s6 =	sadd.s32 $0xFFFFFFFF, s1;
	p3 =	por $0x1, $0x1;
	s1 =	simm.s32 $0x11300;
	v11 =	vld [tilespmem:s5+$0x0]  }
.LBB2_23:
0x29e: {  	p4 =	sne.s32 s6, $0x1;
	_ =	sdelay $0x3  }
0x29f: {  	vm4 =	vlt.s32 v11, $0x8000  }
0x2a0: {  	v11 =	vnsel vm4, $0x0, v11  }
0x2a1: {  	v11 =	vadd.s32 v10, v11;
	_ =	sdelay $0x4  }
0x2a2: {  	v11 =	vld.idx.msk [tilespmem:v11+s3+$0x0], $0xffff;
	_ =	sdelay $0x5  }
.Ltmp15:
0x2a3: {  	vm5 =	vlt.s32 v11, $0x0;
	v12 =	vxor.u32 $0x7FFFFFFF, v11;
	(pc) =	sbr.rel @p4 .LBB2_23-.Ltmp15, $4  }
0x2a4: {  	v11 =	vsel vm5, v12, v11  }
0x2a5: {  	s1 =	sadd.s32 $0x10, s1;
	v11 =	vnsel vm4, $0x80000000, v11  }
0x2a6: {  	s5 =	sadd.s32 $0x10, s5;
	[tilespmem:s1+$0x0] =	vst v11  }
0x2a7: {  	s6 =	sadd.s32 $0xFFFFFFFF, s6;
	v11 =	vld [tilespmem:s5+$0x0]  }
.LBB2_24:
0x2a8: {  	_ =	sdelay $0x3  }
0x2a9: {  	vm4 =	vlt.s32 v11, $0x8000  }
0x2aa: {  	v11 =	vnsel vm4, $0x0, v11  }
0x2ab: {  	v10 =	vadd.s32 v10, v11;
	_ =	sdelay $0x4  }
0x2ac: {  	v10 =	vld.idx.msk [tilespmem:v10+s3+$0x0], $0xffff;
	_ =	sdelay $0x4  }
0x2ad: {  	vm5 =	vlt.s32 v10, $0x0;
	v11 =	vxor.u32 $0x7FFFFFFF, v10  }
0x2ae: {  	s1 =	sadd.s32 @p3 $0x10, s1;
	v10 =	vsel vm5, v11, v10  }
0x2af: {  	s0 =	smov.u32 @p3 s1;
	v10 =	vnsel vm4, $0x80000000, v10  }
0x2b0: {  	[tilespmem:s0+$0x0] =	vst v10  }
.LBB2_25:
0x2b1: {  	s0 =	sadd.s32 $0x3, s24  }
0x2b2: {  	s22 =	sshra.s32 s0, $0x2  }
0x2b3: {  	p1 =	sgt.s32 s22, $0x0  }
.Ltmp16:
0x2b4: {  	_ = 	snop;
	(pc) =	sbr.rel @!p1 .LBB2_32-.Ltmp16, $1  }
0x2b5: {  	_ =	sdelay $0x3  }
.Ltmp17:
0x2b6: {  	(pc) =	sbr.rel .LBB2_27-.Ltmp17, $3  }
0x2b7: {  	_ =	sdelay $0x1  }
0x2b8: {  	s0 =	sadd.s32 $0x3, s23  }
0x2b9: {  	s26 =	simm.s32 $0x0;
	s25 =	sshra.s32 s0, $0x2  }
.LBB2_30:
0x2ba: {  	vm0 =	veq.s32 v15, v18;
	vm1 =	vlt.s32 v16, v19;
	v10 =	vadd.s32 v26, v28  }
0x2bb: {  	vm0 =	vmand vm0, vm1;
	v10 =	vadd.s32 v24, v10  }
0x2bc: {  	v12 =	vadd.s32 v21, v27;
	v11 =	vsel vm0, $0x1, v0;
	v10 =	vadd.s32 v22, v10  }
0x2bd: {  	v11 =	vadd.s32 v11, v12;
	[tilespmem:s30+$0xFFFFFFF0] =	vst v10;
	v10 =	vadd.s32 v20, v25  }
0x2be: {  	v11 =	vadd.s32 v23, v11;
	[tilespmem:s30+$0x0] =	vst v10  }
0x2bf: {  	[tilespmem:s30+$0xFFFFFFE0] =	vst v11  }
.LBB2_31:
0x2c0: {  	s26 =	sadd.s32 $0x1, s26  }
0x2c1: {  	p1 =	seq.s32 s26, s22  }
.Ltmp18:
0x2c2: {  	_ = 	snop;
	(pc) =	sbr.rel @p1 .LBB2_32-.Ltmp18, $1  }
0x2c3: {  	_ =	sdelay $0x3  }
.LBB2_27:
0x2c4: {  	p1 =	slt.s32 s25, $0x1  }
.Ltmp19:
0x2c5: {  	_ = 	snop;
	(pc) =	sbr.rel @p1 .LBB2_31-.Ltmp19, $1  }
0x2c6: {  	_ =	sdelay $0x3  }
0x2c7: {  	s0 =	sshll.u32 s26, $0x2  }
0x2c8: {  	p1 =	slt.s32 s0, $0x1FF;
	s1 =	smov.u32 s0  }
0x2c9: {  	s5 =	sor.u32 $0x1, s0;
	s1 =	simm.s32 @!p1 $0x1FF  }
0x2ca: {  	p1 =	slt.s32 s5, $0x1FF;
	v10 =	vmov s1  }
0x2cb: {  	s28 =	simm.s32 $0x11320;
	p3 =	slt.s32 s5, s24;
	s5 =	simm.s32 @!p1 $0x1FF  }
0x2cc: {  	v22 =	vld [tilespmem:s28+$0x0];
	s1 =	sor.u32 $0x2, s0;
	v11 =	vmov s5  }
0x2cd: {  	v18 =	vld [tilespmem:s28+$0xFFFFFFE0];
	p1 =	slt.s32 s1, $0x1FF;
	s5 =	sshllo.u32 s26, $0x2  }
0x2ce: {  	v23 =	vld [tilespmem:s28+$0x10];
	p4 =	slt.s32 s1, s24;
	s1 =	simm.s32 @!p1 $0x1FF;
	p1 =	slt.s32 s5, $0x1FF  }
0x2cf: {  	p5 =	slt.s32 s5, s24;
	v12 =	vmov s1;
	s5 =	simm.s32 @!p1 $0x1FF;
	v13 =	vld.idx.msk [tilespmem:v10+s13+$0x0], $0xffff  }
0x2d0: {  	v14 =	vld.idx.msk [tilespmem:v10+s12+$0x0], $0xffff;
	v10 =	vmov s5  }
0x2d1: {  	v15 =	vld.idx.msk [tilespmem:v11+s13+$0x0], $0xffff  }
0x2d2: {  	s29 =	simm.s32 $0x11520;
	v16 =	vld.idx.msk [tilespmem:v11+s12+$0x0], $0xffff  }
0x2d3: {  	v28 =	vld [tilespmem:s29+$0x0]  }
0x2d4: {  	v17 =	vld.idx.msk [tilespmem:v12+s13+$0x0], $0xffff  }
0x2d5: {  	p1 =	slt.s32 s0, s24;
	v20 =	vld.idx.msk [tilespmem:v10+s13+$0x0], $0xffff  }
0x2d6: {  	v21 =	vld.idx.msk [tilespmem:v10+s12+$0x0], $0xffff;
	v10 =	vpsel !p1, $0x80000000, v13;
	v11 =	vpsel !p1, $0x40000000, v14  }
0x2d7: {  	v19 =	vld.idx.msk [tilespmem:v12+s12+$0x0], $0xffff;
	v12 =	vpsel !p3, $0x80000000, v15;
	v13 =	vpsel !p3, $0x40000000, v16;
	vm4 =	vgt.s32 v10, v22  }
0x2d8: {  	vm1 =	vgt.s32 v10, v18;
	vm8 =	vgt.s32 v10, v23;
	vm11 =	veq.s32 v10, v22  }
0x2d9: {  	vm3 =	vlt.s32 v11, v28;
	vm5 =	veq.s32 v12, v22;
	vm0 =	vgt.s32 v12, v22  }
0x2da: {  	vm7 =	vgt.s32 v12, v18;
	v27 =	vsel vm8, $0x1, v0;
	vm8 =	vgt.s32 v12, v23  }
0x2db: {  	vm9 =	veq.s32 v12, v23;
	v29 =	vsel vm1, $0x1, v0;
	vm3 =	vmand vm11, vm3  }
0x2dc: {  	v14 =	vpsel !p4, $0x80000000, v17;
	v17 =	vpsel !p4, $0x40000000, v19;
	v25 =	vsel vm0, $0x1, v0  }
0x2dd: {  	v26 =	vsel vm7, $0x1, v0;
	vm7 =	veq.s32 v12, v18;
	vm0 =	vlt.s32 v13, v28  }
0x2de: {  	v33 =	vsel vm8, $0x1, v0;
	vm6 =	vgt.s32 v14, v22;
	vm10 =	vgt.s32 v14, v23  }
0x2df: {  	vm15 =	veq.s32 v14, v22;
	vm11 =	vlt.s32 v17, v28;
	vm1 =	veq.s32 v14, v23  }
0x2e0: {  	vm0 =	vmand vm5, vm0;
	v26 =	vadd.s32 v29, v26;
	v15 =	vpsel !p5, $0x80000000, v20  }
0x2e1: {  	v19 =	vld [tilespmem:s29+$0xFFFFFFE0];
	v16 =	vpsel !p5, $0x40000000, v21;
	v21 =	vsel vm4, $0x1, v0;
	v24 =	vsel vm6, $0x1, v0  }
0x2e2: {  	v20 =	vld [tilespmem:s29+$0x10];
	vm6 =	veq.s32 v14, v18;
	v32 =	vsel vm0, $0x1, v0;
	vm12 =	vgt.s32 v15, v22  }
0x2e3: {  	vm4 =	veq.s32 v15, v23;
	v21 =	vadd.s32 v21, v25;
	v25 =	vsel vm10, $0x1, v0  }
0x2e4: {  	vm5 =	vlt.s32 v16, v28;
	v31 =	vsel vm12, $0x1, v0;
	vm12 =	veq.s32 v15, v22  }
0x2e5: {  	v22 =	vsel vm3, $0x1, v0;
	vm3 =	vgt.s32 v15, v23;
	v21 =	vadd.s32 v24, v21  }
0x2e6: {  	vm10 =	vlt.s32 v11, v19;
	v21 =	vadd.s32 v31, v21;
	v31 =	vsel vm3, $0x1, v0  }
0x2e7: {  	v22 =	vadd.s32 v22, v21;
	vm2 =	vlt.s32 v13, v20;
	vm14 =	vlt.s32 v17, v20  }
0x2e8: {  	v35 =	vld [tilespmem:s28+$0xFFFFFFF0];
	vm8 =	vlt.s32 v16, v20;
	v22 =	vadd.s32 v32, v22;
	vm13 =	vmand vm9, vm2  }
0x2e9: {  	vm9 =	vlt.s32 v11, v20;
	vm2 =	vgt.s32 v15, v18;
	vm1 =	vmand vm1, vm14  }
0x2ea: {  	v20 =	vadd.s32 v27, v33;
	vm14 =	veq.s32 v10, v18;
	v30 =	vsel vm13, $0x1, v0  }
0x2eb: {  	vm13 =	vlt.s32 v17, v19;
	v24 =	vsel vm2, $0x1, v0;
	v20 =	vadd.s32 v25, v20  }
0x2ec: {  	vm6 =	vmand vm6, vm13;
	vm13 =	vmand vm15, vm11;
	vm15 =	vlt.s32 v13, v19  }
0x2ed: {  	v62 =	vld [tilespmem:s29+$0xFFFFFFF0];
	v20 =	vadd.s32 v31, v20;
	vm11 =	vgt.s32 v10, v35;
	v29 =	vsel vm13, $0x1, v0  }
0x2ee: {  	vm0 =	vmand vm7, vm15;
	vm7 =	vgt.s32 v14, v18;
	vm13 =	veq.s32 v10, v23  }
0x2ef: {  	vm15 =	vmand vm14, vm10;
	vm10 =	vmand vm4, vm8;
	vm14 =	veq.s32 v12, v35  }
0x2f0: {  	v28 =	vsel vm0, $0x1, v0;
	vm0 =	vmand vm13, vm9;
	v23 =	vsel vm7, $0x1, v0  }
0x2f1: {  	vm7 =	vmand vm12, vm5;
	v25 =	vsel vm15, $0x1, v0;
	v29 =	vadd.s32 v29, v22  }
0x2f2: {  	vm12 =	veq.s32 v10, v35;
	vm13 =	vgt.s32 v12, v35;
	vm15 =	vlt.s32 v13, v62  }
0x2f3: {  	v22 =	vsel vm11, $0x1, v0;
	vm9 =	vgt.s32 v14, v35;
	vm11 =	vgt.s32 v15, v35  }
0x2f4: {  	v27 =	vsel vm0, $0x1, v0;
	v34 =	vsel vm7, $0x1, v0;
	v21 =	vadd.s32 v23, v26  }
0x2f5: {  	v23 =	vsel vm1, $0x1, v0;
	v26 =	vsel vm10, $0x1, v0;
	vm0 =	vlt.s32 v11, v62  }
0x2f6: {  	vm1 =	vlt.s32 v16, v62;
	vm10 =	veq.s32 v14, v35;
	v31 =	vsel vm11, $0x1, v0  }
0x2f7: {  	v24 =	vadd.s32 v24, v21;
	v20 =	vadd.s32 v27, v20;
	v21 =	vsel vm6, $0x1, v0  }
0x2f8: {  	s30 =	simm.s32 $0x11720;
	vm0 =	vmand vm12, vm0;
	vm12 =	vmand vm14, vm15;
	v20 =	vadd.s32 v30, v20  }
0x2f9: {  	v27 =	vld [tilespmem:s30+$0x10];
	vm14 =	veq.s32 v15, v35;
	v25 =	vadd.s32 v25, v24;
	v20 =	vadd.s32 v23, v20  }
0x2fa: {  	p1 =	sne.s32 s25, $0x1;
	v24 =	vsel vm9, $0x1, v0;
	v23 =	vadd.s32 v26, v20;
	v20 =	vsel vm13, $0x1, v0  }
.Ltmp20:
0x2fb: {  	v30 =	vsel vm0, $0x1, v0;
	vm13 =	vlt.s32 v17, v62;
	v22 =	vadd.s32 v22, v20;
	(pc) =	sbr.rel @!p1 .LBB2_30-.Ltmp20, $4  }
0x2fc: {  	v63 =	vsel vm12, $0x1, v0;
	vm0 =	vmand vm10, vm13;
	v24 =	vadd.s32 v24, v22  }
0x2fd: {  	vm15 =	vmand vm14, vm1;
	v22 =	vld [tilespmem:s30+$0xFFFFFFF0];
	v26 =	vsel vm0, $0x1, v0;
	v31 =	vadd.s32 v31, v24  }
0x2fe: {  	v20 =	vld [tilespmem:s30+$0x0];
	v24 =	vsel vm15, $0x1, v0;
	v30 =	vadd.s32 v30, v31;
	v31 =	vadd.s32 v27, v23  }
0x2ff: {  	s31 =	sadd.s32 $0xFFFFFFFF, s25;
	s1 =	simm.s32 $0x11720;
	v23 =	vld [tilespmem:s30+$0xFFFFFFE0];
	v27 =	vadd.s32 v28, v25;
	v25 =	vadd.s32 v34, v29;
	v28 =	vadd.s32 v63, v30;
	[tilespmem:s30+$0x10] =	vst v31  }
.LBB2_29:
0x300: {  	vm0 =	veq.s32 v15, v18;
	vm1 =	vlt.s32 v16, v19;
	v18 =	vadd.s32 v26, v28;
	s1 =	sadd.s32 $0x40, s1;
	s29 =	sadd.s32 $0x40, s29;
	s28 =	sadd.s32 $0x40, s28  }
0x301: {  	p3 =	sne.s32 s31, $0x1;
	s31 =	sadd.s32 $0xFFFFFFFF, s31;
	vm0 =	vmand vm0, vm1;
	v18 =	vadd.s32 v24, v18  }
0x302: {  	v21 =	vadd.s32 v21, v27;
	v19 =	vsel vm0, $0x1, v0;
	v18 =	vadd.s32 v22, v18  }
0x303: {  	v19 =	vadd.s32 v19, v21;
	[tilespmem:s30+$0xFFFFFFF0] =	vst v18;
	v18 =	vadd.s32 v20, v25  }
0x304: {  	v19 =	vadd.s32 v23, v19;
	[tilespmem:s30+$0x0] =	vst v18  }
0x305: {  	[tilespmem:s30+$0xFFFFFFE0] =	vst v19;
	s30 =	smov.u32 s1  }
0x306: {  	v20 =	vld [tilespmem:s28+$0x0]  }
0x307: {  	v18 =	vld [tilespmem:s28+$0xFFFFFFE0]  }
0x308: {  	v21 =	vld [tilespmem:s28+$0x10]  }
0x309: {  	v19 =	vld [tilespmem:s29+$0xFFFFFFE0]  }
0x30a: {  	v22 =	vld [tilespmem:s29+$0x0]  }
0x30b: {  	v23 =	vld [tilespmem:s29+$0x10];
	vm0 =	vgt.s32 v10, v20;
	vm6 =	veq.s32 v12, v20;
	vm1 =	vgt.s32 v14, v20  }
0x30c: {  	v24 =	vsel vm0, $0x1, v0;
	vm0 =	vgt.s32 v12, v20;
	v25 =	vsel vm1, $0x1, v0  }
0x30d: {  	vm1 =	vgt.s32 v12, v18;
	vm5 =	veq.s32 v14, v18;
	v26 =	vsel vm0, $0x1, v0  }
0x30e: {  	vm0 =	vgt.s32 v10, v18;
	vm2 =	vgt.s32 v10, v21;
	vm3 =	vgt.s32 v14, v21  }
0x30f: {  	v27 =	vsel vm1, $0x1, v0;
	vm10 =	vgt.s32 v12, v21;
	v28 =	vsel vm2, $0x1, v0  }
0x310: {  	vm7 =	veq.s32 v12, v18;
	vm1 =	veq.s32 v10, v20;
	vm2 =	veq.s32 v12, v21  }
0x311: {  	v29 =	vsel vm0, $0x1, v0;
	vm0 =	vgt.s32 v15, v20;
	vm4 =	vlt.s32 v13, v23  }
0x312: {  	vm13 =	vlt.s32 v17, v23;
	vm2 =	vmand vm2, vm4;
	vm4 =	veq.s32 v15, v21  }
0x313: {  	vm14 =	veq.s32 v14, v20;
	vm8 =	vlt.s32 v11, v23;
	v30 =	vsel vm2, $0x1, v0  }
0x314: {  	v24 =	vadd.s32 v24, v26;
	v26 =	vsel vm3, $0x1, v0;
	vm2 =	vlt.s32 v17, v19  }
0x315: {  	vm9 =	veq.s32 v15, v20;
	vm11 =	vlt.s32 v11, v19;
	v31 =	vsel vm0, $0x1, v0  }
0x316: {  	vm12 =	vgt.s32 v15, v18;
	vm0 =	vlt.s32 v11, v22;
	vm3 =	vlt.s32 v13, v22  }
0x317: {  	vm15 =	veq.s32 v14, v21;
	vm0 =	vmand vm1, vm0;
	vm1 =	vlt.s32 v17, v22  }
0x318: {  	v32 =	vsel vm0, $0x1, v0;
	vm0 =	vmand vm6, vm3;
	vm5 =	vmand vm5, vm2  }
0x319: {  	vm6 =	vgt.s32 v15, v21;
	v33 =	vsel vm0, $0x1, v0;
	vm0 =	vmand vm14, vm1  }
0x31a: {  	v20 =	vsel vm10, $0x1, v0;
	v27 =	vadd.s32 v29, v27;
	v29 =	vsel vm0, $0x1, v0  }
0x31b: {  	vm1 =	vlt.s32 v16, v22;
	vm0 =	vlt.s32 v13, v19;
	vm2 =	vlt.s32 v16, v23  }
0x31c: {  	vm3 =	vgt.s32 v14, v18;
	vm0 =	vmand vm7, vm0;
	vm7 =	vmand vm15, vm13  }
0x31d: {  	v34 =	vsel vm0, $0x1, v0;
	vm0 =	veq.s32 v10, v21;
	v21 =	vadd.s32 v28, v20  }
0x31e: {  	vm10 =	veq.s32 v10, v18;
	v22 =	vadd.s32 v25, v24;
	vm0 =	vmand vm0, vm8;
	v20 =	vld [tilespmem:s1+$0x0]  }
0x31f: {  	v23 =	vsel vm3, $0x1, v0;
	v22 =	vadd.s32 v31, v22;
	vm8 =	vmand vm10, vm11  }
0x320: {  	v24 =	vsel vm12, $0x1, v0;
	vm1 =	vmand vm9, vm1;
	v21 =	vadd.s32 v26, v21  }
0x321: {  	v28 =	vsel vm6, $0x1, v0;
	v25 =	vsel vm8, $0x1, v0;
	v26 =	vsel vm0, $0x1, v0  }
0x322: {  	v35 =	vsel vm1, $0x1, v0;
	v22 =	vadd.s32 v32, v22;
	vm0 =	vmand vm4, vm2;
	v31 =	vld [tilespmem:s29+$0xFFFFFFF0]  }
0x323: {  	v23 =	vadd.s32 v23, v27;
	v27 =	vsel vm7, $0x1, v0;
	v21 =	vadd.s32 v28, v21;
	v32 =	vld [tilespmem:s28+$0xFFFFFFF0]  }
0x324: {  	v23 =	vadd.s32 v24, v23;
	v24 =	vsel vm0, $0x1, v0;
	v26 =	vadd.s32 v26, v21  }
0x325: {  	v22 =	vadd.s32 v33, v22;
	v21 =	vsel vm5, $0x1, v0;
	v26 =	vadd.s32 v30, v26  }
0x326: {  	v29 =	vadd.s32 v29, v22;
	v25 =	vadd.s32 v25, v23;
	v22 =	vadd.s32 v27, v26  }
0x327: {  	v23 =	vadd.s32 v24, v22;
	vm0 =	vlt.s32 v11, v31;
	vm4 =	vlt.s32 v16, v31  }
0x328: {  	vm1 =	vgt.s32 v10, v32;
	vm2 =	veq.s32 v10, v32;
	vm3 =	vgt.s32 v12, v32  }
0x329: {  	vm5 =	vlt.s32 v13, v31;
	v22 =	vsel vm3, $0x1, v0;
	vm3 =	veq.s32 v12, v32  }
0x32a: {  	vm6 =	veq.s32 v14, v32;
	v24 =	vsel vm1, $0x1, v0;
	vm1 =	vgt.s32 v14, v32  }
0x32b: {  	vm0 =	vmand vm2, vm0;
	v26 =	vsel vm1, $0x1, v0;
	vm1 =	vgt.s32 v15, v32;
	v27 =	vld [tilespmem:s1+$0x10]  }
0x32c: {  	v28 =	vsel vm0, $0x1, v0;
	vm0 =	vmand vm3, vm5;
	v30 =	vsel vm1, $0x1, v0  }
.Ltmp21:
0x32d: {  	v24 =	vadd.s32 v24, v22;
	v33 =	vsel vm0, $0x1, v0;
	vm0 =	vlt.s32 v17, v31;
	(pc) =	sbr.rel @p3 .LBB2_29-.Ltmp21, $4  }
0x32e: {  	vm1 =	veq.s32 v15, v32;
	v24 =	vadd.s32 v26, v24;
	vm0 =	vmand vm6, vm0;
	v22 =	vld [tilespmem:s1+$0xFFFFFFF0]  }
0x32f: {  	v30 =	vadd.s32 v30, v24;
	v26 =	vsel vm0, $0x1, v0;
	vm0 =	vmand vm1, vm4  }
0x330: {  	v28 =	vadd.s32 v28, v30;
	v24 =	vsel vm0, $0x1, v0;
	v30 =	vadd.s32 v27, v23  }
0x331: {  	v28 =	vadd.s32 v33, v28;
	v27 =	vadd.s32 v34, v25;
	v25 =	vadd.s32 v35, v29;
	v23 =	vld [tilespmem:s1+$0xFFFFFFE0];
	[tilespmem:s1+$0x10] =	vst v30  }
.Ltmp22:
0x332: {  	_ = 	snop;
	(pc) =	sbr.rel .LBB2_30-.Ltmp22, $1  }
0x333: {  	_ =	sdelay $0x3  }
.LBB2_32:
0x334: {  	p1 =	sgt.s32 s23, $0x0  }
.Ltmp23:
0x335: {  	_ = 	snop;
	(pc) =	sbr.rel @!p1 .LBB2_39-.Ltmp23, $1  }
0x336: {  	_ =	sdelay $0x3  }
0x337: {  	s5 =	simm.s32 $0x11700  }
.Ltmp24:
0x338: {  	v10 =	vld [tilespmem:s5+$0x0];
	(pc) =	sbr.rel @!p2 .LBB2_34-.Ltmp24, $3  }
0x339: {  	_ =	sdelay $0x1  }
0x33a: {  	s1 =	simm.s32 $0x11300  }
0x33b: {  	s0 =	simm.s32 $0x11500;
	p3 =	por $0x0, $0x0;
	s5 =	sadd.s32 $0xFFFFFFFF, s23  }
0x33c: {  	vm0 =	vlt.s32 v10, $0x32  }
0x33d: {  	v11 =	vld [tilespmem:s1+$0x0];
	_ =	sdelay $0x4  }
0x33e: {  	[tilespmem:v10+s14+$0x0] =	vst.idx.msk vm0, v11  }
0x33f: {  	v11 =	vld [tilespmem:s0+$0x0];
	_ =	sdelay $0x4  }
0x340: {  	p1 =	sne.s32 s5, $0x1;
	s6 =	simm.s32 $0x11710;
	[tilespmem:v10+s15+$0x0] =	vst.idx.msk vm0, v11  }
.Ltmp25:
0x341: {  	v10 =	vld [tilespmem:s6+$0x0];
	(pc) =	sbr.rel @!p1 .LBB2_36-.Ltmp25, $3  }
0x342: {  	_ =	sdelay $0x1  }
0x343: {  	s8 =	sadd.s32 $0xFFFFFFFF, s5  }
0x344: {  	s1 =	simm.s32 $0x11310;
	p3 =	por $0x1, $0x1;
	s5 =	simm.s32 $0x11500  }
.LBB2_37:
0x345: {  	p2 =	sne.s32 s8, $0x1;
	v11 =	vld [tilespmem:s1+$0x0];
	_ =	sdelay $0x3  }
0x346: {  	vm0 =	vlt.s32 v10, $0x32;
	_ =	sdelay $0x5  }
0x347: {  	s5 =	sadd.s32 $0x10, s5;
	[tilespmem:v10+s14+$0x0] =	vst.idx.msk vm0, v11  }
0x348: {  	v11 =	vld [tilespmem:s5+$0x0];
	_ =	sdelay $0x1  }
.Ltmp26:
0x349: {  	(pc) =	sbr.rel @p2 .LBB2_37-.Ltmp26, $3  }
0x34a: {  	_ =	sdelay $0x1  }
0x34b: {  	s6 =	sadd.s32 $0x10, s6;
	[tilespmem:v10+s15+$0x0] =	vst.idx.msk vm0, v11  }
0x34c: {  	s8 =	sadd.s32 $0xFFFFFFFF, s8;
	s1 =	sadd.s32 $0x10, s1;
	v10 =	vld [tilespmem:s6+$0x0]  }
.Ltmp27:
0x34d: {  	_ = 	snop;
	(pc) =	sbr.rel .LBB2_38-.Ltmp27, $1  }
0x34e: {  	_ =	sdelay $0x3  }
.LBB2_20:
.Ltmp28:
0x34f: {  	(pc) =	sbr.rel .LBB2_24-.Ltmp28, $2  }
0x350: {  	_ =	sdelay $0x2  }
0x351: {  	s1 =	simm.s32 $0x11300  }
.LBB2_22:
.Ltmp29:
0x352: {  	(pc) =	sbr.rel .LBB2_24-.Ltmp29, $2  }
0x353: {  	_ =	sdelay $0x2  }
0x354: {  	s1 =	simm.s32 $0x11300  }
.LBB2_36:
.Ltmp30:
0x355: {  	(pc) =	sbr.rel .LBB2_38-.Ltmp30, $2  }
0x356: {  	_ =	sdelay $0x2  }
0x357: {  	s5 =	simm.s32 $0x11500  }
.LBB2_41:
0x358: {  	_ =	sfence.sel $0x180000  }
0x359: {  	[bflag:$0x0] =	sbarrier.arrive $0xFFFF  }
0x35a: {  	_ =	strace $0x90000047  }
0x35b: {  	s0 =	stileid.u32;
	[bflag:$0x2] =	sbarrier.arrive $0xFFFF  }
0x35c: {  	p0 =	sne.s32 s0, $0x0;
	s0 =	rddreg [dreg:$0x2]  }
0x35d: {  	s0 =	sadd.s32 @!p0 $0x100000, s0  }
0x35e: {  	[sflag:s0] =	ssyncadd.tile.s32 @!p0 $0x1;
	_ =	shalt  }
.Lfunc_end2:
_tile_overlayer_lowered:
.L_overlay_start_2:
0x35f: {  	(tag) =	ssettag $0x2  }
0x360: {  	s0 =	rddreg [dreg:$0x0];
	s2 =	stileid.u32  }
0x361: {  	s1 =	rddreg [dreg:$0x1];
	p0 =	sne.s32 s2, $0x0  }
0x362: {  	s3 =	rddreg [dreg:$0x2];
	[bflag:$0x3] =	sbarrier.arrive $0xFFFF;
	s2 =	simm.s32 @!p0 $0x1C02  }
0x363: {  	[timem:s3], [sflag:s2] =	dma.local @!p0 [hbm:s0], s1  }
0x364: {  	s0 =	simm.s32 @!p0 $0x2  }
0x365: {  	_ =	swait.ge @!p0 [sflag:s0], s1  }
0x366: {  	s1 =	ssub.s32 @!p0 $0x0, s1;
	[sflag:s0] =	ssyncset.done @!p0 $0x0  }
0x367: {  	[sflag:s0] =	ssyncadd.s32 @!p0 s1  }
0x368: {  	[bflag:$0x3] =	sbarrier.arrive $0xFFFF  }
0x369: {  	_ =	shalt  }

</sc_bundles>
